<compile_context>
chip_gen: v7x
topology: tpu7x:2x2x1
jax: 0.10.2.dev20260603
libtpu: 0.0.44.dev20260713+nightly
codegen_flags: <defaults>
</compile_context>

<pallas_src>
import jax
import jax.numpy as jnp
from jax import lax
from jax.experimental import pallas as pl
from jax.experimental.pallas import tpu as pltpu
from jax.experimental.pallas import tpu_sc as plsc

N_NODES_ = 10000
D_ = 128
DH = 64
DW = 72
K_ = 32
N_EDGES_ = 320000

CHUNK = 128
NBUF = 4
NCH0 = 152
NCH1 = 8
NCH_REAL = 16 * (NCH0 + NCH1)
NCH_TOT = 2688
EDGES_PAD = NCH_TOT * CHUNK
ROWS = 10240
DUMP_ROW = N_NODES_
ROWS_PER_TILE = ROWS // 16
WB_CHUNK = 128
BR = 512


def _matmul_maxk_body(feat_ref, ws_ref, wn_ref, hself_ref, h0_ref, h1_ref):
    f = feat_ref[...]
    hs = jnp.dot(f, ws_ref[...], preferred_element_type=jnp.float32)
    hn = jnp.dot(f, wn_ref[...], preferred_element_type=jnp.float32)
    hself_ref[...] = hs

    work = hn
    keep = jnp.zeros(hn.shape, dtype=jnp.bool_)
    for _ in range(K_):
        m = jnp.max(work, axis=1, keepdims=True)
        sel = work == m
        keep = jnp.logical_or(keep, sel)
        work = jnp.where(sel, -jnp.inf, work)
    hsp = jnp.where(keep, hn, 0.0)

    pad_cols = lax.broadcasted_iota(jnp.int32, (hn.shape[0], DW - DH), 1)
    ones_zeros = jnp.where(pad_cols == 0, 1.0, 0.0)
    h0_ref[...] = jnp.concatenate([hsp[:, :DH], ones_zeros], axis=1)
    h1_ref[...] = jnp.concatenate([hsp[:, DH:], ones_zeros], axis=1)


def _matmul_maxk(feat_p, w_self, w_neigh):
    return pl.pallas_call(
        _matmul_maxk_body,
        grid=(ROWS // BR,),
        in_specs=[
            pl.BlockSpec((BR, D_), lambda i: (i, 0)),
            pl.BlockSpec((D_, D_), lambda i: (0, 0)),
            pl.BlockSpec((D_, D_), lambda i: (0, 0)),
        ],
        out_specs=[
            pl.BlockSpec((BR, D_), lambda i: (i, 0)),
            pl.BlockSpec((BR, DW), lambda i: (i, 0)),
            pl.BlockSpec((BR, DW), lambda i: (i, 0)),
        ],
        out_shape=[
            jax.ShapeDtypeStruct((ROWS, D_), jnp.float32),
            jax.ShapeDtypeStruct((ROWS, DW), jnp.float32),
            jax.ShapeDtypeStruct((ROWS, DW), jnp.float32),
        ],
        compiler_params=pltpu.CompilerParams(
            dimension_semantics=("arbitrary",),
        ),
    )(feat_p, w_self, w_neigh)


def _sc_aggregate_body(h0_hbm, h1_hbm, src_hbm, dst_hbm, agg_hbm,
                       src_v, dst_v, rows_v, acc_s,
                       sem0, sem1, sem2, sem3):
    sems = [sem0, sem1, sem2, sem3]
    c = lax.axis_index("c")
    s = lax.axis_index("s")
    base = s * ROWS_PER_TILE

    start = jnp.where(c == 0, s * NCH0, 16 * NCH0 + s * NCH1)
    ngrp = jnp.where(c == 0, NCH0 // NBUF, NCH1 // NBUF)
    nch = ngrp * NBUF

    pltpu.sync_copy(src_hbm.at[pl.ds(start, NCH0)], src_v)
    pltpu.sync_copy(dst_hbm.at[pl.ds(start, NCH0)], dst_v)

    for p in range(2):
        h_hbm = h0_hbm if p == 0 else h1_hbm

        def _fill_zero(i, _):
            for j in range(DH // 16):
                rows_v[0, i, pl.ds(j * 16, 16)] = jnp.zeros((16,), jnp.float32)
            rows_v[0, i, pl.ds(DW - 16, 16)] = jnp.zeros((16,), jnp.float32)
            return 0

        lax.fori_loop(0, CHUNK, _fill_zero, 0)

        def _zero_acc(i, _):
            pltpu.sync_copy(rows_v.at[0],
                            acc_s.at[pl.ds(base + i * WB_CHUNK, WB_CHUNK)])
            return 0

        lax.fori_loop(0, ROWS_PER_TILE // WB_CHUNK, _zero_acc, 0)

        for b in range(NBUF):
            pltpu.async_copy(h_hbm.at[src_v.at[b]], rows_v.at[b], sems[b])

        plsc.subcore_barrier()

        def _edge_group(jj, _):
            for b in range(NBUF):
                j = jj * NBUF + b
                pltpu.make_async_copy(
                    h_hbm.at[src_v.at[j]], rows_v.at[b], sems[b]
                ).wait()
                pltpu.sync_copy(rows_v.at[b], acc_s.at[dst_v.at[j]], add=True)
                nj = j + NBUF

                @pl.when(nj < nch)
                def _():
                    pltpu.async_copy(
                        h_hbm.at[src_v.at[nj]], rows_v.at[b], sems[b]
                    )

            return 0

        lax.fori_loop(0, ngrp, _edge_group, 0)

        plsc.subcore_barrier()

        def _writeback(i, _):
            r = base + i * WB_CHUNK
            pltpu.sync_copy(acc_s.at[pl.ds(r, WB_CHUNK)], rows_v.at[0])
            pltpu.sync_copy(rows_v.at[0],
                            agg_hbm.at[c].at[p].at[pl.ds(r, WB_CHUNK)])
            return 0

        lax.fori_loop(0, ROWS_PER_TILE // WB_CHUNK, _writeback, 0)


def _sc_aggregate(h0, h1, src2d, dst2d):
    mesh = plsc.VectorSubcoreMesh(core_axis_name="c", subcore_axis_name="s")
    kern = pl.kernel(
        _sc_aggregate_body,
        mesh=mesh,
        out_type=jax.ShapeDtypeStruct((2, 2, ROWS, DW), jnp.float32),
        scratch_types=[
            pltpu.VMEM((NCH0, CHUNK), jnp.int32),
            pltpu.VMEM((NCH0, CHUNK), jnp.int32),
            pltpu.VMEM((NBUF, CHUNK, DW), jnp.float32),
            pltpu.VMEM_SHARED((ROWS, DW), jnp.float32),
            pltpu.SemaphoreType.DMA,
            pltpu.SemaphoreType.DMA,
            pltpu.SemaphoreType.DMA,
            pltpu.SemaphoreType.DMA,
        ],
        compiler_params=pltpu.CompilerParams(
            needs_layout_passes=False,
            use_tc_tiling_on_sc=False,
        ),
    )
    return kern(h0, h1, src2d, dst2d)


def _combine_body(hself_ref, agg_ref, out_ref):
    a_lo = agg_ref[0, 0, :, :DH] + agg_ref[1, 0, :, :DH]
    a_hi = agg_ref[0, 1, :, :DH] + agg_ref[1, 1, :, :DH]
    a = jnp.concatenate([a_lo, a_hi], axis=1)
    d = agg_ref[0, 0, :, DH:DH + 1] + agg_ref[1, 0, :, DH:DH + 1]
    out_ref[...] = hself_ref[...] + a / jnp.maximum(d, 1.0)


def _combine(h_self, agg):
    return pl.pallas_call(
        _combine_body,
        grid=(ROWS // BR,),
        in_specs=[
            pl.BlockSpec((BR, D_), lambda i: (i, 0)),
            pl.BlockSpec((2, 2, BR, DW), lambda i: (0, 0, i, 0)),
        ],
        out_specs=pl.BlockSpec((BR, D_), lambda i: (i, 0)),
        out_shape=jax.ShapeDtypeStruct((ROWS, D_), jnp.float32),
        compiler_params=pltpu.CompilerParams(
            dimension_semantics=("arbitrary",),
        ),
    )(h_self, agg)


def kernel(feat, edge_index, W_self, W_neigh):
    feat_p = jnp.pad(feat, ((0, ROWS - N_NODES_), (0, 0)))
    h_self, h0, h1 = _matmul_maxk(feat_p, W_self, W_neigh)

    src = edge_index[0]
    dst = edge_index[1]
    pad = EDGES_PAD - N_EDGES_
    src_p = jnp.concatenate([src, jnp.zeros((pad,), jnp.int32)])
    dump = DUMP_ROW + (jnp.arange(pad, dtype=jnp.int32) % (ROWS - N_NODES_))
    dst_p = jnp.concatenate([dst, dump])
    src2d = src_p.reshape(NCH_TOT, CHUNK)
    dst2d = dst_p.reshape(NCH_TOT, CHUNK)

    agg = _sc_aggregate(h0, h1, src2d, dst2d)
    out = _combine(h_self, agg)
    return out[:N_NODES_]

# --- scband reference (transcript-rebuilt; emitter-appended) ---
"""Pipeline reference for scband-max-ksageconv-11768210391445 (READ-ONLY COPY).

The authoritative reference and input builder live on the scoring server;
editing this copy changes nothing except your own understanding.
"""

import jax, jax.numpy as jnp
import numpy as np

N_NODES = 10000
N_EDGES = 320000
D_IN = 128
D_OUT = 128
MAXK = 32


def setup_inputs(seed: int = 0) -> dict:
    key = jax.random.key(seed)
    k1, k2, k3, k4 = jax.random.split(key, 4)
    feat = jax.random.normal(k1, (N_NODES, D_IN), dtype=jnp.float32)
    edge_index = jax.random.randint(k2, (2, N_EDGES), 0, N_NODES, dtype=jnp.int32)
    # xavier-uniform-like init (gain for relu) for the two linear layers (no bias)
    gain = float(np.sqrt(2.0))
    bound = gain * float(np.sqrt(6.0 / (D_IN + D_OUT)))
    W_self = jax.random.uniform(k3, (D_IN, D_OUT), dtype=jnp.float32, minval=-bound, maxval=bound)
    W_neigh = jax.random.uniform(k4, (D_IN, D_OUT), dtype=jnp.float32, minval=-bound, maxval=bound)
    return {"feat": feat, "edge_index": edge_index, "W_self": W_self, "W_neigh": W_neigh}


def _maxk(h, k):
    # top-k per row -> binary mask -> elementwise product (MaxKFunction fallback path)
    _, idx = jax.lax.top_k(h, k)
    rows = jnp.arange(h.shape[0])[:, None]
    mask = jnp.zeros_like(h).at[rows, idx].set(1.0)
    mask = jax.lax.stop_gradient(mask)
    return h * mask


def reference(feat, edge_index, W_self, W_neigh):
    # fc_self / fc_neigh (Linear, bias=False)
    h_self = feat @ W_self
    h_neigh = feat @ W_neigh
    # MaxK nonlinearity on neighbor features
    h_neigh_sparse = _maxk(h_neigh, MAXK)
    # mean aggregation: copy_u('h','m'), mean('m','neigh')
    src = edge_index[0]
    dst = edge_index[1]
    msg = jnp.take(h_neigh_sparse, src, axis=0)
    agg = jax.ops.segment_sum(msg, dst, num_segments=N_NODES)
    deg = jax.ops.segment_sum(jnp.ones((N_EDGES,), dtype=jnp.float32), dst, num_segments=N_NODES)
    deg = jnp.clip(deg, 1.0, None)
    h_neigh_mean = agg / deg[:, None]
    # output = h_self + h_neigh ; norm=None, feat_drop=0.0 -> identity
    out = h_self + h_neigh_mean
    return out

if __name__ == "__main__":
    import jax
    _d = setup_inputs()
    print(jax.jit(kernel)(*tuple(_d.values())))

</pallas_src>

<mosaic_0001>
#map = affine_map<(d0, d1) -> (0, 0)>
#map1 = affine_map<(d0, d1) -> (0, 0, 0, 0)>
module attributes {stable_mosaic.version = 14 : i64} {
  func.func @_sc_aggregate_body(%arg0: i32, %arg1: i32, %arg2: memref<10240x72xf32, #tpu.memory_space<hbm>>, %arg3: memref<10240x72xf32, #tpu.memory_space<hbm>>, %arg4: memref<2688x128xi32, #tpu.memory_space<hbm>>, %arg5: memref<2688x128xi32, #tpu.memory_space<hbm>>, %arg6: memref<2x2x10240x72xf32, #tpu.memory_space<hbm>>, %arg7: memref<152x128xi32, #tpu.memory_space<vmem>>, %arg8: memref<152x128xi32, #tpu.memory_space<vmem>>, %arg9: memref<4x128x72xf32, #tpu.memory_space<vmem>>, %arg10: memref<10240x72xf32, #tpu.memory_space<vmem_shared>>, %arg11: memref<!tpu.dma_semaphore, #tpu.memory_space<semaphore_mem>>, %arg12: memref<!tpu.dma_semaphore, #tpu.memory_space<semaphore_mem>>, %arg13: memref<!tpu.dma_semaphore, #tpu.memory_space<semaphore_mem>>, %arg14: memref<!tpu.dma_semaphore, #tpu.memory_space<semaphore_mem>>) attributes {dimension_semantics = [#tpu.dimension_semantics<core_parallel>, #tpu.dimension_semantics<subcore_parallel>], iteration_bounds = array<i64: 2, 16>, scalar_prefetch = 0 : i64, scratch_operands = 8 : i64, tpu.core_type = #tpu.core_type<sc_vector_subcore>, window_params = [{transform_indices = #map}, {transform_indices = #map}, {transform_indices = #map}, {transform_indices = #map}, {transform_indices = #map1}]} {
    %mul3A = arith.constant 640 : i32
    %mul3A_0 = arith.muli %arg1, %mul3A : i32
    %eq3A = arith.constant 0 : i32
    %eq3A_1 = arith.cmpi eq, %arg0, %eq3A : i32
    %mul3A_2 = arith.constant 152 : i32
    %mul3A_3 = arith.muli %arg1, %mul3A_2 : i32
    %mul3A_4 = arith.constant 8 : i32
    %mul3A_5 = arith.muli %arg1, %mul3A_4 : i32
    %add3A = arith.constant 2432 : i32
    %add3A_6 = arith.addi %add3A, %mul3A_5 : i32
    %select_n3A = arith.select %eq3A_1, %mul3A_3, %add3A_6 : i32
    %eq3A_7 = arith.constant 0 : i32
    %eq3A_8 = arith.cmpi eq, %arg0, %eq3A_7 : i32
    %jit3A = arith.constant 38 : i32
    %jit3A_9 = arith.constant 2 : i32
    %select_n3A_10 = arith.select %eq3A_8, %jit3A, %jit3A_9 : i32
    %mul3A_11 = arith.constant 4 : i32
    %mul3A_12 = arith.muli %select_n3A_10, %mul3A_11 : i32
    "tpu.region"() ({
      %run_scoped3A = tpu.sem_alloc : memref<!tpu.dma_semaphore, #tpu.memory_space<semaphore_mem>>
      %dma_start3A_175 = arith.constant 0 : i32
      %dma_start3A_176 = tpu.memref_slice %arg4[%select_n3A, %dma_start3A_175] : memref<2688x128xi32, #tpu.memory_space<hbm>> -> memref<152x128xi32, #tpu.memory_space<hbm>>
      %dma_start3A_177 = arith.constant 0 : i32
      %dma_start3A_178 = tpu.memref_slice %arg4[%select_n3A, %dma_start3A_177] : memref<2688x128xi32, #tpu.memory_space<hbm>> -> memref<152x128xi32, #tpu.memory_space<hbm>>
      tpu.enqueue_dma source(%dma_start3A_178 : memref<152x128xi32, #tpu.memory_space<hbm>>) target(%arg7 : memref<152x128xi32, #tpu.memory_space<vmem>>) target_semaphore(%run_scoped3A : memref<!tpu.dma_semaphore, #tpu.memory_space<semaphore_mem>>)
      %dma_wait3A = arith.constant 0 : i32
      %dma_wait3A_179 = tpu.memref_slice %arg4[%select_n3A, %dma_wait3A] : memref<2688x128xi32, #tpu.memory_space<hbm>> -> memref<152x128xi32, #tpu.memory_space<hbm>>
      %dma_wait3A_180 = arith.constant 0 : i32
      %dma_wait3A_181 = tpu.memref_slice %arg4[%select_n3A, %dma_wait3A_180] : memref<2688x128xi32, #tpu.memory_space<hbm>> -> memref<152x128xi32, #tpu.memory_space<hbm>>
      tpu.wait_dma2 semaphore(%run_scoped3A : memref<!tpu.dma_semaphore, #tpu.memory_space<semaphore_mem>>) src(%dma_wait3A_181 : memref<152x128xi32, #tpu.memory_space<hbm>>) dst(%arg7 : memref<152x128xi32, #tpu.memory_space<vmem>>)
      tpu.yield
    }) : () -> ()
    "tpu.region"() ({
      %run_scoped3A = tpu.sem_alloc : memref<!tpu.dma_semaphore, #tpu.memory_space<semaphore_mem>>
      %dma_start3A_175 = arith.constant 0 : i32
      %dma_start3A_176 = tpu.memref_slice %arg5[%select_n3A, %dma_start3A_175] : memref<2688x128xi32, #tpu.memory_space<hbm>> -> memref<152x128xi32, #tpu.memory_space<hbm>>
      %dma_start3A_177 = arith.constant 0 : i32
      %dma_start3A_178 = tpu.memref_slice %arg5[%select_n3A, %dma_start3A_177] : memref<2688x128xi32, #tpu.memory_space<hbm>> -> memref<152x128xi32, #tpu.memory_space<hbm>>
      tpu.enqueue_dma source(%dma_start3A_178 : memref<152x128xi32, #tpu.memory_space<hbm>>) target(%arg8 : memref<152x128xi32, #tpu.memory_space<vmem>>) target_semaphore(%run_scoped3A : memref<!tpu.dma_semaphore, #tpu.memory_space<semaphore_mem>>)
      %dma_wait3A = arith.constant 0 : i32
      %dma_wait3A_179 = tpu.memref_slice %arg5[%select_n3A, %dma_wait3A] : memref<2688x128xi32, #tpu.memory_space<hbm>> -> memref<152x128xi32, #tpu.memory_space<hbm>>
      %dma_wait3A_180 = arith.constant 0 : i32
      %dma_wait3A_181 = tpu.memref_slice %arg5[%select_n3A, %dma_wait3A_180] : memref<2688x128xi32, #tpu.memory_space<hbm>> -> memref<152x128xi32, #tpu.memory_space<hbm>>
      tpu.wait_dma2 semaphore(%run_scoped3A : memref<!tpu.dma_semaphore, #tpu.memory_space<semaphore_mem>>) src(%dma_wait3A_181 : memref<152x128xi32, #tpu.memory_space<hbm>>) dst(%arg8 : memref<152x128xi32, #tpu.memory_space<vmem>>)
      tpu.yield
    }) : () -> ()
    %scan3A = arith.constant 0 : i32
    %scan3A_13 = arith.constant 0 : i32
    %scan3A_14 = arith.constant 128 : i32
    %scan3A_15 = arith.addi %scan3A_13, %scan3A_14 : i32
    %scan3A_16 = arith.constant 1 : i32
    %scan3A_17 = scf.for %scan3A_175 = %scan3A_13 to %scan3A_15 step %scan3A_16 iter_args(%scan3A_176 = %scan3A) -> (i32)  : i32 {
      %broadcast_in_dim3A = arith.constant 0.000000e+00 : f32
      %broadcast_in_dim3A_177 = vector.broadcast %broadcast_in_dim3A : f32 to vector<16xf32>
      %swap3A = arith.constant 0 : i32
      %swap3A_178 = arith.index_cast %swap3A : i32 to index
      %swap3A_179 = arith.index_cast %scan3A_175 : i32 to index
      %swap3A_180 = arith.constant 0 : index
      %swap3A_181 = tpu.vector_load %arg9[%swap3A_178, %swap3A_179, %swap3A_180] {strides = array<i32>} : memref<4x128x72xf32, #tpu.memory_space<vmem>>, vector<16xf32>,
      tpu.vector_store %arg9[%swap3A_178, %swap3A_179, %swap3A_180], %broadcast_in_dim3A_177 {strides = array<i32>} : memref<4x128x72xf32, #tpu.memory_space<vmem>>, vector<16xf32>,
      %broadcast_in_dim3A_182 = arith.constant 0.000000e+00 : f32
      %broadcast_in_dim3A_183 = vector.broadcast %broadcast_in_dim3A_182 : f32 to vector<16xf32>
      %swap3A_184 = arith.constant 0 : i32
      %swap3A_185 = arith.index_cast %swap3A_184 : i32 to index
      %swap3A_186 = arith.index_cast %scan3A_175 : i32 to index
      %swap3A_187 = arith.constant 16 : index
      %swap3A_188 = tpu.vector_load %arg9[%swap3A_185, %swap3A_186, %swap3A_187] {strides = array<i32>} : memref<4x128x72xf32, #tpu.memory_space<vmem>>, vector<16xf32>,
      tpu.vector_store %arg9[%swap3A_185, %swap3A_186, %swap3A_187], %broadcast_in_dim3A_183 {strides = array<i32>} : memref<4x128x72xf32, #tpu.memory_space<vmem>>, vector<16xf32>,
      %broadcast_in_dim3A_189 = arith.constant 0.000000e+00 : f32
      %broadcast_in_dim3A_190 = vector.broadcast %broadcast_in_dim3A_189 : f32 to vector<16xf32>
      %swap3A_191 = arith.constant 0 : i32
      %swap3A_192 = arith.index_cast %swap3A_191 : i32 to index
      %swap3A_193 = arith.index_cast %scan3A_175 : i32 to index
      %swap3A_194 = arith.constant 32 : index
      %swap3A_195 = tpu.vector_load %arg9[%swap3A_192, %swap3A_193, %swap3A_194] {strides = array<i32>} : memref<4x128x72xf32, #tpu.memory_space<vmem>>, vector<16xf32>,
      tpu.vector_store %arg9[%swap3A_192, %swap3A_193, %swap3A_194], %broadcast_in_dim3A_190 {strides = array<i32>} : memref<4x128x72xf32, #tpu.memory_space<vmem>>, vector<16xf32>,
      %broadcast_in_dim3A_196 = arith.constant 0.000000e+00 : f32
      %broadcast_in_dim3A_197 = vector.broadcast %broadcast_in_dim3A_196 : f32 to vector<16xf32>
      %swap3A_198 = arith.constant 0 : i32
      %swap3A_199 = arith.index_cast %swap3A_198 : i32 to index
      %swap3A_200 = arith.index_cast %scan3A_175 : i32 to index
      %swap3A_201 = arith.constant 48 : index
      %swap3A_202 = tpu.vector_load %arg9[%swap3A_199, %swap3A_200, %swap3A_201] {strides = array<i32>} : memref<4x128x72xf32, #tpu.memory_space<vmem>>, vector<16xf32>,
      tpu.vector_store %arg9[%swap3A_199, %swap3A_200, %swap3A_201], %broadcast_in_dim3A_197 {strides = array<i32>} : memref<4x128x72xf32, #tpu.memory_space<vmem>>, vector<16xf32>,
      %broadcast_in_dim3A_203 = arith.constant 0.000000e+00 : f32
      %broadcast_in_dim3A_204 = vector.broadcast %broadcast_in_dim3A_203 : f32 to vector<16xf32>
      %swap3A_205 = arith.constant 0 : i32
      %swap3A_206 = arith.index_cast %swap3A_205 : i32 to index
      %swap3A_207 = arith.index_cast %scan3A_175 : i32 to index
      %swap3A_208 = arith.constant 56 : index
      %swap3A_209 = tpu.vector_load %arg9[%swap3A_206, %swap3A_207, %swap3A_208] {strides = array<i32>} : memref<4x128x72xf32, #tpu.memory_space<vmem>>, vector<16xf32>,
      tpu.vector_store %arg9[%swap3A_206, %swap3A_207, %swap3A_208], %broadcast_in_dim3A_204 {strides = array<i32>} : memref<4x128x72xf32, #tpu.memory_space<vmem>>, vector<16xf32>,
      %scan3A_210 = arith.constant 0 : i32
      scf.yield %scan3A_210 : i32
    }
    %scan3A_18 = arith.constant 128 : i32
    %scan3A_19 = arith.constant 0 : i32
    %scan3A_20 = arith.constant 0 : i32
    %scan3A_21 = arith.constant 5 : i32
    %scan3A_22 = arith.addi %scan3A_20, %scan3A_21 : i32
    %scan3A_23 = arith.constant 1 : i32
    %scan3A_24 = scf.for %scan3A_175 = %scan3A_20 to %scan3A_22 step %scan3A_23 iter_args(%scan3A_176 = %scan3A_19) -> (i32)  : i32 {
      %mul3A_177 = arith.constant 128 : i32
      %mul3A_178 = arith.muli %scan3A_175, %mul3A_177 : i32
      %add3A_179 = arith.addi %mul3A_0, %mul3A_178 : i32
      %run_scoped3A = arith.constant 0 : i32
      "tpu.region"() ({
        %run_scoped3A_181 = tpu.sem_alloc : memref<!tpu.dma_semaphore, #tpu.memory_space<semaphore_mem>>
        %dma_start3A_182 = arith.constant 0 : i32
        %dma_start3A_183 = arith.constant 0 : i32
        %dma_start3A_184 = tpu.memref_slice %arg9[%run_scoped3A, %dma_start3A_182, %dma_start3A_183] : memref<4x128x72xf32, #tpu.memory_space<vmem>> -> memref<1x128x72xf32, #tpu.memory_space<vmem>>
        %dma_start3A_185 = tpu.memref_squeeze %dma_start3A_184 : memref<1x128x72xf32, #tpu.memory_space<vmem>> -> memref<128x72xf32, #tpu.memory_space<vmem>>
        %dma_start3A_186 = arith.constant 0 : i32
        %dma_start3A_187 = tpu.memref_slice %arg10[%add3A_179, %dma_start3A_186] : memref<10240x72xf32, #tpu.memory_space<vmem_shared>> -> memref<128x72xf32, #tpu.memory_space<vmem_shared>>
        %dma_start3A_188 = arith.constant 0 : i32
        %dma_start3A_189 = tpu.memref_slice %arg10[%add3A_179, %dma_start3A_188] : memref<10240x72xf32, #tpu.memory_space<vmem_shared>> -> memref<128x72xf32, #tpu.memory_space<vmem_shared>>
        %dma_start3A_190 = arith.constant 0 : i32
        %dma_start3A_191 = arith.constant 0 : i32
        %dma_start3A_192 = tpu.memref_slice %arg9[%run_scoped3A, %dma_start3A_190, %dma_start3A_191] : memref<4x128x72xf32, #tpu.memory_space<vmem>> -> memref<1x128x72xf32, #tpu.memory_space<vmem>>
        %dma_start3A_193 = tpu.memref_squeeze %dma_start3A_192 : memref<1x128x72xf32, #tpu.memory_space<vmem>> -> memref<128x72xf32, #tpu.memory_space<vmem>>
        tpu.enqueue_dma source(%dma_start3A_193 : memref<128x72xf32, #tpu.memory_space<vmem>>) target(%dma_start3A_189 : memref<128x72xf32, #tpu.memory_space<vmem_shared>>) target_semaphore(%run_scoped3A_181 : memref<!tpu.dma_semaphore, #tpu.memory_space<semaphore_mem>>)
        %dma_wait3A = arith.constant 0 : i32
        %dma_wait3A_194 = arith.constant 0 : i32
        %dma_wait3A_195 = tpu.memref_slice %arg9[%run_scoped3A, %dma_wait3A, %dma_wait3A_194] : memref<4x128x72xf32, #tpu.memory_space<vmem>> -> memref<1x128x72xf32, #tpu.memory_space<vmem>>
        %dma_wait3A_196 = tpu.memref_squeeze %dma_wait3A_195 : memref<1x128x72xf32, #tpu.memory_space<vmem>> -> memref<128x72xf32, #tpu.memory_space<vmem>>
        %dma_wait3A_197 = arith.constant 0 : i32
        %dma_wait3A_198 = tpu.memref_slice %arg10[%add3A_179, %dma_wait3A_197] : memref<10240x72xf32, #tpu.memory_space<vmem_shared>> -> memref<128x72xf32, #tpu.memory_space<vmem_shared>>
        %dma_wait3A_199 = arith.constant 0 : i32
        %dma_wait3A_200 = tpu.memref_slice %arg10[%add3A_179, %dma_wait3A_199] : memref<10240x72xf32, #tpu.memory_space<vmem_shared>> -> memref<128x72xf32, #tpu.memory_space<vmem_shared>>
        %dma_wait3A_201 = arith.constant 0 : i32
        %dma_wait3A_202 = arith.constant 0 : i32
        %dma_wait3A_203 = tpu.memref_slice %arg9[%run_scoped3A, %dma_wait3A_201, %dma_wait3A_202] : memref<4x128x72xf32, #tpu.memory_space<vmem>> -> memref<1x128x72xf32, #tpu.memory_space<vmem>>
        %dma_wait3A_204 = tpu.memref_squeeze %dma_wait3A_203 : memref<1x128x72xf32, #tpu.memory_space<vmem>> -> memref<128x72xf32, #tpu.memory_space<vmem>>
        tpu.wait_dma2 semaphore(%run_scoped3A_181 : memref<!tpu.dma_semaphore, #tpu.memory_space<semaphore_mem>>) src(%dma_wait3A_204 : memref<128x72xf32, #tpu.memory_space<vmem>>) dst(%dma_wait3A_200 : memref<128x72xf32, #tpu.memory_space<vmem_shared>>)
        tpu.yield
      }) : () -> ()
      %scan3A_180 = arith.constant 0 : i32
      scf.yield %scan3A_180 : i32
    }
    %scan3A_25 = arith.constant 5 : i32
    %dma_start3A = arith.constant 0 : i32
    %dma_start3A_26 = arith.constant 0 : i32
    %dma_start3A_27 = arith.constant 0 : i32
    %dma_start3A_28 = arith.constant 0 : i32
    %dma_start3A_29 = tpu.memref_slice %arg9[%dma_start3A_26, %dma_start3A_27, %dma_start3A_28] : memref<4x128x72xf32, #tpu.memory_space<vmem>> -> memref<1x128x72xf32, #tpu.memory_space<vmem>>
    %dma_start3A_30 = tpu.memref_squeeze %dma_start3A_29 : memref<1x128x72xf32, #tpu.memory_space<vmem>> -> memref<128x72xf32, #tpu.memory_space<vmem>>
    %dma_start3A_31 = arith.constant 0 : i32
    %dma_start3A_32 = tpu.memref_slice %arg7[%dma_start3A, %dma_start3A_31] : memref<152x128xi32, #tpu.memory_space<vmem>> -> memref<1x128xi32, #tpu.memory_space<vmem>>
    %dma_start3A_33 = tpu.memref_squeeze %dma_start3A_32 : memref<1x128xi32, #tpu.memory_space<vmem>> -> memref<128xi32, #tpu.memory_space<vmem>>
    %dma_start3A_34 = arith.constant 0 : i32
    %dma_start3A_35 = arith.constant 0 : i32
    %dma_start3A_36 = tpu.memref_slice %arg2[%dma_start3A_34, %dma_start3A_35] : memref<10240x72xf32, #tpu.memory_space<hbm>> -> memref<10240x72xf32, #tpu.memory_space<hbm>>
    tpu.enqueue_indirect_dma source(%dma_start3A_36 : memref<10240x72xf32, #tpu.memory_space<hbm>>) target(%dma_start3A_30 : memref<128x72xf32, #tpu.memory_space<vmem>>) offsets(%dma_start3A_33 : memref<128xi32, #tpu.memory_space<vmem>>) semaphore(%arg11 : memref<!tpu.dma_semaphore, #tpu.memory_space<semaphore_mem>>)
    %dma_start3A_37 = arith.constant 1 : i32
    %dma_start3A_38 = arith.constant 1 : i32
    %dma_start3A_39 = arith.constant 0 : i32
    %dma_start3A_40 = arith.constant 0 : i32
    %dma_start3A_41 = tpu.memref_slice %arg9[%dma_start3A_38, %dma_start3A_39, %dma_start3A_40] : memref<4x128x72xf32, #tpu.memory_space<vmem>> -> memref<1x128x72xf32, #tpu.memory_space<vmem>>
    %dma_start3A_42 = tpu.memref_squeeze %dma_start3A_41 : memref<1x128x72xf32, #tpu.memory_space<vmem>> -> memref<128x72xf32, #tpu.memory_space<vmem>>
    %dma_start3A_43 = arith.constant 0 : i32
    %dma_start3A_44 = tpu.memref_slice %arg7[%dma_start3A_37, %dma_start3A_43] : memref<152x128xi32, #tpu.memory_space<vmem>> -> memref<1x128xi32, #tpu.memory_space<vmem>>
    %dma_start3A_45 = tpu.memref_squeeze %dma_start3A_44 : memref<1x128xi32, #tpu.memory_space<vmem>> -> memref<128xi32, #tpu.memory_space<vmem>>
    %dma_start3A_46 = arith.constant 0 : i32
    %dma_start3A_47 = arith.constant 0 : i32
    %dma_start3A_48 = tpu.memref_slice %arg2[%dma_start3A_46, %dma_start3A_47] : memref<10240x72xf32, #tpu.memory_space<hbm>> -> memref<10240x72xf32, #tpu.memory_space<hbm>>
    tpu.enqueue_indirect_dma source(%dma_start3A_48 : memref<10240x72xf32, #tpu.memory_space<hbm>>) target(%dma_start3A_42 : memref<128x72xf32, #tpu.memory_space<vmem>>) offsets(%dma_start3A_45 : memref<128xi32, #tpu.memory_space<vmem>>) semaphore(%arg12 : memref<!tpu.dma_semaphore, #tpu.memory_space<semaphore_mem>>)
    %dma_start3A_49 = arith.constant 2 : i32
    %dma_start3A_50 = arith.constant 2 : i32
    %dma_start3A_51 = arith.constant 0 : i32
    %dma_start3A_52 = arith.constant 0 : i32
    %dma_start3A_53 = tpu.memref_slice %arg9[%dma_start3A_50, %dma_start3A_51, %dma_start3A_52] : memref<4x128x72xf32, #tpu.memory_space<vmem>> -> memref<1x128x72xf32, #tpu.memory_space<vmem>>
    %dma_start3A_54 = tpu.memref_squeeze %dma_start3A_53 : memref<1x128x72xf32, #tpu.memory_space<vmem>> -> memref<128x72xf32, #tpu.memory_space<vmem>>
    %dma_start3A_55 = arith.constant 0 : i32
    %dma_start3A_56 = tpu.memref_slice %arg7[%dma_start3A_49, %dma_start3A_55] : memref<152x128xi32, #tpu.memory_space<vmem>> -> memref<1x128xi32, #tpu.memory_space<vmem>>
    %dma_start3A_57 = tpu.memref_squeeze %dma_start3A_56 : memref<1x128xi32, #tpu.memory_space<vmem>> -> memref<128xi32, #tpu.memory_space<vmem>>
    %dma_start3A_58 = arith.constant 0 : i32
    %dma_start3A_59 = arith.constant 0 : i32
    %dma_start3A_60 = tpu.memref_slice %arg2[%dma_start3A_58, %dma_start3A_59] : memref<10240x72xf32, #tpu.memory_space<hbm>> -> memref<10240x72xf32, #tpu.memory_space<hbm>>
    tpu.enqueue_indirect_dma source(%dma_start3A_60 : memref<10240x72xf32, #tpu.memory_space<hbm>>) target(%dma_start3A_54 : memref<128x72xf32, #tpu.memory_space<vmem>>) offsets(%dma_start3A_57 : memref<128xi32, #tpu.memory_space<vmem>>) semaphore(%arg13 : memref<!tpu.dma_semaphore, #tpu.memory_space<semaphore_mem>>)
    %dma_start3A_61 = arith.constant 3 : i32
    %dma_start3A_62 = arith.constant 3 : i32
    %dma_start3A_63 = arith.constant 0 : i32
    %dma_start3A_64 = arith.constant 0 : i32
    %dma_start3A_65 = tpu.memref_slice %arg9[%dma_start3A_62, %dma_start3A_63, %dma_start3A_64] : memref<4x128x72xf32, #tpu.memory_space<vmem>> -> memref<1x128x72xf32, #tpu.memory_space<vmem>>
    %dma_start3A_66 = tpu.memref_squeeze %dma_start3A_65 : memref<1x128x72xf32, #tpu.memory_space<vmem>> -> memref<128x72xf32, #tpu.memory_space<vmem>>
    %dma_start3A_67 = arith.constant 0 : i32
    %dma_start3A_68 = tpu.memref_slice %arg7[%dma_start3A_61, %dma_start3A_67] : memref<152x128xi32, #tpu.memory_space<vmem>> -> memref<1x128xi32, #tpu.memory_space<vmem>>
    %dma_start3A_69 = tpu.memref_squeeze %dma_start3A_68 : memref<1x128xi32, #tpu.memory_space<vmem>> -> memref<128xi32, #tpu.memory_space<vmem>>
    %dma_start3A_70 = arith.constant 0 : i32
    %dma_start3A_71 = arith.constant 0 : i32
    %dma_start3A_72 = tpu.memref_slice %arg2[%dma_start3A_70, %dma_start3A_71] : memref<10240x72xf32, #tpu.memory_space<hbm>> -> memref<10240x72xf32, #tpu.memory_space<hbm>>
    tpu.enqueue_indirect_dma source(%dma_start3A_72 : memref<10240x72xf32, #tpu.memory_space<hbm>>) target(%dma_start3A_66 : memref<128x72xf32, #tpu.memory_space<vmem>>) offsets(%dma_start3A_69 : memref<128xi32, #tpu.memory_space<vmem>>) semaphore(%arg14 : memref<!tpu.dma_semaphore, #tpu.memory_space<semaphore_mem>>)
    %barrier3A = arith.constant 0 : index
    tpu.barrier barrier_id(%barrier3A)
    %while3A = arith.constant 0 : i32
    %while3A_73 = arith.constant 0 : i32
    %while3A_74 = arith.subi %select_n3A_10, %while3A : i32
    %while3A_75 = arith.addi %while3A, %while3A_74 : i32
    %while3A_76 = arith.constant 1 : i32
    %while3A_77 = arith.divsi %while3A_74, %while3A_76 : i32
    %while3A_78 = arith.muli %while3A_77, %while3A_76 : i32
    %while3A_79 = arith.addi %while3A, %while3A_78 : i32
    %while3A_80 = arith.constant 1 : i32
    %while3A_81 = scf.for %while3A_175 = %while3A to %while3A_79 step %while3A_80 iter_args(%while3A_176 = %while3A_73) -> (i32)  : i32 {
      %mul3A_177 = arith.constant 4 : i32
      %mul3A_178 = arith.muli %while3A_175, %mul3A_177 : i32
      %add3A_179 = arith.constant 0 : i32
      %add3A_180 = arith.addi %mul3A_178, %add3A_179 : i32
      %dma_wait3A = arith.constant 0 : i32
      %dma_wait3A_181 = arith.constant 0 : i32
      %dma_wait3A_182 = arith.constant 0 : i32
      %dma_wait3A_183 = tpu.memref_slice %arg9[%dma_wait3A, %dma_wait3A_181, %dma_wait3A_182] : memref<4x128x72xf32, #tpu.memory_space<vmem>> -> memref<1x128x72xf32, #tpu.memory_space<vmem>>
      %dma_wait3A_184 = tpu.memref_squeeze %dma_wait3A_183 : memref<1x128x72xf32, #tpu.memory_space<vmem>> -> memref<128x72xf32, #tpu.memory_space<vmem>>
      %dma_wait3A_185 = arith.constant 0 : i32
      %dma_wait3A_186 = tpu.memref_slice %arg7[%add3A_180, %dma_wait3A_185] : memref<152x128xi32, #tpu.memory_space<vmem>> -> memref<1x128xi32, #tpu.memory_space<vmem>>
      %dma_wait3A_187 = tpu.memref_squeeze %dma_wait3A_186 : memref<1x128xi32, #tpu.memory_space<vmem>> -> memref<128xi32, #tpu.memory_space<vmem>>
      %dma_wait3A_188 = arith.constant 0 : i32
      %dma_wait3A_189 = arith.constant 0 : i32
      %dma_wait3A_190 = tpu.memref_slice %arg2[%dma_wait3A_188, %dma_wait3A_189] : memref<10240x72xf32, #tpu.memory_space<hbm>> -> memref<10240x72xf32, #tpu.memory_space<hbm>>
      tpu.wait_indirect_dma semaphore(%arg11 : memref<!tpu.dma_semaphore, #tpu.memory_space<semaphore_mem>>) src(%dma_wait3A_190 : memref<10240x72xf32, #tpu.memory_space<hbm>>) dst(%dma_wait3A_184 : memref<128x72xf32, #tpu.memory_space<vmem>>)
      %run_scoped3A = arith.constant 0 : i32
      "tpu.region"() ({
        %run_scoped3A_261 = tpu.sem_alloc : memref<!tpu.dma_semaphore, #tpu.memory_space<semaphore_mem>>
        %dma_start3A_262 = arith.constant 0 : i32
        %dma_start3A_263 = arith.constant 0 : i32
        %dma_start3A_264 = tpu.memref_slice %arg9[%run_scoped3A, %dma_start3A_262, %dma_start3A_263] : memref<4x128x72xf32, #tpu.memory_space<vmem>> -> memref<1x128x72xf32, #tpu.memory_space<vmem>>
        %dma_start3A_265 = tpu.memref_squeeze %dma_start3A_264 : memref<1x128x72xf32, #tpu.memory_space<vmem>> -> memref<128x72xf32, #tpu.memory_space<vmem>>
        %dma_start3A_266 = arith.constant 0 : i32
        %dma_start3A_267 = tpu.memref_slice %arg8[%add3A_180, %dma_start3A_266] : memref<152x128xi32, #tpu.memory_space<vmem>> -> memref<1x128xi32, #tpu.memory_space<vmem>>
        %dma_start3A_268 = tpu.memref_squeeze %dma_start3A_267 : memref<1x128xi32, #tpu.memory_space<vmem>> -> memref<128xi32, #tpu.memory_space<vmem>>
        %dma_start3A_269 = arith.constant 0 : i32
        %dma_start3A_270 = arith.constant 0 : i32
        %dma_start3A_271 = tpu.memref_slice %arg10[%dma_start3A_269, %dma_start3A_270] : memref<10240x72xf32, #tpu.memory_space<vmem_shared>> -> memref<10240x72xf32, #tpu.memory_space<vmem_shared>>
        tpu.enqueue_indirect_dma source(%dma_start3A_265 : memref<128x72xf32, #tpu.memory_space<vmem>>) target(%dma_start3A_271 : memref<10240x72xf32, #tpu.memory_space<vmem_shared>>) offsets(%dma_start3A_268 : memref<128xi32, #tpu.memory_space<vmem>>) semaphore(%run_scoped3A_261 : memref<!tpu.dma_semaphore, #tpu.memory_space<semaphore_mem>>) {add = true}
        %dma_wait3A_272 = arith.constant 0 : i32
        %dma_wait3A_273 = arith.constant 0 : i32
        %dma_wait3A_274 = tpu.memref_slice %arg9[%run_scoped3A, %dma_wait3A_272, %dma_wait3A_273] : memref<4x128x72xf32, #tpu.memory_space<vmem>> -> memref<1x128x72xf32, #tpu.memory_space<vmem>>
        %dma_wait3A_275 = tpu.memref_squeeze %dma_wait3A_274 : memref<1x128x72xf32, #tpu.memory_space<vmem>> -> memref<128x72xf32, #tpu.memory_space<vmem>>
        %dma_wait3A_276 = arith.constant 0 : i32
        %dma_wait3A_277 = tpu.memref_slice %arg8[%add3A_180, %dma_wait3A_276] : memref<152x128xi32, #tpu.memory_space<vmem>> -> memref<1x128xi32, #tpu.memory_space<vmem>>
        %dma_wait3A_278 = tpu.memref_squeeze %dma_wait3A_277 : memref<1x128xi32, #tpu.memory_space<vmem>> -> memref<128xi32, #tpu.memory_space<vmem>>
        %dma_wait3A_279 = arith.constant 0 : i32
        %dma_wait3A_280 = arith.constant 0 : i32
        %dma_wait3A_281 = tpu.memref_slice %arg10[%dma_wait3A_279, %dma_wait3A_280] : memref<10240x72xf32, #tpu.memory_space<vmem_shared>> -> memref<10240x72xf32, #tpu.memory_space<vmem_shared>>
        tpu.wait_indirect_dma semaphore(%run_scoped3A_261 : memref<!tpu.dma_semaphore, #tpu.memory_space<semaphore_mem>>) src(%dma_wait3A_275 : memref<128x72xf32, #tpu.memory_space<vmem>>) dst(%dma_wait3A_281 : memref<10240x72xf32, #tpu.memory_space<vmem_shared>>)
        tpu.yield
      }) : () -> ()
      %add3A_191 = arith.constant 4 : i32
      %add3A_192 = arith.addi %add3A_180, %add3A_191 : i32
      %lt3A = arith.cmpi slt, %add3A_192, %mul3A_12 : i32
      %convert_element_type3A = arith.extui %lt3A : i1 to i32
      %cond3A = arith.constant 0 : i32
      %cond3A_193 = arith.cmpi ne, %convert_element_type3A, %cond3A : i32
      scf.if %cond3A_193 {
        %dma_start3A_261 = arith.constant 0 : i32
        %dma_start3A_262 = arith.constant 0 : i32
        %dma_start3A_263 = arith.constant 0 : i32
        %dma_start3A_264 = tpu.memref_slice %arg9[%dma_start3A_261, %dma_start3A_262, %dma_start3A_263] : memref<4x128x72xf32, #tpu.memory_space<vmem>> -> memref<1x128x72xf32, #tpu.memory_space<vmem>>
        %dma_start3A_265 = tpu.memref_squeeze %dma_start3A_264 : memref<1x128x72xf32, #tpu.memory_space<vmem>> -> memref<128x72xf32, #tpu.memory_space<vmem>>
        %dma_start3A_266 = arith.constant 0 : i32
        %dma_start3A_267 = tpu.memref_slice %arg7[%add3A_192, %dma_start3A_266] : memref<152x128xi32, #tpu.memory_space<vmem>> -> memref<1x128xi32, #tpu.memory_space<vmem>>
        %dma_start3A_268 = tpu.memref_squeeze %dma_start3A_267 : memref<1x128xi32, #tpu.memory_space<vmem>> -> memref<128xi32, #tpu.memory_space<vmem>>
        %dma_start3A_269 = arith.constant 0 : i32
        %dma_start3A_270 = arith.constant 0 : i32
        %dma_start3A_271 = tpu.memref_slice %arg2[%dma_start3A_269, %dma_start3A_270] : memref<10240x72xf32, #tpu.memory_space<hbm>> -> memref<10240x72xf32, #tpu.memory_space<hbm>>
        tpu.enqueue_indirect_dma source(%dma_start3A_271 : memref<10240x72xf32, #tpu.memory_space<hbm>>) target(%dma_start3A_265 : memref<128x72xf32, #tpu.memory_space<vmem>>) offsets(%dma_start3A_268 : memref<128xi32, #tpu.memory_space<vmem>>) semaphore(%arg11 : memref<!tpu.dma_semaphore, #tpu.memory_space<semaphore_mem>>)
      } else {
      }
      %mul3A_194 = arith.constant 4 : i32
      %mul3A_195 = arith.muli %while3A_175, %mul3A_194 : i32
      %add3A_196 = arith.constant 1 : i32
      %add3A_197 = arith.addi %mul3A_195, %add3A_196 : i32
      %dma_wait3A_198 = arith.constant 1 : i32
      %dma_wait3A_199 = arith.constant 0 : i32
      %dma_wait3A_200 = arith.constant 0 : i32
      %dma_wait3A_201 = tpu.memref_slice %arg9[%dma_wait3A_198, %dma_wait3A_199, %dma_wait3A_200] : memref<4x128x72xf32, #tpu.memory_space<vmem>> -> memref<1x128x72xf32, #tpu.memory_space<vmem>>
      %dma_wait3A_202 = tpu.memref_squeeze %dma_wait3A_201 : memref<1x128x72xf32, #tpu.memory_space<vmem>> -> memref<128x72xf32, #tpu.memory_space<vmem>>
      %dma_wait3A_203 = arith.constant 0 : i32
      %dma_wait3A_204 = tpu.memref_slice %arg7[%add3A_197, %dma_wait3A_203] : memref<152x128xi32, #tpu.memory_space<vmem>> -> memref<1x128xi32, #tpu.memory_space<vmem>>
      %dma_wait3A_205 = tpu.memref_squeeze %dma_wait3A_204 : memref<1x128xi32, #tpu.memory_space<vmem>> -> memref<128xi32, #tpu.memory_space<vmem>>
      %dma_wait3A_206 = arith.constant 0 : i32
      %dma_wait3A_207 = arith.constant 0 : i32
      %dma_wait3A_208 = tpu.memref_slice %arg2[%dma_wait3A_206, %dma_wait3A_207] : memref<10240x72xf32, #tpu.memory_space<hbm>> -> memref<10240x72xf32, #tpu.memory_space<hbm>>
      tpu.wait_indirect_dma semaphore(%arg12 : memref<!tpu.dma_semaphore, #tpu.memory_space<semaphore_mem>>) src(%dma_wait3A_208 : memref<10240x72xf32, #tpu.memory_space<hbm>>) dst(%dma_wait3A_202 : memref<128x72xf32, #tpu.memory_space<vmem>>)
      %run_scoped3A_209 = arith.constant 1 : i32
      "tpu.region"() ({
        %run_scoped3A_261 = tpu.sem_alloc : memref<!tpu.dma_semaphore, #tpu.memory_space<semaphore_mem>>
        %dma_start3A_262 = arith.constant 0 : i32
        %dma_start3A_263 = arith.constant 0 : i32
        %dma_start3A_264 = tpu.memref_slice %arg9[%run_scoped3A_209, %dma_start3A_262, %dma_start3A_263] : memref<4x128x72xf32, #tpu.memory_space<vmem>> -> memref<1x128x72xf32, #tpu.memory_space<vmem>>
        %dma_start3A_265 = tpu.memref_squeeze %dma_start3A_264 : memref<1x128x72xf32, #tpu.memory_space<vmem>> -> memref<128x72xf32, #tpu.memory_space<vmem>>
        %dma_start3A_266 = arith.constant 0 : i32
        %dma_start3A_267 = tpu.memref_slice %arg8[%add3A_197, %dma_start3A_266] : memref<152x128xi32, #tpu.memory_space<vmem>> -> memref<1x128xi32, #tpu.memory_space<vmem>>
        %dma_start3A_268 = tpu.memref_squeeze %dma_start3A_267 : memref<1x128xi32, #tpu.memory_space<vmem>> -> memref<128xi32, #tpu.memory_space<vmem>>
        %dma_start3A_269 = arith.constant 0 : i32
        %dma_start3A_270 = arith.constant 0 : i32
        %dma_start3A_271 = tpu.memref_slice %arg10[%dma_start3A_269, %dma_start3A_270] : memref<10240x72xf32, #tpu.memory_space<vmem_shared>> -> memref<10240x72xf32, #tpu.memory_space<vmem_shared>>
        tpu.enqueue_indirect_dma source(%dma_start3A_265 : memref<128x72xf32, #tpu.memory_space<vmem>>) target(%dma_start3A_271 : memref<10240x72xf32, #tpu.memory_space<vmem_shared>>) offsets(%dma_start3A_268 : memref<128xi32, #tpu.memory_space<vmem>>) semaphore(%run_scoped3A_261 : memref<!tpu.dma_semaphore, #tpu.memory_space<semaphore_mem>>) {add = true}
        %dma_wait3A_272 = arith.constant 0 : i32
        %dma_wait3A_273 = arith.constant 0 : i32
        %dma_wait3A_274 = tpu.memref_slice %arg9[%run_scoped3A_209, %dma_wait3A_272, %dma_wait3A_273] : memref<4x128x72xf32, #tpu.memory_space<vmem>> -> memref<1x128x72xf32, #tpu.memory_space<vmem>>
        %dma_wait3A_275 = tpu.memref_squeeze %dma_wait3A_274 : memref<1x128x72xf32, #tpu.memory_space<vmem>> -> memref<128x72xf32, #tpu.memory_space<vmem>>
        %dma_wait3A_276 = arith.constant 0 : i32
        %dma_wait3A_277 = tpu.memref_slice %arg8[%add3A_197, %dma_wait3A_276] : memref<152x128xi32, #tpu.memory_space<vmem>> -> memref<1x128xi32, #tpu.memory_space<vmem>>
        %dma_wait3A_278 = tpu.memref_squeeze %dma_wait3A_277 : memref<1x128xi32, #tpu.memory_space<vmem>> -> memref<128xi32, #tpu.memory_space<vmem>>
        %dma_wait3A_279 = arith.constant 0 : i32
        %dma_wait3A_280 = arith.constant 0 : i32
        %dma_wait3A_281 = tpu.memref_slice %arg10[%dma_wait3A_279, %dma_wait3A_280] : memref<10240x72xf32, #tpu.memory_space<vmem_shared>> -> memref<10240x72xf32, #tpu.memory_space<vmem_shared>>
        tpu.wait_indirect_dma semaphore(%run_scoped3A_261 : memref<!tpu.dma_semaphore, #tpu.memory_space<semaphore_mem>>) src(%dma_wait3A_275 : memref<128x72xf32, #tpu.memory_space<vmem>>) dst(%dma_wait3A_281 : memref<10240x72xf32, #tpu.memory_space<vmem_shared>>)
        tpu.yield
      }) : () -> ()
      %add3A_210 = arith.constant 4 : i32
      %add3A_211 = arith.addi %add3A_197, %add3A_210 : i32
      %lt3A_212 = arith.cmpi slt, %add3A_211, %mul3A_12 : i32
      %convert_element_type3A_213 = arith.extui %lt3A_212 : i1 to i32
      %cond3A_214 = arith.constant 0 : i32
      %cond3A_215 = arith.cmpi ne, %convert_element_type3A_213, %cond3A_214 : i32
      scf.if %cond3A_215 {
        %dma_start3A_261 = arith.constant 1 : i32
        %dma_start3A_262 = arith.constant 0 : i32
        %dma_start3A_263 = arith.constant 0 : i32
        %dma_start3A_264 = tpu.memref_slice %arg9[%dma_start3A_261, %dma_start3A_262, %dma_start3A_263] : memref<4x128x72xf32, #tpu.memory_space<vmem>> -> memref<1x128x72xf32, #tpu.memory_space<vmem>>
        %dma_start3A_265 = tpu.memref_squeeze %dma_start3A_264 : memref<1x128x72xf32, #tpu.memory_space<vmem>> -> memref<128x72xf32, #tpu.memory_space<vmem>>
        %dma_start3A_266 = arith.constant 0 : i32
        %dma_start3A_267 = tpu.memref_slice %arg7[%add3A_211, %dma_start3A_266] : memref<152x128xi32, #tpu.memory_space<vmem>> -> memref<1x128xi32, #tpu.memory_space<vmem>>
        %dma_start3A_268 = tpu.memref_squeeze %dma_start3A_267 : memref<1x128xi32, #tpu.memory_space<vmem>> -> memref<128xi32, #tpu.memory_space<vmem>>
        %dma_start3A_269 = arith.constant 0 : i32
        %dma_start3A_270 = arith.constant 0 : i32
        %dma_start3A_271 = tpu.memref_slice %arg2[%dma_start3A_269, %dma_start3A_270] : memref<10240x72xf32, #tpu.memory_space<hbm>> -> memref<10240x72xf32, #tpu.memory_space<hbm>>
        tpu.enqueue_indirect_dma source(%dma_start3A_271 : memref<10240x72xf32, #tpu.memory_space<hbm>>) target(%dma_start3A_265 : memref<128x72xf32, #tpu.memory_space<vmem>>) offsets(%dma_start3A_268 : memref<128xi32, #tpu.memory_space<vmem>>) semaphore(%arg12 : memref<!tpu.dma_semaphore, #tpu.memory_space<semaphore_mem>>)
      } else {
      }
      %mul3A_216 = arith.constant 4 : i32
      %mul3A_217 = arith.muli %while3A_175, %mul3A_216 : i32
      %add3A_218 = arith.constant 2 : i32
      %add3A_219 = arith.addi %mul3A_217, %add3A_218 : i32
      %dma_wait3A_220 = arith.constant 2 : i32
      %dma_wait3A_221 = arith.constant 0 : i32
      %dma_wait3A_222 = arith.constant 0 : i32
      %dma_wait3A_223 = tpu.memref_slice %arg9[%dma_wait3A_220, %dma_wait3A_221, %dma_wait3A_222] : memref<4x128x72xf32, #tpu.memory_space<vmem>> -> memref<1x128x72xf32, #tpu.memory_space<vmem>>
      %dma_wait3A_224 = tpu.memref_squeeze %dma_wait3A_223 : memref<1x128x72xf32, #tpu.memory_space<vmem>> -> memref<128x72xf32, #tpu.memory_space<vmem>>
      %dma_wait3A_225 = arith.constant 0 : i32
      %dma_wait3A_226 = tpu.memref_slice %arg7[%add3A_219, %dma_wait3A_225] : memref<152x128xi32, #tpu.memory_space<vmem>> -> memref<1x128xi32, #tpu.memory_space<vmem>>
      %dma_wait3A_227 = tpu.memref_squeeze %dma_wait3A_226 : memref<1x128xi32, #tpu.memory_space<vmem>> -> memref<128xi32, #tpu.memory_space<vmem>>
      %dma_wait3A_228 = arith.constant 0 : i32
      %dma_wait3A_229 = arith.constant 0 : i32
      %dma_wait3A_230 = tpu.memref_slice %arg2[%dma_wait3A_228, %dma_wait3A_229] : memref<10240x72xf32, #tpu.memory_space<hbm>> -> memref<10240x72xf32, #tpu.memory_space<hbm>>
      tpu.wait_indirect_dma semaphore(%arg13 : memref<!tpu.dma_semaphore, #tpu.memory_space<semaphore_mem>>) src(%dma_wait3A_230 : memref<10240x72xf32, #tpu.memory_space<hbm>>) dst(%dma_wait3A_224 : memref<128x72xf32, #tpu.memory_space<vmem>>)
      %run_scoped3A_231 = arith.constant 2 : i32
      "tpu.region"() ({
        %run_scoped3A_261 = tpu.sem_alloc : memref<!tpu.dma_semaphore, #tpu.memory_space<semaphore_mem>>
        %dma_start3A_262 = arith.constant 0 : i32
        %dma_start3A_263 = arith.constant 0 : i32
        %dma_start3A_264 = tpu.memref_slice %arg9[%run_scoped3A_231, %dma_start3A_262, %dma_start3A_263] : memref<4x128x72xf32, #tpu.memory_space<vmem>> -> memref<1x128x72xf32, #tpu.memory_space<vmem>>
        %dma_start3A_265 = tpu.memref_squeeze %dma_start3A_264 : memref<1x128x72xf32, #tpu.memory_space<vmem>> -> memref<128x72xf32, #tpu.memory_space<vmem>>
        %dma_start3A_266 = arith.constant 0 : i32
        %dma_start3A_267 = tpu.memref_slice %arg8[%add3A_219, %dma_start3A_266] : memref<152x128xi32, #tpu.memory_space<vmem>> -> memref<1x128xi32, #tpu.memory_space<vmem>>
        %dma_start3A_268 = tpu.memref_squeeze %dma_start3A_267 : memref<1x128xi32, #tpu.memory_space<vmem>> -> memref<128xi32, #tpu.memory_space<vmem>>
        %dma_start3A_269 = arith.constant 0 : i32
        %dma_start3A_270 = arith.constant 0 : i32
        %dma_start3A_271 = tpu.memref_slice %arg10[%dma_start3A_269, %dma_start3A_270] : memref<10240x72xf32, #tpu.memory_space<vmem_shared>> -> memref<10240x72xf32, #tpu.memory_space<vmem_shared>>
        tpu.enqueue_indirect_dma source(%dma_start3A_265 : memref<128x72xf32, #tpu.memory_space<vmem>>) target(%dma_start3A_271 : memref<10240x72xf32, #tpu.memory_space<vmem_shared>>) offsets(%dma_start3A_268 : memref<128xi32, #tpu.memory_space<vmem>>) semaphore(%run_scoped3A_261 : memref<!tpu.dma_semaphore, #tpu.memory_space<semaphore_mem>>) {add = true}
        %dma_wait3A_272 = arith.constant 0 : i32
        %dma_wait3A_273 = arith.constant 0 : i32
        %dma_wait3A_274 = tpu.memref_slice %arg9[%run_scoped3A_231, %dma_wait3A_272, %dma_wait3A_273] : memref<4x128x72xf32, #tpu.memory_space<vmem>> -> memref<1x128x72xf32, #tpu.memory_space<vmem>>
        %dma_wait3A_275 = tpu.memref_squeeze %dma_wait3A_274 : memref<1x128x72xf32, #tpu.memory_space<vmem>> -> memref<128x72xf32, #tpu.memory_space<vmem>>
        %dma_wait3A_276 = arith.constant 0 : i32
        %dma_wait3A_277 = tpu.memref_slice %arg8[%add3A_219, %dma_wait3A_276] : memref<152x128xi32, #tpu.memory_space<vmem>> -> memref<1x128xi32, #tpu.memory_space<vmem>>
        %dma_wait3A_278 = tpu.memref_squeeze %dma_wait3A_277 : memref<1x128xi32, #tpu.memory_space<vmem>> -> memref<128xi32, #tpu.memory_space<vmem>>
        %dma_wait3A_279 = arith.constant 0 : i32
        %dma_wait3A_280 = arith.constant 0 : i32
        %dma_wait3A_281 = tpu.memref_slice %arg10[%dma_wait3A_279, %dma_wait3A_280] : memref<10240x72xf32, #tpu.memory_space<vmem_shared>> -> memref<10240x72xf32, #tpu.memory_space<vmem_shared>>
        tpu.wait_indirect_dma semaphore(%run_scoped3A_261 : memref<!tpu.dma_semaphore, #tpu.memory_space<semaphore_mem>>) src(%dma_wait3A_275 : memref<128x72xf32, #tpu.memory_space<vmem>>) dst(%dma_wait3A_281 : memref<10240x72xf32, #tpu.memory_space<vmem_shared>>)
        tpu.yield
      }) : () -> ()
      %add3A_232 = arith.constant 4 : i32
      %add3A_233 = arith.addi %add3A_219, %add3A_232 : i32
      %lt3A_234 = arith.cmpi slt, %add3A_233, %mul3A_12 : i32
      %convert_element_type3A_235 = arith.extui %lt3A_234 : i1 to i32
      %cond3A_236 = arith.constant 0 : i32
      %cond3A_237 = arith.cmpi ne, %convert_element_type3A_235, %cond3A_236 : i32
      scf.if %cond3A_237 {
        %dma_start3A_261 = arith.constant 2 : i32
        %dma_start3A_262 = arith.constant 0 : i32
        %dma_start3A_263 = arith.constant 0 : i32
        %dma_start3A_264 = tpu.memref_slice %arg9[%dma_start3A_261, %dma_start3A_262, %dma_start3A_263] : memref<4x128x72xf32, #tpu.memory_space<vmem>> -> memref<1x128x72xf32, #tpu.memory_space<vmem>>
        %dma_start3A_265 = tpu.memref_squeeze %dma_start3A_264 : memref<1x128x72xf32, #tpu.memory_space<vmem>> -> memref<128x72xf32, #tpu.memory_space<vmem>>
        %dma_start3A_266 = arith.constant 0 : i32
        %dma_start3A_267 = tpu.memref_slice %arg7[%add3A_233, %dma_start3A_266] : memref<152x128xi32, #tpu.memory_space<vmem>> -> memref<1x128xi32, #tpu.memory_space<vmem>>
        %dma_start3A_268 = tpu.memref_squeeze %dma_start3A_267 : memref<1x128xi32, #tpu.memory_space<vmem>> -> memref<128xi32, #tpu.memory_space<vmem>>
        %dma_start3A_269 = arith.constant 0 : i32
        %dma_start3A_270 = arith.constant 0 : i32
        %dma_start3A_271 = tpu.memref_slice %arg2[%dma_start3A_269, %dma_start3A_270] : memref<10240x72xf32, #tpu.memory_space<hbm>> -> memref<10240x72xf32, #tpu.memory_space<hbm>>
        tpu.enqueue_indirect_dma source(%dma_start3A_271 : memref<10240x72xf32, #tpu.memory_space<hbm>>) target(%dma_start3A_265 : memref<128x72xf32, #tpu.memory_space<vmem>>) offsets(%dma_start3A_268 : memref<128xi32, #tpu.memory_space<vmem>>) semaphore(%arg13 : memref<!tpu.dma_semaphore, #tpu.memory_space<semaphore_mem>>)
      } else {
      }
      %mul3A_238 = arith.constant 4 : i32
      %mul3A_239 = arith.muli %while3A_175, %mul3A_238 : i32
      %add3A_240 = arith.constant 3 : i32
      %add3A_241 = arith.addi %mul3A_239, %add3A_240 : i32
      %dma_wait3A_242 = arith.constant 3 : i32
      %dma_wait3A_243 = arith.constant 0 : i32
      %dma_wait3A_244 = arith.constant 0 : i32
      %dma_wait3A_245 = tpu.memref_slice %arg9[%dma_wait3A_242, %dma_wait3A_243, %dma_wait3A_244] : memref<4x128x72xf32, #tpu.memory_space<vmem>> -> memref<1x128x72xf32, #tpu.memory_space<vmem>>
      %dma_wait3A_246 = tpu.memref_squeeze %dma_wait3A_245 : memref<1x128x72xf32, #tpu.memory_space<vmem>> -> memref<128x72xf32, #tpu.memory_space<vmem>>
      %dma_wait3A_247 = arith.constant 0 : i32
      %dma_wait3A_248 = tpu.memref_slice %arg7[%add3A_241, %dma_wait3A_247] : memref<152x128xi32, #tpu.memory_space<vmem>> -> memref<1x128xi32, #tpu.memory_space<vmem>>
      %dma_wait3A_249 = tpu.memref_squeeze %dma_wait3A_248 : memref<1x128xi32, #tpu.memory_space<vmem>> -> memref<128xi32, #tpu.memory_space<vmem>>
      %dma_wait3A_250 = arith.constant 0 : i32
      %dma_wait3A_251 = arith.constant 0 : i32
      %dma_wait3A_252 = tpu.memref_slice %arg2[%dma_wait3A_250, %dma_wait3A_251] : memref<10240x72xf32, #tpu.memory_space<hbm>> -> memref<10240x72xf32, #tpu.memory_space<hbm>>
      tpu.wait_indirect_dma semaphore(%arg14 : memref<!tpu.dma_semaphore, #tpu.memory_space<semaphore_mem>>) src(%dma_wait3A_252 : memref<10240x72xf32, #tpu.memory_space<hbm>>) dst(%dma_wait3A_246 : memref<128x72xf32, #tpu.memory_space<vmem>>)
      %run_scoped3A_253 = arith.constant 3 : i32
      "tpu.region"() ({
        %run_scoped3A_261 = tpu.sem_alloc : memref<!tpu.dma_semaphore, #tpu.memory_space<semaphore_mem>>
        %dma_start3A_262 = arith.constant 0 : i32
        %dma_start3A_263 = arith.constant 0 : i32
        %dma_start3A_264 = tpu.memref_slice %arg9[%run_scoped3A_253, %dma_start3A_262, %dma_start3A_263] : memref<4x128x72xf32, #tpu.memory_space<vmem>> -> memref<1x128x72xf32, #tpu.memory_space<vmem>>
        %dma_start3A_265 = tpu.memref_squeeze %dma_start3A_264 : memref<1x128x72xf32, #tpu.memory_space<vmem>> -> memref<128x72xf32, #tpu.memory_space<vmem>>
        %dma_start3A_266 = arith.constant 0 : i32
        %dma_start3A_267 = tpu.memref_slice %arg8[%add3A_241, %dma_start3A_266] : memref<152x128xi32, #tpu.memory_space<vmem>> -> memref<1x128xi32, #tpu.memory_space<vmem>>
        %dma_start3A_268 = tpu.memref_squeeze %dma_start3A_267 : memref<1x128xi32, #tpu.memory_space<vmem>> -> memref<128xi32, #tpu.memory_space<vmem>>
        %dma_start3A_269 = arith.constant 0 : i32
        %dma_start3A_270 = arith.constant 0 : i32
        %dma_start3A_271 = tpu.memref_slice %arg10[%dma_start3A_269, %dma_start3A_270] : memref<10240x72xf32, #tpu.memory_space<vmem_shared>> -> memref<10240x72xf32, #tpu.memory_space<vmem_shared>>
        tpu.enqueue_indirect_dma source(%dma_start3A_265 : memref<128x72xf32, #tpu.memory_space<vmem>>) target(%dma_start3A_271 : memref<10240x72xf32, #tpu.memory_space<vmem_shared>>) offsets(%dma_start3A_268 : memref<128xi32, #tpu.memory_space<vmem>>) semaphore(%run_scoped3A_261 : memref<!tpu.dma_semaphore, #tpu.memory_space<semaphore_mem>>) {add = true}
        %dma_wait3A_272 = arith.constant 0 : i32
        %dma_wait3A_273 = arith.constant 0 : i32
        %dma_wait3A_274 = tpu.memref_slice %arg9[%run_scoped3A_253, %dma_wait3A_272, %dma_wait3A_273] : memref<4x128x72xf32, #tpu.memory_space<vmem>> -> memref<1x128x72xf32, #tpu.memory_space<vmem>>
        %dma_wait3A_275 = tpu.memref_squeeze %dma_wait3A_274 : memref<1x128x72xf32, #tpu.memory_space<vmem>> -> memref<128x72xf32, #tpu.memory_space<vmem>>
        %dma_wait3A_276 = arith.constant 0 : i32
        %dma_wait3A_277 = tpu.memref_slice %arg8[%add3A_241, %dma_wait3A_276] : memref<152x128xi32, #tpu.memory_space<vmem>> -> memref<1x128xi32, #tpu.memory_space<vmem>>
        %dma_wait3A_278 = tpu.memref_squeeze %dma_wait3A_277 : memref<1x128xi32, #tpu.memory_space<vmem>> -> memref<128xi32, #tpu.memory_space<vmem>>
        %dma_wait3A_279 = arith.constant 0 : i32
        %dma_wait3A_280 = arith.constant 0 : i32
        %dma_wait3A_281 = tpu.memref_slice %arg10[%dma_wait3A_279, %dma_wait3A_280] : memref<10240x72xf32, #tpu.memory_space<vmem_shared>> -> memref<10240x72xf32, #tpu.memory_space<vmem_shared>>
        tpu.wait_indirect_dma semaphore(%run_scoped3A_261 : memref<!tpu.dma_semaphore, #tpu.memory_space<semaphore_mem>>) src(%dma_wait3A_275 : memref<128x72xf32, #tpu.memory_space<vmem>>) dst(%dma_wait3A_281 : memref<10240x72xf32, #tpu.memory_space<vmem_shared>>)
        tpu.yield
      }) : () -> ()
      %add3A_254 = arith.constant 4 : i32
      %add3A_255 = arith.addi %add3A_241, %add3A_254 : i32
      %lt3A_256 = arith.cmpi slt, %add3A_255, %mul3A_12 : i32
      %convert_element_type3A_257 = arith.extui %lt3A_256 : i1 to i32
      %cond3A_258 = arith.constant 0 : i32
      %cond3A_259 = arith.cmpi ne, %convert_element_type3A_257, %cond3A_258 : i32
      scf.if %cond3A_259 {
        %dma_start3A_261 = arith.constant 3 : i32
        %dma_start3A_262 = arith.constant 0 : i32
        %dma_start3A_263 = arith.constant 0 : i32
        %dma_start3A_264 = tpu.memref_slice %arg9[%dma_start3A_261, %dma_start3A_262, %dma_start3A_263] : memref<4x128x72xf32, #tpu.memory_space<vmem>> -> memref<1x128x72xf32, #tpu.memory_space<vmem>>
        %dma_start3A_265 = tpu.memref_squeeze %dma_start3A_264 : memref<1x128x72xf32, #tpu.memory_space<vmem>> -> memref<128x72xf32, #tpu.memory_space<vmem>>
        %dma_start3A_266 = arith.constant 0 : i32
        %dma_start3A_267 = tpu.memref_slice %arg7[%add3A_255, %dma_start3A_266] : memref<152x128xi32, #tpu.memory_space<vmem>> -> memref<1x128xi32, #tpu.memory_space<vmem>>
        %dma_start3A_268 = tpu.memref_squeeze %dma_start3A_267 : memref<1x128xi32, #tpu.memory_space<vmem>> -> memref<128xi32, #tpu.memory_space<vmem>>
        %dma_start3A_269 = arith.constant 0 : i32
        %dma_start3A_270 = arith.constant 0 : i32
        %dma_start3A_271 = tpu.memref_slice %arg2[%dma_start3A_269, %dma_start3A_270] : memref<10240x72xf32, #tpu.memory_space<hbm>> -> memref<10240x72xf32, #tpu.memory_space<hbm>>
        tpu.enqueue_indirect_dma source(%dma_start3A_271 : memref<10240x72xf32, #tpu.memory_space<hbm>>) target(%dma_start3A_265 : memref<128x72xf32, #tpu.memory_space<vmem>>) offsets(%dma_start3A_268 : memref<128xi32, #tpu.memory_space<vmem>>) semaphore(%arg14 : memref<!tpu.dma_semaphore, #tpu.memory_space<semaphore_mem>>)
      } else {
      }
      %while3A_260 = arith.constant 0 : i32
      scf.yield %while3A_260 : i32
    }
    %while3A_82 = arith.constant 1 : i32
    %while3A_83 = scf.for %while3A_175 = %while3A_79 to %while3A_75 step %while3A_82 iter_args(%while3A_176 = %while3A_81) -> (i32)  : i32 {
      %mul3A_177 = arith.constant 4 : i32
      %mul3A_178 = arith.muli %while3A_175, %mul3A_177 : i32
      %add3A_179 = arith.constant 0 : i32
      %add3A_180 = arith.addi %mul3A_178, %add3A_179 : i32
      %dma_wait3A = arith.constant 0 : i32
      %dma_wait3A_181 = arith.constant 0 : i32
      %dma_wait3A_182 = arith.constant 0 : i32
      %dma_wait3A_183 = tpu.memref_slice %arg9[%dma_wait3A, %dma_wait3A_181, %dma_wait3A_182] : memref<4x128x72xf32, #tpu.memory_space<vmem>> -> memref<1x128x72xf32, #tpu.memory_space<vmem>>
      %dma_wait3A_184 = tpu.memref_squeeze %dma_wait3A_183 : memref<1x128x72xf32, #tpu.memory_space<vmem>> -> memref<128x72xf32, #tpu.memory_space<vmem>>
      %dma_wait3A_185 = arith.constant 0 : i32
      %dma_wait3A_186 = tpu.memref_slice %arg7[%add3A_180, %dma_wait3A_185] : memref<152x128xi32, #tpu.memory_space<vmem>> -> memref<1x128xi32, #tpu.memory_space<vmem>>
      %dma_wait3A_187 = tpu.memref_squeeze %dma_wait3A_186 : memref<1x128xi32, #tpu.memory_space<vmem>> -> memref<128xi32, #tpu.memory_space<vmem>>
      %dma_wait3A_188 = arith.constant 0 : i32
      %dma_wait3A_189 = arith.constant 0 : i32
      %dma_wait3A_190 = tpu.memref_slice %arg2[%dma_wait3A_188, %dma_wait3A_189] : memref<10240x72xf32, #tpu.memory_space<hbm>> -> memref<10240x72xf32, #tpu.memory_space<hbm>>
      tpu.wait_indirect_dma semaphore(%arg11 : memref<!tpu.dma_semaphore, #tpu.memory_space<semaphore_mem>>) src(%dma_wait3A_190 : memref<10240x72xf32, #tpu.memory_space<hbm>>) dst(%dma_wait3A_184 : memref<128x72xf32, #tpu.memory_space<vmem>>)
      %run_scoped3A = arith.constant 0 : i32
      "tpu.region"() ({
        %run_scoped3A_261 = tpu.sem_alloc : memref<!tpu.dma_semaphore, #tpu.memory_space<semaphore_mem>>
        %dma_start3A_262 = arith.constant 0 : i32
        %dma_start3A_263 = arith.constant 0 : i32
        %dma_start3A_264 = tpu.memref_slice %arg9[%run_scoped3A, %dma_start3A_262, %dma_start3A_263] : memref<4x128x72xf32, #tpu.memory_space<vmem>> -> memref<1x128x72xf32, #tpu.memory_space<vmem>>
        %dma_start3A_265 = tpu.memref_squeeze %dma_start3A_264 : memref<1x128x72xf32, #tpu.memory_space<vmem>> -> memref<128x72xf32, #tpu.memory_space<vmem>>
        %dma_start3A_266 = arith.constant 0 : i32
        %dma_start3A_267 = tpu.memref_slice %arg8[%add3A_180, %dma_start3A_266] : memref<152x128xi32, #tpu.memory_space<vmem>> -> memref<1x128xi32, #tpu.memory_space<vmem>>
        %dma_start3A_268 = tpu.memref_squeeze %dma_start3A_267 : memref<1x128xi32, #tpu.memory_space<vmem>> -> memref<128xi32, #tpu.memory_space<vmem>>
        %dma_start3A_269 = arith.constant 0 : i32
        %dma_start3A_270 = arith.constant 0 : i32
        %dma_start3A_271 = tpu.memref_slice %arg10[%dma_start3A_269, %dma_start3A_270] : memref<10240x72xf32, #tpu.memory_space<vmem_shared>> -> memref<10240x72xf32, #tpu.memory_space<vmem_shared>>
        tpu.enqueue_indirect_dma source(%dma_start3A_265 : memref<128x72xf32, #tpu.memory_space<vmem>>) target(%dma_start3A_271 : memref<10240x72xf32, #tpu.memory_space<vmem_shared>>) offsets(%dma_start3A_268 : memref<128xi32, #tpu.memory_space<vmem>>) semaphore(%run_scoped3A_261 : memref<!tpu.dma_semaphore, #tpu.memory_space<semaphore_mem>>) {add = true}
        %dma_wait3A_272 = arith.constant 0 : i32
        %dma_wait3A_273 = arith.constant 0 : i32
        %dma_wait3A_274 = tpu.memref_slice %arg9[%run_scoped3A, %dma_wait3A_272, %dma_wait3A_273] : memref<4x128x72xf32, #tpu.memory_space<vmem>> -> memref<1x128x72xf32, #tpu.memory_space<vmem>>
        %dma_wait3A_275 = tpu.memref_squeeze %dma_wait3A_274 : memref<1x128x72xf32, #tpu.memory_space<vmem>> -> memref<128x72xf32, #tpu.memory_space<vmem>>
        %dma_wait3A_276 = arith.constant 0 : i32
        %dma_wait3A_277 = tpu.memref_slice %arg8[%add3A_180, %dma_wait3A_276] : memref<152x128xi32, #tpu.memory_space<vmem>> -> memref<1x128xi32, #tpu.memory_space<vmem>>
        %dma_wait3A_278 = tpu.memref_squeeze %dma_wait3A_277 : memref<1x128xi32, #tpu.memory_space<vmem>> -> memref<128xi32, #tpu.memory_space<vmem>>
        %dma_wait3A_279 = arith.constant 0 : i32
        %dma_wait3A_280 = arith.constant 0 : i32
        %dma_wait3A_281 = tpu.memref_slice %arg10[%dma_wait3A_279, %dma_wait3A_280] : memref<10240x72xf32, #tpu.memory_space<vmem_shared>> -> memref<10240x72xf32, #tpu.memory_space<vmem_shared>>
        tpu.wait_indirect_dma semaphore(%run_scoped3A_261 : memref<!tpu.dma_semaphore, #tpu.memory_space<semaphore_mem>>) src(%dma_wait3A_275 : memref<128x72xf32, #tpu.memory_space<vmem>>) dst(%dma_wait3A_281 : memref<10240x72xf32, #tpu.memory_space<vmem_shared>>)
        tpu.yield
      }) : () -> ()
      %add3A_191 = arith.constant 4 : i32
      %add3A_192 = arith.addi %add3A_180, %add3A_191 : i32
      %lt3A = arith.cmpi slt, %add3A_192, %mul3A_12 : i32
      %convert_element_type3A = arith.extui %lt3A : i1 to i32
      %cond3A = arith.constant 0 : i32
      %cond3A_193 = arith.cmpi ne, %convert_element_type3A, %cond3A : i32
      scf.if %cond3A_193 {
        %dma_start3A_261 = arith.constant 0 : i32
        %dma_start3A_262 = arith.constant 0 : i32
        %dma_start3A_263 = arith.constant 0 : i32
        %dma_start3A_264 = tpu.memref_slice %arg9[%dma_start3A_261, %dma_start3A_262, %dma_start3A_263] : memref<4x128x72xf32, #tpu.memory_space<vmem>> -> memref<1x128x72xf32, #tpu.memory_space<vmem>>
        %dma_start3A_265 = tpu.memref_squeeze %dma_start3A_264 : memref<1x128x72xf32, #tpu.memory_space<vmem>> -> memref<128x72xf32, #tpu.memory_space<vmem>>
        %dma_start3A_266 = arith.constant 0 : i32
        %dma_start3A_267 = tpu.memref_slice %arg7[%add3A_192, %dma_start3A_266] : memref<152x128xi32, #tpu.memory_space<vmem>> -> memref<1x128xi32, #tpu.memory_space<vmem>>
        %dma_start3A_268 = tpu.memref_squeeze %dma_start3A_267 : memref<1x128xi32, #tpu.memory_space<vmem>> -> memref<128xi32, #tpu.memory_space<vmem>>
        %dma_start3A_269 = arith.constant 0 : i32
        %dma_start3A_270 = arith.constant 0 : i32
        %dma_start3A_271 = tpu.memref_slice %arg2[%dma_start3A_269, %dma_start3A_270] : memref<10240x72xf32, #tpu.memory_space<hbm>> -> memref<10240x72xf32, #tpu.memory_space<hbm>>
        tpu.enqueue_indirect_dma source(%dma_start3A_271 : memref<10240x72xf32, #tpu.memory_space<hbm>>) target(%dma_start3A_265 : memref<128x72xf32, #tpu.memory_space<vmem>>) offsets(%dma_start3A_268 : memref<128xi32, #tpu.memory_space<vmem>>) semaphore(%arg11 : memref<!tpu.dma_semaphore, #tpu.memory_space<semaphore_mem>>)
      } else {
      }
      %mul3A_194 = arith.constant 4 : i32
      %mul3A_195 = arith.muli %while3A_175, %mul3A_194 : i32
      %add3A_196 = arith.constant 1 : i32
      %add3A_197 = arith.addi %mul3A_195, %add3A_196 : i32
      %dma_wait3A_198 = arith.constant 1 : i32
      %dma_wait3A_199 = arith.constant 0 : i32
      %dma_wait3A_200 = arith.constant 0 : i32
      %dma_wait3A_201 = tpu.memref_slice %arg9[%dma_wait3A_198, %dma_wait3A_199, %dma_wait3A_200] : memref<4x128x72xf32, #tpu.memory_space<vmem>> -> memref<1x128x72xf32, #tpu.memory_space<vmem>>
      %dma_wait3A_202 = tpu.memref_squeeze %dma_wait3A_201 : memref<1x128x72xf32, #tpu.memory_space<vmem>> -> memref<128x72xf32, #tpu.memory_space<vmem>>
      %dma_wait3A_203 = arith.constant 0 : i32
      %dma_wait3A_204 = tpu.memref_slice %arg7[%add3A_197, %dma_wait3A_203] : memref<152x128xi32, #tpu.memory_space<vmem>> -> memref<1x128xi32, #tpu.memory_space<vmem>>
      %dma_wait3A_205 = tpu.memref_squeeze %dma_wait3A_204 : memref<1x128xi32, #tpu.memory_space<vmem>> -> memref<128xi32, #tpu.memory_space<vmem>>
      %dma_wait3A_206 = arith.constant 0 : i32
      %dma_wait3A_207 = arith.constant 0 : i32
      %dma_wait3A_208 = tpu.memref_slice %arg2[%dma_wait3A_206, %dma_wait3A_207] : memref<10240x72xf32, #tpu.memory_space<hbm>> -> memref<10240x72xf32, #tpu.memory_space<hbm>>
      tpu.wait_indirect_dma semaphore(%arg12 : memref<!tpu.dma_semaphore, #tpu.memory_space<semaphore_mem>>) src(%dma_wait3A_208 : memref<10240x72xf32, #tpu.memory_space<hbm>>) dst(%dma_wait3A_202 : memref<128x72xf32, #tpu.memory_space<vmem>>)
      %run_scoped3A_209 = arith.constant 1 : i32
      "tpu.region"() ({
        %run_scoped3A_261 = tpu.sem_alloc : memref<!tpu.dma_semaphore, #tpu.memory_space<semaphore_mem>>
        %dma_start3A_262 = arith.constant 0 : i32
        %dma_start3A_263 = arith.constant 0 : i32
        %dma_start3A_264 = tpu.memref_slice %arg9[%run_scoped3A_209, %dma_start3A_262, %dma_start3A_263] : memref<4x128x72xf32, #tpu.memory_space<vmem>> -> memref<1x128x72xf32, #tpu.memory_space<vmem>>
        %dma_start3A_265 = tpu.memref_squeeze %dma_start3A_264 : memref<1x128x72xf32, #tpu.memory_space<vmem>> -> memref<128x72xf32, #tpu.memory_space<vmem>>
        %dma_start3A_266 = arith.constant 0 : i32
        %dma_start3A_267 = tpu.memref_slice %arg8[%add3A_197, %dma_start3A_266] : memref<152x128xi32, #tpu.memory_space<vmem>> -> memref<1x128xi32, #tpu.memory_space<vmem>>
        %dma_start3A_268 = tpu.memref_squeeze %dma_start3A_267 : memref<1x128xi32, #tpu.memory_space<vmem>> -> memref<128xi32, #tpu.memory_space<vmem>>
        %dma_start3A_269 = arith.constant 0 : i32
        %dma_start3A_270 = arith.constant 0 : i32
        %dma_start3A_271 = tpu.memref_slice %arg10[%dma_start3A_269, %dma_start3A_270] : memref<10240x72xf32, #tpu.memory_space<vmem_shared>> -> memref<10240x72xf32, #tpu.memory_space<vmem_shared>>
        tpu.enqueue_indirect_dma source(%dma_start3A_265 : memref<128x72xf32, #tpu.memory_space<vmem>>) target(%dma_start3A_271 : memref<10240x72xf32, #tpu.memory_space<vmem_shared>>) offsets(%dma_start3A_268 : memref<128xi32, #tpu.memory_space<vmem>>) semaphore(%run_scoped3A_261 : memref<!tpu.dma_semaphore, #tpu.memory_space<semaphore_mem>>) {add = true}
        %dma_wait3A_272 = arith.constant 0 : i32
        %dma_wait3A_273 = arith.constant 0 : i32
        %dma_wait3A_274 = tpu.memref_slice %arg9[%run_scoped3A_209, %dma_wait3A_272, %dma_wait3A_273] : memref<4x128x72xf32, #tpu.memory_space<vmem>> -> memref<1x128x72xf32, #tpu.memory_space<vmem>>
        %dma_wait3A_275 = tpu.memref_squeeze %dma_wait3A_274 : memref<1x128x72xf32, #tpu.memory_space<vmem>> -> memref<128x72xf32, #tpu.memory_space<vmem>>
        %dma_wait3A_276 = arith.constant 0 : i32
        %dma_wait3A_277 = tpu.memref_slice %arg8[%add3A_197, %dma_wait3A_276] : memref<152x128xi32, #tpu.memory_space<vmem>> -> memref<1x128xi32, #tpu.memory_space<vmem>>
        %dma_wait3A_278 = tpu.memref_squeeze %dma_wait3A_277 : memref<1x128xi32, #tpu.memory_space<vmem>> -> memref<128xi32, #tpu.memory_space<vmem>>
        %dma_wait3A_279 = arith.constant 0 : i32
        %dma_wait3A_280 = arith.constant 0 : i32
        %dma_wait3A_281 = tpu.memref_slice %arg10[%dma_wait3A_279, %dma_wait3A_280] : memref<10240x72xf32, #tpu.memory_space<vmem_shared>> -> memref<10240x72xf32, #tpu.memory_space<vmem_shared>>
        tpu.wait_indirect_dma semaphore(%run_scoped3A_261 : memref<!tpu.dma_semaphore, #tpu.memory_space<semaphore_mem>>) src(%dma_wait3A_275 : memref<128x72xf32, #tpu.memory_space<vmem>>) dst(%dma_wait3A_281 : memref<10240x72xf32, #tpu.memory_space<vmem_shared>>)
        tpu.yield
      }) : () -> ()
      %add3A_210 = arith.constant 4 : i32
      %add3A_211 = arith.addi %add3A_197, %add3A_210 : i32
      %lt3A_212 = arith.cmpi slt, %add3A_211, %mul3A_12 : i32
      %convert_element_type3A_213 = arith.extui %lt3A_212 : i1 to i32
      %cond3A_214 = arith.constant 0 : i32
      %cond3A_215 = arith.cmpi ne, %convert_element_type3A_213, %cond3A_214 : i32
      scf.if %cond3A_215 {
        %dma_start3A_261 = arith.constant 1 : i32
        %dma_start3A_262 = arith.constant 0 : i32
        %dma_start3A_263 = arith.constant 0 : i32
        %dma_start3A_264 = tpu.memref_slice %arg9[%dma_start3A_261, %dma_start3A_262, %dma_start3A_263] : memref<4x128x72xf32, #tpu.memory_space<vmem>> -> memref<1x128x72xf32, #tpu.memory_space<vmem>>
        %dma_start3A_265 = tpu.memref_squeeze %dma_start3A_264 : memref<1x128x72xf32, #tpu.memory_space<vmem>> -> memref<128x72xf32, #tpu.memory_space<vmem>>
        %dma_start3A_266 = arith.constant 0 : i32
        %dma_start3A_267 = tpu.memref_slice %arg7[%add3A_211, %dma_start3A_266] : memref<152x128xi32, #tpu.memory_space<vmem>> -> memref<1x128xi32, #tpu.memory_space<vmem>>
        %dma_start3A_268 = tpu.memref_squeeze %dma_start3A_267 : memref<1x128xi32, #tpu.memory_space<vmem>> -> memref<128xi32, #tpu.memory_space<vmem>>
        %dma_start3A_269 = arith.constant 0 : i32
        %dma_start3A_270 = arith.constant 0 : i32
        %dma_start3A_271 = tpu.memref_slice %arg2[%dma_start3A_269, %dma_start3A_270] : memref<10240x72xf32, #tpu.memory_space<hbm>> -> memref<10240x72xf32, #tpu.memory_space<hbm>>
        tpu.enqueue_indirect_dma source(%dma_start3A_271 : memref<10240x72xf32, #tpu.memory_space<hbm>>) target(%dma_start3A_265 : memref<128x72xf32, #tpu.memory_space<vmem>>) offsets(%dma_start3A_268 : memref<128xi32, #tpu.memory_space<vmem>>) semaphore(%arg12 : memref<!tpu.dma_semaphore, #tpu.memory_space<semaphore_mem>>)
      } else {
      }
      %mul3A_216 = arith.constant 4 : i32
      %mul3A_217 = arith.muli %while3A_175, %mul3A_216 : i32
      %add3A_218 = arith.constant 2 : i32
      %add3A_219 = arith.addi %mul3A_217, %add3A_218 : i32
      %dma_wait3A_220 = arith.constant 2 : i32
      %dma_wait3A_221 = arith.constant 0 : i32
      %dma_wait3A_222 = arith.constant 0 : i32
      %dma_wait3A_223 = tpu.memref_slice %arg9[%dma_wait3A_220, %dma_wait3A_221, %dma_wait3A_222] : memref<4x128x72xf32, #tpu.memory_space<vmem>> -> memref<1x128x72xf32, #tpu.memory_space<vmem>>
      %dma_wait3A_224 = tpu.memref_squeeze %dma_wait3A_223 : memref<1x128x72xf32, #tpu.memory_space<vmem>> -> memref<128x72xf32, #tpu.memory_space<vmem>>
      %dma_wait3A_225 = arith.constant 0 : i32
      %dma_wait3A_226 = tpu.memref_slice %arg7[%add3A_219, %dma_wait3A_225] : memref<152x128xi32, #tpu.memory_space<vmem>> -> memref<1x128xi32, #tpu.memory_space<vmem>>
      %dma_wait3A_227 = tpu.memref_squeeze %dma_wait3A_226 : memref<1x128xi32, #tpu.memory_space<vmem>> -> memref<128xi32, #tpu.memory_space<vmem>>
      %dma_wait3A_228 = arith.constant 0 : i32
      %dma_wait3A_229 = arith.constant 0 : i32
      %dma_wait3A_230 = tpu.memref_slice %arg2[%dma_wait3A_228, %dma_wait3A_229] : memref<10240x72xf32, #tpu.memory_space<hbm>> -> memref<10240x72xf32, #tpu.memory_space<hbm>>
      tpu.wait_indirect_dma semaphore(%arg13 : memref<!tpu.dma_semaphore, #tpu.memory_space<semaphore_mem>>) src(%dma_wait3A_230 : memref<10240x72xf32, #tpu.memory_space<hbm>>) dst(%dma_wait3A_224 : memref<128x72xf32, #tpu.memory_space<vmem>>)
      %run_scoped3A_231 = arith.constant 2 : i32
      "tpu.region"() ({
        %run_scoped3A_261 = tpu.sem_alloc : memref<!tpu.dma_semaphore, #tpu.memory_space<semaphore_mem>>
        %dma_start3A_262 = arith.constant 0 : i32
        %dma_start3A_263 = arith.constant 0 : i32
        %dma_start3A_264 = tpu.memref_slice %arg9[%run_scoped3A_231, %dma_start3A_262, %dma_start3A_263] : memref<4x128x72xf32, #tpu.memory_space<vmem>> -> memref<1x128x72xf32, #tpu.memory_space<vmem>>
        %dma_start3A_265 = tpu.memref_squeeze %dma_start3A_264 : memref<1x128x72xf32, #tpu.memory_space<vmem>> -> memref<128x72xf32, #tpu.memory_space<vmem>>
        %dma_start3A_266 = arith.constant 0 : i32
        %dma_start3A_267 = tpu.memref_slice %arg8[%add3A_219, %dma_start3A_266] : memref<152x128xi32, #tpu.memory_space<vmem>> -> memref<1x128xi32, #tpu.memory_space<vmem>>
        %dma_start3A_268 = tpu.memref_squeeze %dma_start3A_267 : memref<1x128xi32, #tpu.memory_space<vmem>> -> memref<128xi32, #tpu.memory_space<vmem>>
        %dma_start3A_269 = arith.constant 0 : i32
        %dma_start3A_270 = arith.constant 0 : i32
        %dma_start3A_271 = tpu.memref_slice %arg10[%dma_start3A_269, %dma_start3A_270] : memref<10240x72xf32, #tpu.memory_space<vmem_shared>> -> memref<10240x72xf32, #tpu.memory_space<vmem_shared>>
        tpu.enqueue_indirect_dma source(%dma_start3A_265 : memref<128x72xf32, #tpu.memory_space<vmem>>) target(%dma_start3A_271 : memref<10240x72xf32, #tpu.memory_space<vmem_shared>>) offsets(%dma_start3A_268 : memref<128xi32, #tpu.memory_space<vmem>>) semaphore(%run_scoped3A_261 : memref<!tpu.dma_semaphore, #tpu.memory_space<semaphore_mem>>) {add = true}
        %dma_wait3A_272 = arith.constant 0 : i32
        %dma_wait3A_273 = arith.constant 0 : i32
        %dma_wait3A_274 = tpu.memref_slice %arg9[%run_scoped3A_231, %dma_wait3A_272, %dma_wait3A_273] : memref<4x128x72xf32, #tpu.memory_space<vmem>> -> memref<1x128x72xf32, #tpu.memory_space<vmem>>
        %dma_wait3A_275 = tpu.memref_squeeze %dma_wait3A_274 : memref<1x128x72xf32, #tpu.memory_space<vmem>> -> memref<128x72xf32, #tpu.memory_space<vmem>>
        %dma_wait3A_276 = arith.constant 0 : i32
        %dma_wait3A_277 = tpu.memref_slice %arg8[%add3A_219, %dma_wait3A_276] : memref<152x128xi32, #tpu.memory_space<vmem>> -> memref<1x128xi32, #tpu.memory_space<vmem>>
        %dma_wait3A_278 = tpu.memref_squeeze %dma_wait3A_277 : memref<1x128xi32, #tpu.memory_space<vmem>> -> memref<128xi32, #tpu.memory_space<vmem>>
        %dma_wait3A_279 = arith.constant 0 : i32
        %dma_wait3A_280 = arith.constant 0 : i32
        %dma_wait3A_281 = tpu.memref_slice %arg10[%dma_wait3A_279, %dma_wait3A_280] : memref<10240x72xf32, #tpu.memory_space<vmem_shared>> -> memref<10240x72xf32, #tpu.memory_space<vmem_shared>>
        tpu.wait_indirect_dma semaphore(%run_scoped3A_261 : memref<!tpu.dma_semaphore, #tpu.memory_space<semaphore_mem>>) src(%dma_wait3A_275 : memref<128x72xf32, #tpu.memory_space<vmem>>) dst(%dma_wait3A_281 : memref<10240x72xf32, #tpu.memory_space<vmem_shared>>)
        tpu.yield
      }) : () -> ()
      %add3A_232 = arith.constant 4 : i32
      %add3A_233 = arith.addi %add3A_219, %add3A_232 : i32
      %lt3A_234 = arith.cmpi slt, %add3A_233, %mul3A_12 : i32
      %convert_element_type3A_235 = arith.extui %lt3A_234 : i1 to i32
      %cond3A_236 = arith.constant 0 : i32
      %cond3A_237 = arith.cmpi ne, %convert_element_type3A_235, %cond3A_236 : i32
      scf.if %cond3A_237 {
        %dma_start3A_261 = arith.constant 2 : i32
        %dma_start3A_262 = arith.constant 0 : i32
        %dma_start3A_263 = arith.constant 0 : i32
        %dma_start3A_264 = tpu.memref_slice %arg9[%dma_start3A_261, %dma_start3A_262, %dma_start3A_263] : memref<4x128x72xf32, #tpu.memory_space<vmem>> -> memref<1x128x72xf32, #tpu.memory_space<vmem>>
        %dma_start3A_265 = tpu.memref_squeeze %dma_start3A_264 : memref<1x128x72xf32, #tpu.memory_space<vmem>> -> memref<128x72xf32, #tpu.memory_space<vmem>>
        %dma_start3A_266 = arith.constant 0 : i32
        %dma_start3A_267 = tpu.memref_slice %arg7[%add3A_233, %dma_start3A_266] : memref<152x128xi32, #tpu.memory_space<vmem>> -> memref<1x128xi32, #tpu.memory_space<vmem>>
        %dma_start3A_268 = tpu.memref_squeeze %dma_start3A_267 : memref<1x128xi32, #tpu.memory_space<vmem>> -> memref<128xi32, #tpu.memory_space<vmem>>
        %dma_start3A_269 = arith.constant 0 : i32
        %dma_start3A_270 = arith.constant 0 : i32
        %dma_start3A_271 = tpu.memref_slice %arg2[%dma_start3A_269, %dma_start3A_270] : memref<10240x72xf32, #tpu.memory_space<hbm>> -> memref<10240x72xf32, #tpu.memory_space<hbm>>
        tpu.enqueue_indirect_dma source(%dma_start3A_271 : memref<10240x72xf32, #tpu.memory_space<hbm>>) target(%dma_start3A_265 : memref<128x72xf32, #tpu.memory_space<vmem>>) offsets(%dma_start3A_268 : memref<128xi32, #tpu.memory_space<vmem>>) semaphore(%arg13 : memref<!tpu.dma_semaphore, #tpu.memory_space<semaphore_mem>>)
      } else {
      }
      %mul3A_238 = arith.constant 4 : i32
      %mul3A_239 = arith.muli %while3A_175, %mul3A_238 : i32
      %add3A_240 = arith.constant 3 : i32
      %add3A_241 = arith.addi %mul3A_239, %add3A_240 : i32
      %dma_wait3A_242 = arith.constant 3 : i32
      %dma_wait3A_243 = arith.constant 0 : i32
      %dma_wait3A_244 = arith.constant 0 : i32
      %dma_wait3A_245 = tpu.memref_slice %arg9[%dma_wait3A_242, %dma_wait3A_243, %dma_wait3A_244] : memref<4x128x72xf32, #tpu.memory_space<vmem>> -> memref<1x128x72xf32, #tpu.memory_space<vmem>>
      %dma_wait3A_246 = tpu.memref_squeeze %dma_wait3A_245 : memref<1x128x72xf32, #tpu.memory_space<vmem>> -> memref<128x72xf32, #tpu.memory_space<vmem>>
      %dma_wait3A_247 = arith.constant 0 : i32
      %dma_wait3A_248 = tpu.memref_slice %arg7[%add3A_241, %dma_wait3A_247] : memref<152x128xi32, #tpu.memory_space<vmem>> -> memref<1x128xi32, #tpu.memory_space<vmem>>
      %dma_wait3A_249 = tpu.memref_squeeze %dma_wait3A_248 : memref<1x128xi32, #tpu.memory_space<vmem>> -> memref<128xi32, #tpu.memory_space<vmem>>
      %dma_wait3A_250 = arith.constant 0 : i32
      %dma_wait3A_251 = arith.constant 0 : i32
      %dma_wait3A_252 = tpu.memref_slice %arg2[%dma_wait3A_250, %dma_wait3A_251] : memref<10240x72xf32, #tpu.memory_space<hbm>> -> memref<10240x72xf32, #tpu.memory_space<hbm>>
      tpu.wait_indirect_dma semaphore(%arg14 : memref<!tpu.dma_semaphore, #tpu.memory_space<semaphore_mem>>) src(%dma_wait3A_252 : memref<10240x72xf32, #tpu.memory_space<hbm>>) dst(%dma_wait3A_246 : memref<128x72xf32, #tpu.memory_space<vmem>>)
      %run_scoped3A_253 = arith.constant 3 : i32
      "tpu.region"() ({
        %run_scoped3A_261 = tpu.sem_alloc : memref<!tpu.dma_semaphore, #tpu.memory_space<semaphore_mem>>
        %dma_start3A_262 = arith.constant 0 : i32
        %dma_start3A_263 = arith.constant 0 : i32
        %dma_start3A_264 = tpu.memref_slice %arg9[%run_scoped3A_253, %dma_start3A_262, %dma_start3A_263] : memref<4x128x72xf32, #tpu.memory_space<vmem>> -> memref<1x128x72xf32, #tpu.memory_space<vmem>>
        %dma_start3A_265 = tpu.memref_squeeze %dma_start3A_264 : memref<1x128x72xf32, #tpu.memory_space<vmem>> -> memref<128x72xf32, #tpu.memory_space<vmem>>
        %dma_start3A_266 = arith.constant 0 : i32
        %dma_start3A_267 = tpu.memref_slice %arg8[%add3A_241, %dma_start3A_266] : memref<152x128xi32, #tpu.memory_space<vmem>> -> memref<1x128xi32, #tpu.memory_space<vmem>>
        %dma_start3A_268 = tpu.memref_squeeze %dma_start3A_267 : memref<1x128xi32, #tpu.memory_space<vmem>> -> memref<128xi32, #tpu.memory_space<vmem>>
        %dma_start3A_269 = arith.constant 0 : i32
        %dma_start3A_270 = arith.constant 0 : i32
        %dma_start3A_271 = tpu.memref_slice %arg10[%dma_start3A_269, %dma_start3A_270] : memref<10240x72xf32, #tpu.memory_space<vmem_shared>> -> memref<10240x72xf32, #tpu.memory_space<vmem_shared>>
        tpu.enqueue_indirect_dma source(%dma_start3A_265 : memref<128x72xf32, #tpu.memory_space<vmem>>) target(%dma_start3A_271 : memref<10240x72xf32, #tpu.memory_space<vmem_shared>>) offsets(%dma_start3A_268 : memref<128xi32, #tpu.memory_space<vmem>>) semaphore(%run_scoped3A_261 : memref<!tpu.dma_semaphore, #tpu.memory_space<semaphore_mem>>) {add = true}
        %dma_wait3A_272 = arith.constant 0 : i32
        %dma_wait3A_273 = arith.constant 0 : i32
        %dma_wait3A_274 = tpu.memref_slice %arg9[%run_scoped3A_253, %dma_wait3A_272, %dma_wait3A_273] : memref<4x128x72xf32, #tpu.memory_space<vmem>> -> memref<1x128x72xf32, #tpu.memory_space<vmem>>
        %dma_wait3A_275 = tpu.memref_squeeze %dma_wait3A_274 : memref<1x128x72xf32, #tpu.memory_space<vmem>> -> memref<128x72xf32, #tpu.memory_space<vmem>>
        %dma_wait3A_276 = arith.constant 0 : i32
        %dma_wait3A_277 = tpu.memref_slice %arg8[%add3A_241, %dma_wait3A_276] : memref<152x128xi32, #tpu.memory_space<vmem>> -> memref<1x128xi32, #tpu.memory_space<vmem>>
        %dma_wait3A_278 = tpu.memref_squeeze %dma_wait3A_277 : memref<1x128xi32, #tpu.memory_space<vmem>> -> memref<128xi32, #tpu.memory_space<vmem>>
        %dma_wait3A_279 = arith.constant 0 : i32
        %dma_wait3A_280 = arith.constant 0 : i32
        %dma_wait3A_281 = tpu.memref_slice %arg10[%dma_wait3A_279, %dma_wait3A_280] : memref<10240x72xf32, #tpu.memory_space<vmem_shared>> -> memref<10240x72xf32, #tpu.memory_space<vmem_shared>>
        tpu.wait_indirect_dma semaphore(%run_scoped3A_261 : memref<!tpu.dma_semaphore, #tpu.memory_space<semaphore_mem>>) src(%dma_wait3A_275 : memref<128x72xf32, #tpu.memory_space<vmem>>) dst(%dma_wait3A_281 : memref<10240x72xf32, #tpu.memory_space<vmem_shared>>)
        tpu.yield
      }) : () -> ()
      %add3A_254 = arith.constant 4 : i32
      %add3A_255 = arith.addi %add3A_241, %add3A_254 : i32
      %lt3A_256 = arith.cmpi slt, %add3A_255, %mul3A_12 : i32
      %convert_element_type3A_257 = arith.extui %lt3A_256 : i1 to i32
      %cond3A_258 = arith.constant 0 : i32
      %cond3A_259 = arith.cmpi ne, %convert_element_type3A_257, %cond3A_258 : i32
      scf.if %cond3A_259 {
        %dma_start3A_261 = arith.constant 3 : i32
        %dma_start3A_262 = arith.constant 0 : i32
        %dma_start3A_263 = arith.constant 0 : i32
        %dma_start3A_264 = tpu.memref_slice %arg9[%dma_start3A_261, %dma_start3A_262, %dma_start3A_263] : memref<4x128x72xf32, #tpu.memory_space<vmem>> -> memref<1x128x72xf32, #tpu.memory_space<vmem>>
        %dma_start3A_265 = tpu.memref_squeeze %dma_start3A_264 : memref<1x128x72xf32, #tpu.memory_space<vmem>> -> memref<128x72xf32, #tpu.memory_space<vmem>>
        %dma_start3A_266 = arith.constant 0 : i32
        %dma_start3A_267 = tpu.memref_slice %arg7[%add3A_255, %dma_start3A_266] : memref<152x128xi32, #tpu.memory_space<vmem>> -> memref<1x128xi32, #tpu.memory_space<vmem>>
        %dma_start3A_268 = tpu.memref_squeeze %dma_start3A_267 : memref<1x128xi32, #tpu.memory_space<vmem>> -> memref<128xi32, #tpu.memory_space<vmem>>
        %dma_start3A_269 = arith.constant 0 : i32
        %dma_start3A_270 = arith.constant 0 : i32
        %dma_start3A_271 = tpu.memref_slice %arg2[%dma_start3A_269, %dma_start3A_270] : memref<10240x72xf32, #tpu.memory_space<hbm>> -> memref<10240x72xf32, #tpu.memory_space<hbm>>
        tpu.enqueue_indirect_dma source(%dma_start3A_271 : memref<10240x72xf32, #tpu.memory_space<hbm>>) target(%dma_start3A_265 : memref<128x72xf32, #tpu.memory_space<vmem>>) offsets(%dma_start3A_268 : memref<128xi32, #tpu.memory_space<vmem>>) semaphore(%arg14 : memref<!tpu.dma_semaphore, #tpu.memory_space<semaphore_mem>>)
      } else {
      }
      %while3A_260 = arith.constant 0 : i32
      scf.yield %while3A_260 : i32
    }
    %barrier3A_84 = arith.constant 0 : index
    tpu.barrier barrier_id(%barrier3A_84)
    %scan3A_85 = arith.constant 0 : i32
    %scan3A_86 = arith.constant 0 : i32
    %scan3A_87 = arith.constant 5 : i32
    %scan3A_88 = arith.addi %scan3A_86, %scan3A_87 : i32
    %scan3A_89 = arith.constant 1 : i32
    %scan3A_90 = scf.for %scan3A_175 = %scan3A_86 to %scan3A_88 step %scan3A_89 iter_args(%scan3A_176 = %scan3A_85) -> (i32)  : i32 {
      %mul3A_177 = arith.constant 128 : i32
      %mul3A_178 = arith.muli %scan3A_175, %mul3A_177 : i32
      %add3A_179 = arith.addi %mul3A_0, %mul3A_178 : i32
      %run_scoped3A = arith.constant 0 : i32
      "tpu.region"() ({
        %run_scoped3A_183 = tpu.sem_alloc : memref<!tpu.dma_semaphore, #tpu.memory_space<semaphore_mem>>
        %dma_start3A_184 = arith.constant 0 : i32
        %dma_start3A_185 = arith.constant 0 : i32
        %dma_start3A_186 = tpu.memref_slice %arg9[%run_scoped3A, %dma_start3A_184, %dma_start3A_185] : memref<4x128x72xf32, #tpu.memory_space<vmem>> -> memref<1x128x72xf32, #tpu.memory_space<vmem>>
        %dma_start3A_187 = tpu.memref_squeeze %dma_start3A_186 : memref<1x128x72xf32, #tpu.memory_space<vmem>> -> memref<128x72xf32, #tpu.memory_space<vmem>>
        %dma_start3A_188 = arith.constant 0 : i32
        %dma_start3A_189 = tpu.memref_slice %arg10[%add3A_179, %dma_start3A_188] : memref<10240x72xf32, #tpu.memory_space<vmem_shared>> -> memref<128x72xf32, #tpu.memory_space<vmem_shared>>
        %dma_start3A_190 = arith.constant 0 : i32
        %dma_start3A_191 = arith.constant 0 : i32
        %dma_start3A_192 = tpu.memref_slice %arg9[%run_scoped3A, %dma_start3A_190, %dma_start3A_191] : memref<4x128x72xf32, #tpu.memory_space<vmem>> -> memref<1x128x72xf32, #tpu.memory_space<vmem>>
        %dma_start3A_193 = tpu.memref_squeeze %dma_start3A_192 : memref<1x128x72xf32, #tpu.memory_space<vmem>> -> memref<128x72xf32, #tpu.memory_space<vmem>>
        %dma_start3A_194 = arith.constant 0 : i32
        %dma_start3A_195 = tpu.memref_slice %arg10[%add3A_179, %dma_start3A_194] : memref<10240x72xf32, #tpu.memory_space<vmem_shared>> -> memref<128x72xf32, #tpu.memory_space<vmem_shared>>
        tpu.enqueue_dma source(%dma_start3A_195 : memref<128x72xf32, #tpu.memory_space<vmem_shared>>) target(%dma_start3A_193 : memref<128x72xf32, #tpu.memory_space<vmem>>) target_semaphore(%run_scoped3A_183 : memref<!tpu.dma_semaphore, #tpu.memory_space<semaphore_mem>>)
        %dma_wait3A = arith.constant 0 : i32
        %dma_wait3A_196 = arith.constant 0 : i32
        %dma_wait3A_197 = tpu.memref_slice %arg9[%run_scoped3A, %dma_wait3A, %dma_wait3A_196] : memref<4x128x72xf32, #tpu.memory_space<vmem>> -> memref<1x128x72xf32, #tpu.memory_space<vmem>>
        %dma_wait3A_198 = tpu.memref_squeeze %dma_wait3A_197 : memref<1x128x72xf32, #tpu.memory_space<vmem>> -> memref<128x72xf32, #tpu.memory_space<vmem>>
        %dma_wait3A_199 = arith.constant 0 : i32
        %dma_wait3A_200 = tpu.memref_slice %arg10[%add3A_179, %dma_wait3A_199] : memref<10240x72xf32, #tpu.memory_space<vmem_shared>> -> memref<128x72xf32, #tpu.memory_space<vmem_shared>>
        %dma_wait3A_201 = arith.constant 0 : i32
        %dma_wait3A_202 = arith.constant 0 : i32
        %dma_wait3A_203 = tpu.memref_slice %arg9[%run_scoped3A, %dma_wait3A_201, %dma_wait3A_202] : memref<4x128x72xf32, #tpu.memory_space<vmem>> -> memref<1x128x72xf32, #tpu.memory_space<vmem>>
        %dma_wait3A_204 = tpu.memref_squeeze %dma_wait3A_203 : memref<1x128x72xf32, #tpu.memory_space<vmem>> -> memref<128x72xf32, #tpu.memory_space<vmem>>
        %dma_wait3A_205 = arith.constant 0 : i32
        %dma_wait3A_206 = tpu.memref_slice %arg10[%add3A_179, %dma_wait3A_205] : memref<10240x72xf32, #tpu.memory_space<vmem_shared>> -> memref<128x72xf32, #tpu.memory_space<vmem_shared>>
        tpu.wait_dma2 semaphore(%run_scoped3A_183 : memref<!tpu.dma_semaphore, #tpu.memory_space<semaphore_mem>>) src(%dma_wait3A_206 : memref<128x72xf32, #tpu.memory_space<vmem_shared>>) dst(%dma_wait3A_204 : memref<128x72xf32, #tpu.memory_space<vmem>>)
        tpu.yield
      }) : () -> ()
      %run_scoped3A_180 = arith.constant 0 : i32
      %run_scoped3A_181 = arith.constant 0 : i32
      "tpu.region"() ({
        %run_scoped3A_183 = tpu.sem_alloc : memref<!tpu.dma_semaphore, #tpu.memory_space<semaphore_mem>>
        %dma_start3A_184 = arith.constant 0 : i32
        %dma_start3A_185 = arith.constant 0 : i32
        %dma_start3A_186 = tpu.memref_slice %arg9[%run_scoped3A_180, %dma_start3A_184, %dma_start3A_185] : memref<4x128x72xf32, #tpu.memory_space<vmem>> -> memref<1x128x72xf32, #tpu.memory_space<vmem>>
        %dma_start3A_187 = tpu.memref_squeeze %dma_start3A_186 : memref<1x128x72xf32, #tpu.memory_space<vmem>> -> memref<128x72xf32, #tpu.memory_space<vmem>>
        %dma_start3A_188 = arith.constant 0 : i32
        %dma_start3A_189 = arith.constant 0 : i32
        %dma_start3A_190 = arith.constant 0 : i32
        %dma_start3A_191 = tpu.memref_slice %arg6[%arg0, %dma_start3A_188, %dma_start3A_189, %dma_start3A_190] : memref<2x2x10240x72xf32, #tpu.memory_space<hbm>> -> memref<1x2x10240x72xf32, #tpu.memory_space<hbm>>
        %dma_start3A_192 = tpu.memref_squeeze %dma_start3A_191 : memref<1x2x10240x72xf32, #tpu.memory_space<hbm>> -> memref<2x10240x72xf32, #tpu.memory_space<hbm>>
        %dma_start3A_193 = arith.constant 0 : i32
        %dma_start3A_194 = arith.constant 0 : i32
        %dma_start3A_195 = tpu.memref_slice %dma_start3A_192[%run_scoped3A_181, %dma_start3A_193, %dma_start3A_194] : memref<2x10240x72xf32, #tpu.memory_space<hbm>> -> memref<1x10240x72xf32, #tpu.memory_space<hbm>>
        %dma_start3A_196 = tpu.memref_squeeze %dma_start3A_195 : memref<1x10240x72xf32, #tpu.memory_space<hbm>> -> memref<10240x72xf32, #tpu.memory_space<hbm>>
        %dma_start3A_197 = arith.constant 0 : i32
        %dma_start3A_198 = tpu.memref_slice %dma_start3A_196[%add3A_179, %dma_start3A_197] : memref<10240x72xf32, #tpu.memory_space<hbm>> -> memref<128x72xf32, #tpu.memory_space<hbm>>
        %dma_start3A_199 = arith.constant 0 : i32
        %dma_start3A_200 = arith.constant 0 : i32
        %dma_start3A_201 = arith.constant 0 : i32
        %dma_start3A_202 = tpu.memref_slice %arg6[%arg0, %dma_start3A_199, %dma_start3A_200, %dma_start3A_201] : memref<2x2x10240x72xf32, #tpu.memory_space<hbm>> -> memref<1x2x10240x72xf32, #tpu.memory_space<hbm>>
        %dma_start3A_203 = tpu.memref_squeeze %dma_start3A_202 : memref<1x2x10240x72xf32, #tpu.memory_space<hbm>> -> memref<2x10240x72xf32, #tpu.memory_space<hbm>>
        %dma_start3A_204 = arith.constant 0 : i32
        %dma_start3A_205 = arith.constant 0 : i32
        %dma_start3A_206 = tpu.memref_slice %dma_start3A_203[%run_scoped3A_181, %dma_start3A_204, %dma_start3A_205] : memref<2x10240x72xf32, #tpu.memory_space<hbm>> -> memref<1x10240x72xf32, #tpu.memory_space<hbm>>
        %dma_start3A_207 = tpu.memref_squeeze %dma_start3A_206 : memref<1x10240x72xf32, #tpu.memory_space<hbm>> -> memref<10240x72xf32, #tpu.memory_space<hbm>>
        %dma_start3A_208 = arith.constant 0 : i32
        %dma_start3A_209 = tpu.memref_slice %dma_start3A_207[%add3A_179, %dma_start3A_208] : memref<10240x72xf32, #tpu.memory_space<hbm>> -> memref<128x72xf32, #tpu.memory_space<hbm>>
        %dma_start3A_210 = arith.constant 0 : i32
        %dma_start3A_211 = arith.constant 0 : i32
        %dma_start3A_212 = tpu.memref_slice %arg9[%run_scoped3A_180, %dma_start3A_210, %dma_start3A_211] : memref<4x128x72xf32, #tpu.memory_space<vmem>> -> memref<1x128x72xf32, #tpu.memory_space<vmem>>
        %dma_start3A_213 = tpu.memref_squeeze %dma_start3A_212 : memref<1x128x72xf32, #tpu.memory_space<vmem>> -> memref<128x72xf32, #tpu.memory_space<vmem>>
        tpu.enqueue_dma source(%dma_start3A_213 : memref<128x72xf32, #tpu.memory_space<vmem>>) target(%dma_start3A_209 : memref<128x72xf32, #tpu.memory_space<hbm>>) target_semaphore(%run_scoped3A_183 : memref<!tpu.dma_semaphore, #tpu.memory_space<semaphore_mem>>)
        %dma_wait3A = arith.constant 0 : i32
        %dma_wait3A_214 = arith.constant 0 : i32
        %dma_wait3A_215 = tpu.memref_slice %arg9[%run_scoped3A_180, %dma_wait3A, %dma_wait3A_214] : memref<4x128x72xf32, #tpu.memory_space<vmem>> -> memref<1x128x72xf32, #tpu.memory_space<vmem>>
        %dma_wait3A_216 = tpu.memref_squeeze %dma_wait3A_215 : memref<1x128x72xf32, #tpu.memory_space<vmem>> -> memref<128x72xf32, #tpu.memory_space<vmem>>
        %dma_wait3A_217 = arith.constant 0 : i32
        %dma_wait3A_218 = arith.constant 0 : i32
        %dma_wait3A_219 = arith.constant 0 : i32
        %dma_wait3A_220 = tpu.memref_slice %arg6[%arg0, %dma_wait3A_217, %dma_wait3A_218, %dma_wait3A_219] : memref<2x2x10240x72xf32, #tpu.memory_space<hbm>> -> memref<1x2x10240x72xf32, #tpu.memory_space<hbm>>
        %dma_wait3A_221 = tpu.memref_squeeze %dma_wait3A_220 : memref<1x2x10240x72xf32, #tpu.memory_space<hbm>> -> memref<2x10240x72xf32, #tpu.memory_space<hbm>>
        %dma_wait3A_222 = arith.constant 0 : i32
        %dma_wait3A_223 = arith.constant 0 : i32
        %dma_wait3A_224 = tpu.memref_slice %dma_wait3A_221[%run_scoped3A_181, %dma_wait3A_222, %dma_wait3A_223] : memref<2x10240x72xf32, #tpu.memory_space<hbm>> -> memref<1x10240x72xf32, #tpu.memory_space<hbm>>
        %dma_wait3A_225 = tpu.memref_squeeze %dma_wait3A_224 : memref<1x10240x72xf32, #tpu.memory_space<hbm>> -> memref<10240x72xf32, #tpu.memory_space<hbm>>
        %dma_wait3A_226 = arith.constant 0 : i32
        %dma_wait3A_227 = tpu.memref_slice %dma_wait3A_225[%add3A_179, %dma_wait3A_226] : memref<10240x72xf32, #tpu.memory_space<hbm>> -> memref<128x72xf32, #tpu.memory_space<hbm>>
        %dma_wait3A_228 = arith.constant 0 : i32
        %dma_wait3A_229 = arith.constant 0 : i32
        %dma_wait3A_230 = arith.constant 0 : i32
        %dma_wait3A_231 = tpu.memref_slice %arg6[%arg0, %dma_wait3A_228, %dma_wait3A_229, %dma_wait3A_230] : memref<2x2x10240x72xf32, #tpu.memory_space<hbm>> -> memref<1x2x10240x72xf32, #tpu.memory_space<hbm>>
        %dma_wait3A_232 = tpu.memref_squeeze %dma_wait3A_231 : memref<1x2x10240x72xf32, #tpu.memory_space<hbm>> -> memref<2x10240x72xf32, #tpu.memory_space<hbm>>
        %dma_wait3A_233 = arith.constant 0 : i32
        %dma_wait3A_234 = arith.constant 0 : i32
        %dma_wait3A_235 = tpu.memref_slice %dma_wait3A_232[%run_scoped3A_181, %dma_wait3A_233, %dma_wait3A_234] : memref<2x10240x72xf32, #tpu.memory_space<hbm>> -> memref<1x10240x72xf32, #tpu.memory_space<hbm>>
        %dma_wait3A_236 = tpu.memref_squeeze %dma_wait3A_235 : memref<1x10240x72xf32, #tpu.memory_space<hbm>> -> memref<10240x72xf32, #tpu.memory_space<hbm>>
        %dma_wait3A_237 = arith.constant 0 : i32
        %dma_wait3A_238 = tpu.memref_slice %dma_wait3A_236[%add3A_179, %dma_wait3A_237] : memref<10240x72xf32, #tpu.memory_space<hbm>> -> memref<128x72xf32, #tpu.memory_space<hbm>>
        %dma_wait3A_239 = arith.constant 0 : i32
        %dma_wait3A_240 = arith.constant 0 : i32
        %dma_wait3A_241 = tpu.memref_slice %arg9[%run_scoped3A_180, %dma_wait3A_239, %dma_wait3A_240] : memref<4x128x72xf32, #tpu.memory_space<vmem>> -> memref<1x128x72xf32, #tpu.memory_space<vmem>>
        %dma_wait3A_242 = tpu.memref_squeeze %dma_wait3A_241 : memref<1x128x72xf32, #tpu.memory_space<vmem>> -> memref<128x72xf32, #tpu.memory_space<vmem>>
        tpu.wait_dma2 semaphore(%run_scoped3A_183 : memref<!tpu.dma_semaphore, #tpu.memory_space<semaphore_mem>>) src(%dma_wait3A_242 : memref<128x72xf32, #tpu.memory_space<vmem>>) dst(%dma_wait3A_238 : memref<128x72xf32, #tpu.memory_space<hbm>>)
        tpu.yield
      }) : () -> ()
      %scan3A_182 = arith.constant 0 : i32
      scf.yield %scan3A_182 : i32
    }
    %scan3A_91 = arith.constant 5 : i32
    %scan3A_92 = arith.constant 0 : i32
    %scan3A_93 = arith.constant 0 : i32
    %scan3A_94 = arith.constant 128 : i32
    %scan3A_95 = arith.addi %scan3A_93, %scan3A_94 : i32
    %scan3A_96 = arith.constant 1 : i32
    %scan3A_97 = scf.for %scan3A_175 = %scan3A_93 to %scan3A_95 step %scan3A_96 iter_args(%scan3A_176 = %scan3A_92) -> (i32)  : i32 {
      %broadcast_in_dim3A = arith.constant 0.000000e+00 : f32
      %broadcast_in_dim3A_177 = vector.broadcast %broadcast_in_dim3A : f32 to vector<16xf32>
      %swap3A = arith.constant 0 : i32
      %swap3A_178 = arith.index_cast %swap3A : i32 to index
      %swap3A_179 = arith.index_cast %scan3A_175 : i32 to index
      %swap3A_180 = arith.constant 0 : index
      %swap3A_181 = tpu.vector_load %arg9[%swap3A_178, %swap3A_179, %swap3A_180] {strides = array<i32>} : memref<4x128x72xf32, #tpu.memory_space<vmem>>, vector<16xf32>,
      tpu.vector_store %arg9[%swap3A_178, %swap3A_179, %swap3A_180], %broadcast_in_dim3A_177 {strides = array<i32>} : memref<4x128x72xf32, #tpu.memory_space<vmem>>, vector<16xf32>,
      %broadcast_in_dim3A_182 = arith.constant 0.000000e+00 : f32
      %broadcast_in_dim3A_183 = vector.broadcast %broadcast_in_dim3A_182 : f32 to vector<16xf32>
      %swap3A_184 = arith.constant 0 : i32
      %swap3A_185 = arith.index_cast %swap3A_184 : i32 to index
      %swap3A_186 = arith.index_cast %scan3A_175 : i32 to index
      %swap3A_187 = arith.constant 16 : index
      %swap3A_188 = tpu.vector_load %arg9[%swap3A_185, %swap3A_186, %swap3A_187] {strides = array<i32>} : memref<4x128x72xf32, #tpu.memory_space<vmem>>, vector<16xf32>,
      tpu.vector_store %arg9[%swap3A_185, %swap3A_186, %swap3A_187], %broadcast_in_dim3A_183 {strides = array<i32>} : memref<4x128x72xf32, #tpu.memory_space<vmem>>, vector<16xf32>,
      %broadcast_in_dim3A_189 = arith.constant 0.000000e+00 : f32
      %broadcast_in_dim3A_190 = vector.broadcast %broadcast_in_dim3A_189 : f32 to vector<16xf32>
      %swap3A_191 = arith.constant 0 : i32
      %swap3A_192 = arith.index_cast %swap3A_191 : i32 to index
      %swap3A_193 = arith.index_cast %scan3A_175 : i32 to index
      %swap3A_194 = arith.constant 32 : index
      %swap3A_195 = tpu.vector_load %arg9[%swap3A_192, %swap3A_193, %swap3A_194] {strides = array<i32>} : memref<4x128x72xf32, #tpu.memory_space<vmem>>, vector<16xf32>,
      tpu.vector_store %arg9[%swap3A_192, %swap3A_193, %swap3A_194], %broadcast_in_dim3A_190 {strides = array<i32>} : memref<4x128x72xf32, #tpu.memory_space<vmem>>, vector<16xf32>,
      %broadcast_in_dim3A_196 = arith.constant 0.000000e+00 : f32
      %broadcast_in_dim3A_197 = vector.broadcast %broadcast_in_dim3A_196 : f32 to vector<16xf32>
      %swap3A_198 = arith.constant 0 : i32
      %swap3A_199 = arith.index_cast %swap3A_198 : i32 to index
      %swap3A_200 = arith.index_cast %scan3A_175 : i32 to index
      %swap3A_201 = arith.constant 48 : index
      %swap3A_202 = tpu.vector_load %arg9[%swap3A_199, %swap3A_200, %swap3A_201] {strides = array<i32>} : memref<4x128x72xf32, #tpu.memory_space<vmem>>, vector<16xf32>,
      tpu.vector_store %arg9[%swap3A_199, %swap3A_200, %swap3A_201], %broadcast_in_dim3A_197 {strides = array<i32>} : memref<4x128x72xf32, #tpu.memory_space<vmem>>, vector<16xf32>,
      %broadcast_in_dim3A_203 = arith.constant 0.000000e+00 : f32
      %broadcast_in_dim3A_204 = vector.broadcast %broadcast_in_dim3A_203 : f32 to vector<16xf32>
      %swap3A_205 = arith.constant 0 : i32
      %swap3A_206 = arith.index_cast %swap3A_205 : i32 to index
      %swap3A_207 = arith.index_cast %scan3A_175 : i32 to index
      %swap3A_208 = arith.constant 56 : index
      %swap3A_209 = tpu.vector_load %arg9[%swap3A_206, %swap3A_207, %swap3A_208] {strides = array<i32>} : memref<4x128x72xf32, #tpu.memory_space<vmem>>, vector<16xf32>,
      tpu.vector_store %arg9[%swap3A_206, %swap3A_207, %swap3A_208], %broadcast_in_dim3A_204 {strides = array<i32>} : memref<4x128x72xf32, #tpu.memory_space<vmem>>, vector<16xf32>,
      %scan3A_210 = arith.constant 0 : i32
      scf.yield %scan3A_210 : i32
    }
    %scan3A_98 = arith.constant 128 : i32
    %scan3A_99 = arith.constant 0 : i32
    %scan3A_100 = arith.constant 0 : i32
    %scan3A_101 = arith.constant 5 : i32
    %scan3A_102 = arith.addi %scan3A_100, %scan3A_101 : i32
    %scan3A_103 = arith.constant 1 : i32
    %scan3A_104 = scf.for %scan3A_175 = %scan3A_100 to %scan3A_102 step %scan3A_103 iter_args(%scan3A_176 = %scan3A_99) -> (i32)  : i32 {
      %mul3A_177 = arith.constant 128 : i32
      %mul3A_178 = arith.muli %scan3A_175, %mul3A_177 : i32
      %add3A_179 = arith.addi %mul3A_0, %mul3A_178 : i32
      %run_scoped3A = arith.constant 0 : i32
      "tpu.region"() ({
        %run_scoped3A_181 = tpu.sem_alloc : memref<!tpu.dma_semaphore, #tpu.memory_space<semaphore_mem>>
        %dma_start3A_182 = arith.constant 0 : i32
        %dma_start3A_183 = arith.constant 0 : i32
        %dma_start3A_184 = tpu.memref_slice %arg9[%run_scoped3A, %dma_start3A_182, %dma_start3A_183] : memref<4x128x72xf32, #tpu.memory_space<vmem>> -> memref<1x128x72xf32, #tpu.memory_space<vmem>>
        %dma_start3A_185 = tpu.memref_squeeze %dma_start3A_184 : memref<1x128x72xf32, #tpu.memory_space<vmem>> -> memref<128x72xf32, #tpu.memory_space<vmem>>
        %dma_start3A_186 = arith.constant 0 : i32
        %dma_start3A_187 = tpu.memref_slice %arg10[%add3A_179, %dma_start3A_186] : memref<10240x72xf32, #tpu.memory_space<vmem_shared>> -> memref<128x72xf32, #tpu.memory_space<vmem_shared>>
        %dma_start3A_188 = arith.constant 0 : i32
        %dma_start3A_189 = tpu.memref_slice %arg10[%add3A_179, %dma_start3A_188] : memref<10240x72xf32, #tpu.memory_space<vmem_shared>> -> memref<128x72xf32, #tpu.memory_space<vmem_shared>>
        %dma_start3A_190 = arith.constant 0 : i32
        %dma_start3A_191 = arith.constant 0 : i32
        %dma_start3A_192 = tpu.memref_slice %arg9[%run_scoped3A, %dma_start3A_190, %dma_start3A_191] : memref<4x128x72xf32, #tpu.memory_space<vmem>> -> memref<1x128x72xf32, #tpu.memory_space<vmem>>
        %dma_start3A_193 = tpu.memref_squeeze %dma_start3A_192 : memref<1x128x72xf32, #tpu.memory_space<vmem>> -> memref<128x72xf32, #tpu.memory_space<vmem>>
        tpu.enqueue_dma source(%dma_start3A_193 : memref<128x72xf32, #tpu.memory_space<vmem>>) target(%dma_start3A_189 : memref<128x72xf32, #tpu.memory_space<vmem_shared>>) target_semaphore(%run_scoped3A_181 : memref<!tpu.dma_semaphore, #tpu.memory_space<semaphore_mem>>)
        %dma_wait3A = arith.constant 0 : i32
        %dma_wait3A_194 = arith.constant 0 : i32
        %dma_wait3A_195 = tpu.memref_slice %arg9[%run_scoped3A, %dma_wait3A, %dma_wait3A_194] : memref<4x128x72xf32, #tpu.memory_space<vmem>> -> memref<1x128x72xf32, #tpu.memory_space<vmem>>
        %dma_wait3A_196 = tpu.memref_squeeze %dma_wait3A_195 : memref<1x128x72xf32, #tpu.memory_space<vmem>> -> memref<128x72xf32, #tpu.memory_space<vmem>>
        %dma_wait3A_197 = arith.constant 0 : i32
        %dma_wait3A_198 = tpu.memref_slice %arg10[%add3A_179, %dma_wait3A_197] : memref<10240x72xf32, #tpu.memory_space<vmem_shared>> -> memref<128x72xf32, #tpu.memory_space<vmem_shared>>
        %dma_wait3A_199 = arith.constant 0 : i32
        %dma_wait3A_200 = tpu.memref_slice %arg10[%add3A_179, %dma_wait3A_199] : memref<10240x72xf32, #tpu.memory_space<vmem_shared>> -> memref<128x72xf32, #tpu.memory_space<vmem_shared>>
        %dma_wait3A_201 = arith.constant 0 : i32
        %dma_wait3A_202 = arith.constant 0 : i32
        %dma_wait3A_203 = tpu.memref_slice %arg9[%run_scoped3A, %dma_wait3A_201, %dma_wait3A_202] : memref<4x128x72xf32, #tpu.memory_space<vmem>> -> memref<1x128x72xf32, #tpu.memory_space<vmem>>
        %dma_wait3A_204 = tpu.memref_squeeze %dma_wait3A_203 : memref<1x128x72xf32, #tpu.memory_space<vmem>> -> memref<128x72xf32, #tpu.memory_space<vmem>>
        tpu.wait_dma2 semaphore(%run_scoped3A_181 : memref<!tpu.dma_semaphore, #tpu.memory_space<semaphore_mem>>) src(%dma_wait3A_204 : memref<128x72xf32, #tpu.memory_space<vmem>>) dst(%dma_wait3A_200 : memref<128x72xf32, #tpu.memory_space<vmem_shared>>)
        tpu.yield
      }) : () -> ()
      %scan3A_180 = arith.constant 0 : i32
      scf.yield %scan3A_180 : i32
    }
    %scan3A_105 = arith.constant 5 : i32
    %dma_start3A_106 = arith.constant 0 : i32
    %dma_start3A_107 = arith.constant 0 : i32
    %dma_start3A_108 = arith.constant 0 : i32
    %dma_start3A_109 = arith.constant 0 : i32
    %dma_start3A_110 = tpu.memref_slice %arg9[%dma_start3A_107, %dma_start3A_108, %dma_start3A_109] : memref<4x128x72xf32, #tpu.memory_space<vmem>> -> memref<1x128x72xf32, #tpu.memory_space<vmem>>
    %dma_start3A_111 = tpu.memref_squeeze %dma_start3A_110 : memref<1x128x72xf32, #tpu.memory_space<vmem>> -> memref<128x72xf32, #tpu.memory_space<vmem>>
    %dma_start3A_112 = arith.constant 0 : i32
    %dma_start3A_113 = tpu.memref_slice %arg7[%dma_start3A_106, %dma_start3A_112] : memref<152x128xi32, #tpu.memory_space<vmem>> -> memref<1x128xi32, #tpu.memory_space<vmem>>
    %dma_start3A_114 = tpu.memref_squeeze %dma_start3A_113 : memref<1x128xi32, #tpu.memory_space<vmem>> -> memref<128xi32, #tpu.memory_space<vmem>>
    %dma_start3A_115 = arith.constant 0 : i32
    %dma_start3A_116 = arith.constant 0 : i32
    %dma_start3A_117 = tpu.memref_slice %arg3[%dma_start3A_115, %dma_start3A_116] : memref<10240x72xf32, #tpu.memory_space<hbm>> -> memref<10240x72xf32, #tpu.memory_space<hbm>>
    tpu.enqueue_indirect_dma source(%dma_start3A_117 : memref<10240x72xf32, #tpu.memory_space<hbm>>) target(%dma_start3A_111 : memref<128x72xf32, #tpu.memory_space<vmem>>) offsets(%dma_start3A_114 : memref<128xi32, #tpu.memory_space<vmem>>) semaphore(%arg11 : memref<!tpu.dma_semaphore, #tpu.memory_space<semaphore_mem>>)
    %dma_start3A_118 = arith.constant 1 : i32
    %dma_start3A_119 = arith.constant 1 : i32
    %dma_start3A_120 = arith.constant 0 : i32
    %dma_start3A_121 = arith.constant 0 : i32
    %dma_start3A_122 = tpu.memref_slice %arg9[%dma_start3A_119, %dma_start3A_120, %dma_start3A_121] : memref<4x128x72xf32, #tpu.memory_space<vmem>> -> memref<1x128x72xf32, #tpu.memory_space<vmem>>
    %dma_start3A_123 = tpu.memref_squeeze %dma_start3A_122 : memref<1x128x72xf32, #tpu.memory_space<vmem>> -> memref<128x72xf32, #tpu.memory_space<vmem>>
    %dma_start3A_124 = arith.constant 0 : i32
    %dma_start3A_125 = tpu.memref_slice %arg7[%dma_start3A_118, %dma_start3A_124] : memref<152x128xi32, #tpu.memory_space<vmem>> -> memref<1x128xi32, #tpu.memory_space<vmem>>
    %dma_start3A_126 = tpu.memref_squeeze %dma_start3A_125 : memref<1x128xi32, #tpu.memory_space<vmem>> -> memref<128xi32, #tpu.memory_space<vmem>>
    %dma_start3A_127 = arith.constant 0 : i32
    %dma_start3A_128 = arith.constant 0 : i32
    %dma_start3A_129 = tpu.memref_slice %arg3[%dma_start3A_127, %dma_start3A_128] : memref<10240x72xf32, #tpu.memory_space<hbm>> -> memref<10240x72xf32, #tpu.memory_space<hbm>>
    tpu.enqueue_indirect_dma source(%dma_start3A_129 : memref<10240x72xf32, #tpu.memory_space<hbm>>) target(%dma_start3A_123 : memref<128x72xf32, #tpu.memory_space<vmem>>) offsets(%dma_start3A_126 : memref<128xi32, #tpu.memory_space<vmem>>) semaphore(%arg12 : memref<!tpu.dma_semaphore, #tpu.memory_space<semaphore_mem>>)
    %dma_start3A_130 = arith.constant 2 : i32
    %dma_start3A_131 = arith.constant 2 : i32
    %dma_start3A_132 = arith.constant 0 : i32
    %dma_start3A_133 = arith.constant 0 : i32
    %dma_start3A_134 = tpu.memref_slice %arg9[%dma_start3A_131, %dma_start3A_132, %dma_start3A_133] : memref<4x128x72xf32, #tpu.memory_space<vmem>> -> memref<1x128x72xf32, #tpu.memory_space<vmem>>
    %dma_start3A_135 = tpu.memref_squeeze %dma_start3A_134 : memref<1x128x72xf32, #tpu.memory_space<vmem>> -> memref<128x72xf32, #tpu.memory_space<vmem>>
    %dma_start3A_136 = arith.constant 0 : i32
    %dma_start3A_137 = tpu.memref_slice %arg7[%dma_start3A_130, %dma_start3A_136] : memref<152x128xi32, #tpu.memory_space<vmem>> -> memref<1x128xi32, #tpu.memory_space<vmem>>
    %dma_start3A_138 = tpu.memref_squeeze %dma_start3A_137 : memref<1x128xi32, #tpu.memory_space<vmem>> -> memref<128xi32, #tpu.memory_space<vmem>>
    %dma_start3A_139 = arith.constant 0 : i32
    %dma_start3A_140 = arith.constant 0 : i32
    %dma_start3A_141 = tpu.memref_slice %arg3[%dma_start3A_139, %dma_start3A_140] : memref<10240x72xf32, #tpu.memory_space<hbm>> -> memref<10240x72xf32, #tpu.memory_space<hbm>>
    tpu.enqueue_indirect_dma source(%dma_start3A_141 : memref<10240x72xf32, #tpu.memory_space<hbm>>) target(%dma_start3A_135 : memref<128x72xf32, #tpu.memory_space<vmem>>) offsets(%dma_start3A_138 : memref<128xi32, #tpu.memory_space<vmem>>) semaphore(%arg13 : memref<!tpu.dma_semaphore, #tpu.memory_space<semaphore_mem>>)
    %dma_start3A_142 = arith.constant 3 : i32
    %dma_start3A_143 = arith.constant 3 : i32
    %dma_start3A_144 = arith.constant 0 : i32
    %dma_start3A_145 = arith.constant 0 : i32
    %dma_start3A_146 = tpu.memref_slice %arg9[%dma_start3A_143, %dma_start3A_144, %dma_start3A_145] : memref<4x128x72xf32, #tpu.memory_space<vmem>> -> memref<1x128x72xf32, #tpu.memory_space<vmem>>
    %dma_start3A_147 = tpu.memref_squeeze %dma_start3A_146 : memref<1x128x72xf32, #tpu.memory_space<vmem>> -> memref<128x72xf32, #tpu.memory_space<vmem>>
    %dma_start3A_148 = arith.constant 0 : i32
    %dma_start3A_149 = tpu.memref_slice %arg7[%dma_start3A_142, %dma_start3A_148] : memref<152x128xi32, #tpu.memory_space<vmem>> -> memref<1x128xi32, #tpu.memory_space<vmem>>
    %dma_start3A_150 = tpu.memref_squeeze %dma_start3A_149 : memref<1x128xi32, #tpu.memory_space<vmem>> -> memref<128xi32, #tpu.memory_space<vmem>>
    %dma_start3A_151 = arith.constant 0 : i32
    %dma_start3A_152 = arith.constant 0 : i32
    %dma_start3A_153 = tpu.memref_slice %arg3[%dma_start3A_151, %dma_start3A_152] : memref<10240x72xf32, #tpu.memory_space<hbm>> -> memref<10240x72xf32, #tpu.memory_space<hbm>>
    tpu.enqueue_indirect_dma source(%dma_start3A_153 : memref<10240x72xf32, #tpu.memory_space<hbm>>) target(%dma_start3A_147 : memref<128x72xf32, #tpu.memory_space<vmem>>) offsets(%dma_start3A_150 : memref<128xi32, #tpu.memory_space<vmem>>) semaphore(%arg14 : memref<!tpu.dma_semaphore, #tpu.memory_space<semaphore_mem>>)
    %barrier3A_154 = arith.constant 0 : index
    tpu.barrier barrier_id(%barrier3A_154)
    %while3A_155 = arith.constant 0 : i32
    %while3A_156 = arith.constant 0 : i32
    %while3A_157 = arith.subi %select_n3A_10, %while3A_155 : i32
    %while3A_158 = arith.addi %while3A_155, %while3A_157 : i32
    %while3A_159 = arith.constant 1 : i32
    %while3A_160 = arith.divsi %while3A_157, %while3A_159 : i32
    %while3A_161 = arith.muli %while3A_160, %while3A_159 : i32
    %while3A_162 = arith.addi %while3A_155, %while3A_161 : i32
    %while3A_163 = arith.constant 1 : i32
    %while3A_164 = scf.for %while3A_175 = %while3A_155 to %while3A_162 step %while3A_163 iter_args(%while3A_176 = %while3A_156) -> (i32)  : i32 {
      %mul3A_177 = arith.constant 4 : i32
      %mul3A_178 = arith.muli %while3A_175, %mul3A_177 : i32
      %add3A_179 = arith.constant 0 : i32
      %add3A_180 = arith.addi %mul3A_178, %add3A_179 : i32
      %dma_wait3A = arith.constant 0 : i32
      %dma_wait3A_181 = arith.constant 0 : i32
      %dma_wait3A_182 = arith.constant 0 : i32
      %dma_wait3A_183 = tpu.memref_slice %arg9[%dma_wait3A, %dma_wait3A_181, %dma_wait3A_182] : memref<4x128x72xf32, #tpu.memory_space<vmem>> -> memref<1x128x72xf32, #tpu.memory_space<vmem>>
      %dma_wait3A_184 = tpu.memref_squeeze %dma_wait3A_183 : memref<1x128x72xf32, #tpu.memory_space<vmem>> -> memref<128x72xf32, #tpu.memory_space<vmem>>
      %dma_wait3A_185 = arith.constant 0 : i32
      %dma_wait3A_186 = tpu.memref_slice %arg7[%add3A_180, %dma_wait3A_185] : memref<152x128xi32, #tpu.memory_space<vmem>> -> memref<1x128xi32, #tpu.memory_space<vmem>>
      %dma_wait3A_187 = tpu.memref_squeeze %dma_wait3A_186 : memref<1x128xi32, #tpu.memory_space<vmem>> -> memref<128xi32, #tpu.memory_space<vmem>>
      %dma_wait3A_188 = arith.constant 0 : i32
      %dma_wait3A_189 = arith.constant 0 : i32
      %dma_wait3A_190 = tpu.memref_slice %arg3[%dma_wait3A_188, %dma_wait3A_189] : memref<10240x72xf32, #tpu.memory_space<hbm>> -> memref<10240x72xf32, #tpu.memory_space<hbm>>
      tpu.wait_indirect_dma semaphore(%arg11 : memref<!tpu.dma_semaphore, #tpu.memory_space<semaphore_mem>>) src(%dma_wait3A_190 : memref<10240x72xf32, #tpu.memory_space<hbm>>) dst(%dma_wait3A_184 : memref<128x72xf32, #tpu.memory_space<vmem>>)
      %run_scoped3A = arith.constant 0 : i32
      "tpu.region"() ({
        %run_scoped3A_261 = tpu.sem_alloc : memref<!tpu.dma_semaphore, #tpu.memory_space<semaphore_mem>>
        %dma_start3A_262 = arith.constant 0 : i32
        %dma_start3A_263 = arith.constant 0 : i32
        %dma_start3A_264 = tpu.memref_slice %arg9[%run_scoped3A, %dma_start3A_262, %dma_start3A_263] : memref<4x128x72xf32, #tpu.memory_space<vmem>> -> memref<1x128x72xf32, #tpu.memory_space<vmem>>
        %dma_start3A_265 = tpu.memref_squeeze %dma_start3A_264 : memref<1x128x72xf32, #tpu.memory_space<vmem>> -> memref<128x72xf32, #tpu.memory_space<vmem>>
        %dma_start3A_266 = arith.constant 0 : i32
        %dma_start3A_267 = tpu.memref_slice %arg8[%add3A_180, %dma_start3A_266] : memref<152x128xi32, #tpu.memory_space<vmem>> -> memref<1x128xi32, #tpu.memory_space<vmem>>
        %dma_start3A_268 = tpu.memref_squeeze %dma_start3A_267 : memref<1x128xi32, #tpu.memory_space<vmem>> -> memref<128xi32, #tpu.memory_space<vmem>>
        %dma_start3A_269 = arith.constant 0 : i32
        %dma_start3A_270 = arith.constant 0 : i32
        %dma_start3A_271 = tpu.memref_slice %arg10[%dma_start3A_269, %dma_start3A_270] : memref<10240x72xf32, #tpu.memory_space<vmem_shared>> -> memref<10240x72xf32, #tpu.memory_space<vmem_shared>>
        tpu.enqueue_indirect_dma source(%dma_start3A_265 : memref<128x72xf32, #tpu.memory_space<vmem>>) target(%dma_start3A_271 : memref<10240x72xf32, #tpu.memory_space<vmem_shared>>) offsets(%dma_start3A_268 : memref<128xi32, #tpu.memory_space<vmem>>) semaphore(%run_scoped3A_261 : memref<!tpu.dma_semaphore, #tpu.memory_space<semaphore_mem>>) {add = true}
        %dma_wait3A_272 = arith.constant 0 : i32
        %dma_wait3A_273 = arith.constant 0 : i32
        %dma_wait3A_274 = tpu.memref_slice %arg9[%run_scoped3A, %dma_wait3A_272, %dma_wait3A_273] : memref<4x128x72xf32, #tpu.memory_space<vmem>> -> memref<1x128x72xf32, #tpu.memory_space<vmem>>
        %dma_wait3A_275 = tpu.memref_squeeze %dma_wait3A_274 : memref<1x128x72xf32, #tpu.memory_space<vmem>> -> memref<128x72xf32, #tpu.memory_space<vmem>>
        %dma_wait3A_276 = arith.constant 0 : i32
        %dma_wait3A_277 = tpu.memref_slice %arg8[%add3A_180, %dma_wait3A_276] : memref<152x128xi32, #tpu.memory_space<vmem>> -> memref<1x128xi32, #tpu.memory_space<vmem>>
        %dma_wait3A_278 = tpu.memref_squeeze %dma_wait3A_277 : memref<1x128xi32, #tpu.memory_space<vmem>> -> memref<128xi32, #tpu.memory_space<vmem>>
        %dma_wait3A_279 = arith.constant 0 : i32
        %dma_wait3A_280 = arith.constant 0 : i32
        %dma_wait3A_281 = tpu.memref_slice %arg10[%dma_wait3A_279, %dma_wait3A_280] : memref<10240x72xf32, #tpu.memory_space<vmem_shared>> -> memref<10240x72xf32, #tpu.memory_space<vmem_shared>>
        tpu.wait_indirect_dma semaphore(%run_scoped3A_261 : memref<!tpu.dma_semaphore, #tpu.memory_space<semaphore_mem>>) src(%dma_wait3A_275 : memref<128x72xf32, #tpu.memory_space<vmem>>) dst(%dma_wait3A_281 : memref<10240x72xf32, #tpu.memory_space<vmem_shared>>)
        tpu.yield
      }) : () -> ()
      %add3A_191 = arith.constant 4 : i32
      %add3A_192 = arith.addi %add3A_180, %add3A_191 : i32
      %lt3A = arith.cmpi slt, %add3A_192, %mul3A_12 : i32
      %convert_element_type3A = arith.extui %lt3A : i1 to i32
      %cond3A = arith.constant 0 : i32
      %cond3A_193 = arith.cmpi ne, %convert_element_type3A, %cond3A : i32
      scf.if %cond3A_193 {
        %dma_start3A_261 = arith.constant 0 : i32
        %dma_start3A_262 = arith.constant 0 : i32
        %dma_start3A_263 = arith.constant 0 : i32
        %dma_start3A_264 = tpu.memref_slice %arg9[%dma_start3A_261, %dma_start3A_262, %dma_start3A_263] : memref<4x128x72xf32, #tpu.memory_space<vmem>> -> memref<1x128x72xf32, #tpu.memory_space<vmem>>
        %dma_start3A_265 = tpu.memref_squeeze %dma_start3A_264 : memref<1x128x72xf32, #tpu.memory_space<vmem>> -> memref<128x72xf32, #tpu.memory_space<vmem>>
        %dma_start3A_266 = arith.constant 0 : i32
        %dma_start3A_267 = tpu.memref_slice %arg7[%add3A_192, %dma_start3A_266] : memref<152x128xi32, #tpu.memory_space<vmem>> -> memref<1x128xi32, #tpu.memory_space<vmem>>
        %dma_start3A_268 = tpu.memref_squeeze %dma_start3A_267 : memref<1x128xi32, #tpu.memory_space<vmem>> -> memref<128xi32, #tpu.memory_space<vmem>>
        %dma_start3A_269 = arith.constant 0 : i32
        %dma_start3A_270 = arith.constant 0 : i32
        %dma_start3A_271 = tpu.memref_slice %arg3[%dma_start3A_269, %dma_start3A_270] : memref<10240x72xf32, #tpu.memory_space<hbm>> -> memref<10240x72xf32, #tpu.memory_space<hbm>>
        tpu.enqueue_indirect_dma source(%dma_start3A_271 : memref<10240x72xf32, #tpu.memory_space<hbm>>) target(%dma_start3A_265 : memref<128x72xf32, #tpu.memory_space<vmem>>) offsets(%dma_start3A_268 : memref<128xi32, #tpu.memory_space<vmem>>) semaphore(%arg11 : memref<!tpu.dma_semaphore, #tpu.memory_space<semaphore_mem>>)
      } else {
      }
      %mul3A_194 = arith.constant 4 : i32
      %mul3A_195 = arith.muli %while3A_175, %mul3A_194 : i32
      %add3A_196 = arith.constant 1 : i32
      %add3A_197 = arith.addi %mul3A_195, %add3A_196 : i32
      %dma_wait3A_198 = arith.constant 1 : i32
      %dma_wait3A_199 = arith.constant 0 : i32
      %dma_wait3A_200 = arith.constant 0 : i32
      %dma_wait3A_201 = tpu.memref_slice %arg9[%dma_wait3A_198, %dma_wait3A_199, %dma_wait3A_200] : memref<4x128x72xf32, #tpu.memory_space<vmem>> -> memref<1x128x72xf32, #tpu.memory_space<vmem>>
      %dma_wait3A_202 = tpu.memref_squeeze %dma_wait3A_201 : memref<1x128x72xf32, #tpu.memory_space<vmem>> -> memref<128x72xf32, #tpu.memory_space<vmem>>
      %dma_wait3A_203 = arith.constant 0 : i32
      %dma_wait3A_204 = tpu.memref_slice %arg7[%add3A_197, %dma_wait3A_203] : memref<152x128xi32, #tpu.memory_space<vmem>> -> memref<1x128xi32, #tpu.memory_space<vmem>>
      %dma_wait3A_205 = tpu.memref_squeeze %dma_wait3A_204 : memref<1x128xi32, #tpu.memory_space<vmem>> -> memref<128xi32, #tpu.memory_space<vmem>>
      %dma_wait3A_206 = arith.constant 0 : i32
      %dma_wait3A_207 = arith.constant 0 : i32
      %dma_wait3A_208 = tpu.memref_slice %arg3[%dma_wait3A_206, %dma_wait3A_207] : memref<10240x72xf32, #tpu.memory_space<hbm>> -> memref<10240x72xf32, #tpu.memory_space<hbm>>
      tpu.wait_indirect_dma semaphore(%arg12 : memref<!tpu.dma_semaphore, #tpu.memory_space<semaphore_mem>>) src(%dma_wait3A_208 : memref<10240x72xf32, #tpu.memory_space<hbm>>) dst(%dma_wait3A_202 : memref<128x72xf32, #tpu.memory_space<vmem>>)
      %run_scoped3A_209 = arith.constant 1 : i32
      "tpu.region"() ({
        %run_scoped3A_261 = tpu.sem_alloc : memref<!tpu.dma_semaphore, #tpu.memory_space<semaphore_mem>>
        %dma_start3A_262 = arith.constant 0 : i32
        %dma_start3A_263 = arith.constant 0 : i32
        %dma_start3A_264 = tpu.memref_slice %arg9[%run_scoped3A_209, %dma_start3A_262, %dma_start3A_263] : memref<4x128x72xf32, #tpu.memory_space<vmem>> -> memref<1x128x72xf32, #tpu.memory_space<vmem>>
        %dma_start3A_265 = tpu.memref_squeeze %dma_start3A_264 : memref<1x128x72xf32, #tpu.memory_space<vmem>> -> memref<128x72xf32, #tpu.memory_space<vmem>>
        %dma_start3A_266 = arith.constant 0 : i32
        %dma_start3A_267 = tpu.memref_slice %arg8[%add3A_197, %dma_start3A_266] : memref<152x128xi32, #tpu.memory_space<vmem>> -> memref<1x128xi32, #tpu.memory_space<vmem>>
        %dma_start3A_268 = tpu.memref_squeeze %dma_start3A_267 : memref<1x128xi32, #tpu.memory_space<vmem>> -> memref<128xi32, #tpu.memory_space<vmem>>
        %dma_start3A_269 = arith.constant 0 : i32
        %dma_start3A_270 = arith.constant 0 : i32
        %dma_start3A_271 = tpu.memref_slice %arg10[%dma_start3A_269, %dma_start3A_270] : memref<10240x72xf32, #tpu.memory_space<vmem_shared>> -> memref<10240x72xf32, #tpu.memory_space<vmem_shared>>
        tpu.enqueue_indirect_dma source(%dma_start3A_265 : memref<128x72xf32, #tpu.memory_space<vmem>>) target(%dma_start3A_271 : memref<10240x72xf32, #tpu.memory_space<vmem_shared>>) offsets(%dma_start3A_268 : memref<128xi32, #tpu.memory_space<vmem>>) semaphore(%run_scoped3A_261 : memref<!tpu.dma_semaphore, #tpu.memory_space<semaphore_mem>>) {add = true}
        %dma_wait3A_272 = arith.constant 0 : i32
        %dma_wait3A_273 = arith.constant 0 : i32
        %dma_wait3A_274 = tpu.memref_slice %arg9[%run_scoped3A_209, %dma_wait3A_272, %dma_wait3A_273] : memref<4x128x72xf32, #tpu.memory_space<vmem>> -> memref<1x128x72xf32, #tpu.memory_space<vmem>>
        %dma_wait3A_275 = tpu.memref_squeeze %dma_wait3A_274 : memref<1x128x72xf32, #tpu.memory_space<vmem>> -> memref<128x72xf32, #tpu.memory_space<vmem>>
        %dma_wait3A_276 = arith.constant 0 : i32
        %dma_wait3A_277 = tpu.memref_slice %arg8[%add3A_197, %dma_wait3A_276] : memref<152x128xi32, #tpu.memory_space<vmem>> -> memref<1x128xi32, #tpu.memory_space<vmem>>
        %dma_wait3A_278 = tpu.memref_squeeze %dma_wait3A_277 : memref<1x128xi32, #tpu.memory_space<vmem>> -> memref<128xi32, #tpu.memory_space<vmem>>
        %dma_wait3A_279 = arith.constant 0 : i32
        %dma_wait3A_280 = arith.constant 0 : i32
        %dma_wait3A_281 = tpu.memref_slice %arg10[%dma_wait3A_279, %dma_wait3A_280] : memref<10240x72xf32, #tpu.memory_space<vmem_shared>> -> memref<10240x72xf32, #tpu.memory_space<vmem_shared>>
        tpu.wait_indirect_dma semaphore(%run_scoped3A_261 : memref<!tpu.dma_semaphore, #tpu.memory_space<semaphore_mem>>) src(%dma_wait3A_275 : memref<128x72xf32, #tpu.memory_space<vmem>>) dst(%dma_wait3A_281 : memref<10240x72xf32, #tpu.memory_space<vmem_shared>>)
        tpu.yield
      }) : () -> ()
      %add3A_210 = arith.constant 4 : i32
      %add3A_211 = arith.addi %add3A_197, %add3A_210 : i32
      %lt3A_212 = arith.cmpi slt, %add3A_211, %mul3A_12 : i32
      %convert_element_type3A_213 = arith.extui %lt3A_212 : i1 to i32
      %cond3A_214 = arith.constant 0 : i32
      %cond3A_215 = arith.cmpi ne, %convert_element_type3A_213, %cond3A_214 : i32
      scf.if %cond3A_215 {
        %dma_start3A_261 = arith.constant 1 : i32
        %dma_start3A_262 = arith.constant 0 : i32
        %dma_start3A_263 = arith.constant 0 : i32
        %dma_start3A_264 = tpu.memref_slice %arg9[%dma_start3A_261, %dma_start3A_262, %dma_start3A_263] : memref<4x128x72xf32, #tpu.memory_space<vmem>> -> memref<1x128x72xf32, #tpu.memory_space<vmem>>
        %dma_start3A_265 = tpu.memref_squeeze %dma_start3A_264 : memref<1x128x72xf32, #tpu.memory_space<vmem>> -> memref<128x72xf32, #tpu.memory_space<vmem>>
        %dma_start3A_266 = arith.constant 0 : i32
        %dma_start3A_267 = tpu.memref_slice %arg7[%add3A_211, %dma_start3A_266] : memref<152x128xi32, #tpu.memory_space<vmem>> -> memref<1x128xi32, #tpu.memory_space<vmem>>
        %dma_start3A_268 = tpu.memref_squeeze %dma_start3A_267 : memref<1x128xi32, #tpu.memory_space<vmem>> -> memref<128xi32, #tpu.memory_space<vmem>>
        %dma_start3A_269 = arith.constant 0 : i32
        %dma_start3A_270 = arith.constant 0 : i32
        %dma_start3A_271 = tpu.memref_slice %arg3[%dma_start3A_269, %dma_start3A_270] : memref<10240x72xf32, #tpu.memory_space<hbm>> -> memref<10240x72xf32, #tpu.memory_space<hbm>>
        tpu.enqueue_indirect_dma source(%dma_start3A_271 : memref<10240x72xf32, #tpu.memory_space<hbm>>) target(%dma_start3A_265 : memref<128x72xf32, #tpu.memory_space<vmem>>) offsets(%dma_start3A_268 : memref<128xi32, #tpu.memory_space<vmem>>) semaphore(%arg12 : memref<!tpu.dma_semaphore, #tpu.memory_space<semaphore_mem>>)
      } else {
      }
      %mul3A_216 = arith.constant 4 : i32
      %mul3A_217 = arith.muli %while3A_175, %mul3A_216 : i32
      %add3A_218 = arith.constant 2 : i32
      %add3A_219 = arith.addi %mul3A_217, %add3A_218 : i32
      %dma_wait3A_220 = arith.constant 2 : i32
      %dma_wait3A_221 = arith.constant 0 : i32
      %dma_wait3A_222 = arith.constant 0 : i32
      %dma_wait3A_223 = tpu.memref_slice %arg9[%dma_wait3A_220, %dma_wait3A_221, %dma_wait3A_222] : memref<4x128x72xf32, #tpu.memory_space<vmem>> -> memref<1x128x72xf32, #tpu.memory_space<vmem>>
      %dma_wait3A_224 = tpu.memref_squeeze %dma_wait3A_223 : memref<1x128x72xf32, #tpu.memory_space<vmem>> -> memref<128x72xf32, #tpu.memory_space<vmem>>
      %dma_wait3A_225 = arith.constant 0 : i32
      %dma_wait3A_226 = tpu.memref_slice %arg7[%add3A_219, %dma_wait3A_225] : memref<152x128xi32, #tpu.memory_space<vmem>> -> memref<1x128xi32, #tpu.memory_space<vmem>>
      %dma_wait3A_227 = tpu.memref_squeeze %dma_wait3A_226 : memref<1x128xi32, #tpu.memory_space<vmem>> -> memref<128xi32, #tpu.memory_space<vmem>>
      %dma_wait3A_228 = arith.constant 0 : i32
      %dma_wait3A_229 = arith.constant 0 : i32
      %dma_wait3A_230 = tpu.memref_slice %arg3[%dma_wait3A_228, %dma_wait3A_229] : memref<10240x72xf32, #tpu.memory_space<hbm>> -> memref<10240x72xf32, #tpu.memory_space<hbm>>
      tpu.wait_indirect_dma semaphore(%arg13 : memref<!tpu.dma_semaphore, #tpu.memory_space<semaphore_mem>>) src(%dma_wait3A_230 : memref<10240x72xf32, #tpu.memory_space<hbm>>) dst(%dma_wait3A_224 : memref<128x72xf32, #tpu.memory_space<vmem>>)
      %run_scoped3A_231 = arith.constant 2 : i32
      "tpu.region"() ({
        %run_scoped3A_261 = tpu.sem_alloc : memref<!tpu.dma_semaphore, #tpu.memory_space<semaphore_mem>>
        %dma_start3A_262 = arith.constant 0 : i32
        %dma_start3A_263 = arith.constant 0 : i32
        %dma_start3A_264 = tpu.memref_slice %arg9[%run_scoped3A_231, %dma_start3A_262, %dma_start3A_263] : memref<4x128x72xf32, #tpu.memory_space<vmem>> -> memref<1x128x72xf32, #tpu.memory_space<vmem>>
        %dma_start3A_265 = tpu.memref_squeeze %dma_start3A_264 : memref<1x128x72xf32, #tpu.memory_space<vmem>> -> memref<128x72xf32, #tpu.memory_space<vmem>>
        %dma_start3A_266 = arith.constant 0 : i32
        %dma_start3A_267 = tpu.memref_slice %arg8[%add3A_219, %dma_start3A_266] : memref<152x128xi32, #tpu.memory_space<vmem>> -> memref<1x128xi32, #tpu.memory_space<vmem>>
        %dma_start3A_268 = tpu.memref_squeeze %dma_start3A_267 : memref<1x128xi32, #tpu.memory_space<vmem>> -> memref<128xi32, #tpu.memory_space<vmem>>
        %dma_start3A_269 = arith.constant 0 : i32
        %dma_start3A_270 = arith.constant 0 : i32
        %dma_start3A_271 = tpu.memref_slice %arg10[%dma_start3A_269, %dma_start3A_270] : memref<10240x72xf32, #tpu.memory_space<vmem_shared>> -> memref<10240x72xf32, #tpu.memory_space<vmem_shared>>
        tpu.enqueue_indirect_dma source(%dma_start3A_265 : memref<128x72xf32, #tpu.memory_space<vmem>>) target(%dma_start3A_271 : memref<10240x72xf32, #tpu.memory_space<vmem_shared>>) offsets(%dma_start3A_268 : memref<128xi32, #tpu.memory_space<vmem>>) semaphore(%run_scoped3A_261 : memref<!tpu.dma_semaphore, #tpu.memory_space<semaphore_mem>>) {add = true}
        %dma_wait3A_272 = arith.constant 0 : i32
        %dma_wait3A_273 = arith.constant 0 : i32
        %dma_wait3A_274 = tpu.memref_slice %arg9[%run_scoped3A_231, %dma_wait3A_272, %dma_wait3A_273] : memref<4x128x72xf32, #tpu.memory_space<vmem>> -> memref<1x128x72xf32, #tpu.memory_space<vmem>>
        %dma_wait3A_275 = tpu.memref_squeeze %dma_wait3A_274 : memref<1x128x72xf32, #tpu.memory_space<vmem>> -> memref<128x72xf32, #tpu.memory_space<vmem>>
        %dma_wait3A_276 = arith.constant 0 : i32
        %dma_wait3A_277 = tpu.memref_slice %arg8[%add3A_219, %dma_wait3A_276] : memref<152x128xi32, #tpu.memory_space<vmem>> -> memref<1x128xi32, #tpu.memory_space<vmem>>
        %dma_wait3A_278 = tpu.memref_squeeze %dma_wait3A_277 : memref<1x128xi32, #tpu.memory_space<vmem>> -> memref<128xi32, #tpu.memory_space<vmem>>
        %dma_wait3A_279 = arith.constant 0 : i32
        %dma_wait3A_280 = arith.constant 0 : i32
        %dma_wait3A_281 = tpu.memref_slice %arg10[%dma_wait3A_279, %dma_wait3A_280] : memref<10240x72xf32, #tpu.memory_space<vmem_shared>> -> memref<10240x72xf32, #tpu.memory_space<vmem_shared>>
        tpu.wait_indirect_dma semaphore(%run_scoped3A_261 : memref<!tpu.dma_semaphore, #tpu.memory_space<semaphore_mem>>) src(%dma_wait3A_275 : memref<128x72xf32, #tpu.memory_space<vmem>>) dst(%dma_wait3A_281 : memref<10240x72xf32, #tpu.memory_space<vmem_shared>>)
        tpu.yield
      }) : () -> ()
      %add3A_232 = arith.constant 4 : i32
      %add3A_233 = arith.addi %add3A_219, %add3A_232 : i32
      %lt3A_234 = arith.cmpi slt, %add3A_233, %mul3A_12 : i32
      %convert_element_type3A_235 = arith.extui %lt3A_234 : i1 to i32
      %cond3A_236 = arith.constant 0 : i32
      %cond3A_237 = arith.cmpi ne, %convert_element_type3A_235, %cond3A_236 : i32
      scf.if %cond3A_237 {
        %dma_start3A_261 = arith.constant 2 : i32
        %dma_start3A_262 = arith.constant 0 : i32
        %dma_start3A_263 = arith.constant 0 : i32
        %dma_start3A_264 = tpu.memref_slice %arg9[%dma_start3A_261, %dma_start3A_262, %dma_start3A_263] : memref<4x128x72xf32, #tpu.memory_space<vmem>> -> memref<1x128x72xf32, #tpu.memory_space<vmem>>
        %dma_start3A_265 = tpu.memref_squeeze %dma_start3A_264 : memref<1x128x72xf32, #tpu.memory_space<vmem>> -> memref<128x72xf32, #tpu.memory_space<vmem>>
        %dma_start3A_266 = arith.constant 0 : i32
        %dma_start3A_267 = tpu.memref_slice %arg7[%add3A_233, %dma_start3A_266] : memref<152x128xi32, #tpu.memory_space<vmem>> -> memref<1x128xi32, #tpu.memory_space<vmem>>
        %dma_start3A_268 = tpu.memref_squeeze %dma_start3A_267 : memref<1x128xi32, #tpu.memory_space<vmem>> -> memref<128xi32, #tpu.memory_space<vmem>>
        %dma_start3A_269 = arith.constant 0 : i32
        %dma_start3A_270 = arith.constant 0 : i32
        %dma_start3A_271 = tpu.memref_slice %arg3[%dma_start3A_269, %dma_start3A_270] : memref<10240x72xf32, #tpu.memory_space<hbm>> -> memref<10240x72xf32, #tpu.memory_space<hbm>>
        tpu.enqueue_indirect_dma source(%dma_start3A_271 : memref<10240x72xf32, #tpu.memory_space<hbm>>) target(%dma_start3A_265 : memref<128x72xf32, #tpu.memory_space<vmem>>) offsets(%dma_start3A_268 : memref<128xi32, #tpu.memory_space<vmem>>) semaphore(%arg13 : memref<!tpu.dma_semaphore, #tpu.memory_space<semaphore_mem>>)
      } else {
      }
      %mul3A_238 = arith.constant 4 : i32
      %mul3A_239 = arith.muli %while3A_175, %mul3A_238 : i32
      %add3A_240 = arith.constant 3 : i32
      %add3A_241 = arith.addi %mul3A_239, %add3A_240 : i32
      %dma_wait3A_242 = arith.constant 3 : i32
      %dma_wait3A_243 = arith.constant 0 : i32
      %dma_wait3A_244 = arith.constant 0 : i32
      %dma_wait3A_245 = tpu.memref_slice %arg9[%dma_wait3A_242, %dma_wait3A_243, %dma_wait3A_244] : memref<4x128x72xf32, #tpu.memory_space<vmem>> -> memref<1x128x72xf32, #tpu.memory_space<vmem>>
      %dma_wait3A_246 = tpu.memref_squeeze %dma_wait3A_245 : memref<1x128x72xf32, #tpu.memory_space<vmem>> -> memref<128x72xf32, #tpu.memory_space<vmem>>
      %dma_wait3A_247 = arith.constant 0 : i32
      %dma_wait3A_248 = tpu.memref_slice %arg7[%add3A_241, %dma_wait3A_247] : memref<152x128xi32, #tpu.memory_space<vmem>> -> memref<1x128xi32, #tpu.memory_space<vmem>>
      %dma_wait3A_249 = tpu.memref_squeeze %dma_wait3A_248 : memref<1x128xi32, #tpu.memory_space<vmem>> -> memref<128xi32, #tpu.memory_space<vmem>>
      %dma_wait3A_250 = arith.constant 0 : i32
      %dma_wait3A_251 = arith.constant 0 : i32
      %dma_wait3A_252 = tpu.memref_slice %arg3[%dma_wait3A_250, %dma_wait3A_251] : memref<10240x72xf32, #tpu.memory_space<hbm>> -> memref<10240x72xf32, #tpu.memory_space<hbm>>
      tpu.wait_indirect_dma semaphore(%arg14 : memref<!tpu.dma_semaphore, #tpu.memory_space<semaphore_mem>>) src(%dma_wait3A_252 : memref<10240x72xf32, #tpu.memory_space<hbm>>) dst(%dma_wait3A_246 : memref<128x72xf32, #tpu.memory_space<vmem>>)
      %run_scoped3A_253 = arith.constant 3 : i32
      "tpu.region"() ({
        %run_scoped3A_261 = tpu.sem_alloc : memref<!tpu.dma_semaphore, #tpu.memory_space<semaphore_mem>>
        %dma_start3A_262 = arith.constant 0 : i32
        %dma_start3A_263 = arith.constant 0 : i32
        %dma_start3A_264 = tpu.memref_slice %arg9[%run_scoped3A_253, %dma_start3A_262, %dma_start3A_263] : memref<4x128x72xf32, #tpu.memory_space<vmem>> -> memref<1x128x72xf32, #tpu.memory_space<vmem>>
        %dma_start3A_265 = tpu.memref_squeeze %dma_start3A_264 : memref<1x128x72xf32, #tpu.memory_space<vmem>> -> memref<128x72xf32, #tpu.memory_space<vmem>>
        %dma_start3A_266 = arith.constant 0 : i32
        %dma_start3A_267 = tpu.memref_slice %arg8[%add3A_241, %dma_start3A_266] : memref<152x128xi32, #tpu.memory_space<vmem>> -> memref<1x128xi32, #tpu.memory_space<vmem>>
        %dma_start3A_268 = tpu.memref_squeeze %dma_start3A_267 : memref<1x128xi32, #tpu.memory_space<vmem>> -> memref<128xi32, #tpu.memory_space<vmem>>
        %dma_start3A_269 = arith.constant 0 : i32
        %dma_start3A_270 = arith.constant 0 : i32
        %dma_start3A_271 = tpu.memref_slice %arg10[%dma_start3A_269, %dma_start3A_270] : memref<10240x72xf32, #tpu.memory_space<vmem_shared>> -> memref<10240x72xf32, #tpu.memory_space<vmem_shared>>
        tpu.enqueue_indirect_dma source(%dma_start3A_265 : memref<128x72xf32, #tpu.memory_space<vmem>>) target(%dma_start3A_271 : memref<10240x72xf32, #tpu.memory_space<vmem_shared>>) offsets(%dma_start3A_268 : memref<128xi32, #tpu.memory_space<vmem>>) semaphore(%run_scoped3A_261 : memref<!tpu.dma_semaphore, #tpu.memory_space<semaphore_mem>>) {add = true}
        %dma_wait3A_272 = arith.constant 0 : i32
        %dma_wait3A_273 = arith.constant 0 : i32
        %dma_wait3A_274 = tpu.memref_slice %arg9[%run_scoped3A_253, %dma_wait3A_272, %dma_wait3A_273] : memref<4x128x72xf32, #tpu.memory_space<vmem>> -> memref<1x128x72xf32, #tpu.memory_space<vmem>>
        %dma_wait3A_275 = tpu.memref_squeeze %dma_wait3A_274 : memref<1x128x72xf32, #tpu.memory_space<vmem>> -> memref<128x72xf32, #tpu.memory_space<vmem>>
        %dma_wait3A_276 = arith.constant 0 : i32
        %dma_wait3A_277 = tpu.memref_slice %arg8[%add3A_241, %dma_wait3A_276] : memref<152x128xi32, #tpu.memory_space<vmem>> -> memref<1x128xi32, #tpu.memory_space<vmem>>
        %dma_wait3A_278 = tpu.memref_squeeze %dma_wait3A_277 : memref<1x128xi32, #tpu.memory_space<vmem>> -> memref<128xi32, #tpu.memory_space<vmem>>
        %dma_wait3A_279 = arith.constant 0 : i32
        %dma_wait3A_280 = arith.constant 0 : i32
        %dma_wait3A_281 = tpu.memref_slice %arg10[%dma_wait3A_279, %dma_wait3A_280] : memref<10240x72xf32, #tpu.memory_space<vmem_shared>> -> memref<10240x72xf32, #tpu.memory_space<vmem_shared>>
        tpu.wait_indirect_dma semaphore(%run_scoped3A_261 : memref<!tpu.dma_semaphore, #tpu.memory_space<semaphore_mem>>) src(%dma_wait3A_275 : memref<128x72xf32, #tpu.memory_space<vmem>>) dst(%dma_wait3A_281 : memref<10240x72xf32, #tpu.memory_space<vmem_shared>>)
        tpu.yield
      }) : () -> ()
      %add3A_254 = arith.constant 4 : i32
      %add3A_255 = arith.addi %add3A_241, %add3A_254 : i32
      %lt3A_256 = arith.cmpi slt, %add3A_255, %mul3A_12 : i32
      %convert_element_type3A_257 = arith.extui %lt3A_256 : i1 to i32
      %cond3A_258 = arith.constant 0 : i32
      %cond3A_259 = arith.cmpi ne, %convert_element_type3A_257, %cond3A_258 : i32
      scf.if %cond3A_259 {
        %dma_start3A_261 = arith.constant 3 : i32
        %dma_start3A_262 = arith.constant 0 : i32
        %dma_start3A_263 = arith.constant 0 : i32
        %dma_start3A_264 = tpu.memref_slice %arg9[%dma_start3A_261, %dma_start3A_262, %dma_start3A_263] : memref<4x128x72xf32, #tpu.memory_space<vmem>> -> memref<1x128x72xf32, #tpu.memory_space<vmem>>
        %dma_start3A_265 = tpu.memref_squeeze %dma_start3A_264 : memref<1x128x72xf32, #tpu.memory_space<vmem>> -> memref<128x72xf32, #tpu.memory_space<vmem>>
        %dma_start3A_266 = arith.constant 0 : i32
        %dma_start3A_267 = tpu.memref_slice %arg7[%add3A_255, %dma_start3A_266] : memref<152x128xi32, #tpu.memory_space<vmem>> -> memref<1x128xi32, #tpu.memory_space<vmem>>
        %dma_start3A_268 = tpu.memref_squeeze %dma_start3A_267 : memref<1x128xi32, #tpu.memory_space<vmem>> -> memref<128xi32, #tpu.memory_space<vmem>>
        %dma_start3A_269 = arith.constant 0 : i32
        %dma_start3A_270 = arith.constant 0 : i32
        %dma_start3A_271 = tpu.memref_slice %arg3[%dma_start3A_269, %dma_start3A_270] : memref<10240x72xf32, #tpu.memory_space<hbm>> -> memref<10240x72xf32, #tpu.memory_space<hbm>>
        tpu.enqueue_indirect_dma source(%dma_start3A_271 : memref<10240x72xf32, #tpu.memory_space<hbm>>) target(%dma_start3A_265 : memref<128x72xf32, #tpu.memory_space<vmem>>) offsets(%dma_start3A_268 : memref<128xi32, #tpu.memory_space<vmem>>) semaphore(%arg14 : memref<!tpu.dma_semaphore, #tpu.memory_space<semaphore_mem>>)
      } else {
      }
      %while3A_260 = arith.constant 0 : i32
      scf.yield %while3A_260 : i32
    }
    %while3A_165 = arith.constant 1 : i32
    %while3A_166 = scf.for %while3A_175 = %while3A_162 to %while3A_158 step %while3A_165 iter_args(%while3A_176 = %while3A_164) -> (i32)  : i32 {
      %mul3A_177 = arith.constant 4 : i32
      %mul3A_178 = arith.muli %while3A_175, %mul3A_177 : i32
      %add3A_179 = arith.constant 0 : i32
      %add3A_180 = arith.addi %mul3A_178, %add3A_179 : i32
      %dma_wait3A = arith.constant 0 : i32
      %dma_wait3A_181 = arith.constant 0 : i32
      %dma_wait3A_182 = arith.constant 0 : i32
      %dma_wait3A_183 = tpu.memref_slice %arg9[%dma_wait3A, %dma_wait3A_181, %dma_wait3A_182] : memref<4x128x72xf32, #tpu.memory_space<vmem>> -> memref<1x128x72xf32, #tpu.memory_space<vmem>>
      %dma_wait3A_184 = tpu.memref_squeeze %dma_wait3A_183 : memref<1x128x72xf32, #tpu.memory_space<vmem>> -> memref<128x72xf32, #tpu.memory_space<vmem>>
      %dma_wait3A_185 = arith.constant 0 : i32
      %dma_wait3A_186 = tpu.memref_slice %arg7[%add3A_180, %dma_wait3A_185] : memref<152x128xi32, #tpu.memory_space<vmem>> -> memref<1x128xi32, #tpu.memory_space<vmem>>
      %dma_wait3A_187 = tpu.memref_squeeze %dma_wait3A_186 : memref<1x128xi32, #tpu.memory_space<vmem>> -> memref<128xi32, #tpu.memory_space<vmem>>
      %dma_wait3A_188 = arith.constant 0 : i32
      %dma_wait3A_189 = arith.constant 0 : i32
      %dma_wait3A_190 = tpu.memref_slice %arg3[%dma_wait3A_188, %dma_wait3A_189] : memref<10240x72xf32, #tpu.memory_space<hbm>> -> memref<10240x72xf32, #tpu.memory_space<hbm>>
      tpu.wait_indirect_dma semaphore(%arg11 : memref<!tpu.dma_semaphore, #tpu.memory_space<semaphore_mem>>) src(%dma_wait3A_190 : memref<10240x72xf32, #tpu.memory_space<hbm>>) dst(%dma_wait3A_184 : memref<128x72xf32, #tpu.memory_space<vmem>>)
      %run_scoped3A = arith.constant 0 : i32
      "tpu.region"() ({
        %run_scoped3A_261 = tpu.sem_alloc : memref<!tpu.dma_semaphore, #tpu.memory_space<semaphore_mem>>
        %dma_start3A_262 = arith.constant 0 : i32
        %dma_start3A_263 = arith.constant 0 : i32
        %dma_start3A_264 = tpu.memref_slice %arg9[%run_scoped3A, %dma_start3A_262, %dma_start3A_263] : memref<4x128x72xf32, #tpu.memory_space<vmem>> -> memref<1x128x72xf32, #tpu.memory_space<vmem>>
        %dma_start3A_265 = tpu.memref_squeeze %dma_start3A_264 : memref<1x128x72xf32, #tpu.memory_space<vmem>> -> memref<128x72xf32, #tpu.memory_space<vmem>>
        %dma_start3A_266 = arith.constant 0 : i32
        %dma_start3A_267 = tpu.memref_slice %arg8[%add3A_180, %dma_start3A_266] : memref<152x128xi32, #tpu.memory_space<vmem>> -> memref<1x128xi32, #tpu.memory_space<vmem>>
        %dma_start3A_268 = tpu.memref_squeeze %dma_start3A_267 : memref<1x128xi32, #tpu.memory_space<vmem>> -> memref<128xi32, #tpu.memory_space<vmem>>
        %dma_start3A_269 = arith.constant 0 : i32
        %dma_start3A_270 = arith.constant 0 : i32
        %dma_start3A_271 = tpu.memref_slice %arg10[%dma_start3A_269, %dma_start3A_270] : memref<10240x72xf32, #tpu.memory_space<vmem_shared>> -> memref<10240x72xf32, #tpu.memory_space<vmem_shared>>
        tpu.enqueue_indirect_dma source(%dma_start3A_265 : memref<128x72xf32, #tpu.memory_space<vmem>>) target(%dma_start3A_271 : memref<10240x72xf32, #tpu.memory_space<vmem_shared>>) offsets(%dma_start3A_268 : memref<128xi32, #tpu.memory_space<vmem>>) semaphore(%run_scoped3A_261 : memref<!tpu.dma_semaphore, #tpu.memory_space<semaphore_mem>>) {add = true}
        %dma_wait3A_272 = arith.constant 0 : i32
        %dma_wait3A_273 = arith.constant 0 : i32
        %dma_wait3A_274 = tpu.memref_slice %arg9[%run_scoped3A, %dma_wait3A_272, %dma_wait3A_273] : memref<4x128x72xf32, #tpu.memory_space<vmem>> -> memref<1x128x72xf32, #tpu.memory_space<vmem>>
        %dma_wait3A_275 = tpu.memref_squeeze %dma_wait3A_274 : memref<1x128x72xf32, #tpu.memory_space<vmem>> -> memref<128x72xf32, #tpu.memory_space<vmem>>
        %dma_wait3A_276 = arith.constant 0 : i32
        %dma_wait3A_277 = tpu.memref_slice %arg8[%add3A_180, %dma_wait3A_276] : memref<152x128xi32, #tpu.memory_space<vmem>> -> memref<1x128xi32, #tpu.memory_space<vmem>>
        %dma_wait3A_278 = tpu.memref_squeeze %dma_wait3A_277 : memref<1x128xi32, #tpu.memory_space<vmem>> -> memref<128xi32, #tpu.memory_space<vmem>>
        %dma_wait3A_279 = arith.constant 0 : i32
        %dma_wait3A_280 = arith.constant 0 : i32
        %dma_wait3A_281 = tpu.memref_slice %arg10[%dma_wait3A_279, %dma_wait3A_280] : memref<10240x72xf32, #tpu.memory_space<vmem_shared>> -> memref<10240x72xf32, #tpu.memory_space<vmem_shared>>
        tpu.wait_indirect_dma semaphore(%run_scoped3A_261 : memref<!tpu.dma_semaphore, #tpu.memory_space<semaphore_mem>>) src(%dma_wait3A_275 : memref<128x72xf32, #tpu.memory_space<vmem>>) dst(%dma_wait3A_281 : memref<10240x72xf32, #tpu.memory_space<vmem_shared>>)
        tpu.yield
      }) : () -> ()
      %add3A_191 = arith.constant 4 : i32
      %add3A_192 = arith.addi %add3A_180, %add3A_191 : i32
      %lt3A = arith.cmpi slt, %add3A_192, %mul3A_12 : i32
      %convert_element_type3A = arith.extui %lt3A : i1 to i32
      %cond3A = arith.constant 0 : i32
      %cond3A_193 = arith.cmpi ne, %convert_element_type3A, %cond3A : i32
      scf.if %cond3A_193 {
        %dma_start3A_261 = arith.constant 0 : i32
        %dma_start3A_262 = arith.constant 0 : i32
        %dma_start3A_263 = arith.constant 0 : i32
        %dma_start3A_264 = tpu.memref_slice %arg9[%dma_start3A_261, %dma_start3A_262, %dma_start3A_263] : memref<4x128x72xf32, #tpu.memory_space<vmem>> -> memref<1x128x72xf32, #tpu.memory_space<vmem>>
        %dma_start3A_265 = tpu.memref_squeeze %dma_start3A_264 : memref<1x128x72xf32, #tpu.memory_space<vmem>> -> memref<128x72xf32, #tpu.memory_space<vmem>>
        %dma_start3A_266 = arith.constant 0 : i32
        %dma_start3A_267 = tpu.memref_slice %arg7[%add3A_192, %dma_start3A_266] : memref<152x128xi32, #tpu.memory_space<vmem>> -> memref<1x128xi32, #tpu.memory_space<vmem>>
        %dma_start3A_268 = tpu.memref_squeeze %dma_start3A_267 : memref<1x128xi32, #tpu.memory_space<vmem>> -> memref<128xi32, #tpu.memory_space<vmem>>
        %dma_start3A_269 = arith.constant 0 : i32
        %dma_start3A_270 = arith.constant 0 : i32
        %dma_start3A_271 = tpu.memref_slice %arg3[%dma_start3A_269, %dma_start3A_270] : memref<10240x72xf32, #tpu.memory_space<hbm>> -> memref<10240x72xf32, #tpu.memory_space<hbm>>
        tpu.enqueue_indirect_dma source(%dma_start3A_271 : memref<10240x72xf32, #tpu.memory_space<hbm>>) target(%dma_start3A_265 : memref<128x72xf32, #tpu.memory_space<vmem>>) offsets(%dma_start3A_268 : memref<128xi32, #tpu.memory_space<vmem>>) semaphore(%arg11 : memref<!tpu.dma_semaphore, #tpu.memory_space<semaphore_mem>>)
      } else {
      }
      %mul3A_194 = arith.constant 4 : i32
      %mul3A_195 = arith.muli %while3A_175, %mul3A_194 : i32
      %add3A_196 = arith.constant 1 : i32
      %add3A_197 = arith.addi %mul3A_195, %add3A_196 : i32
      %dma_wait3A_198 = arith.constant 1 : i32
      %dma_wait3A_199 = arith.constant 0 : i32
      %dma_wait3A_200 = arith.constant 0 : i32
      %dma_wait3A_201 = tpu.memref_slice %arg9[%dma_wait3A_198, %dma_wait3A_199, %dma_wait3A_200] : memref<4x128x72xf32, #tpu.memory_space<vmem>> -> memref<1x128x72xf32, #tpu.memory_space<vmem>>
      %dma_wait3A_202 = tpu.memref_squeeze %dma_wait3A_201 : memref<1x128x72xf32, #tpu.memory_space<vmem>> -> memref<128x72xf32, #tpu.memory_space<vmem>>
      %dma_wait3A_203 = arith.constant 0 : i32
      %dma_wait3A_204 = tpu.memref_slice %arg7[%add3A_197, %dma_wait3A_203] : memref<152x128xi32, #tpu.memory_space<vmem>> -> memref<1x128xi32, #tpu.memory_space<vmem>>
      %dma_wait3A_205 = tpu.memref_squeeze %dma_wait3A_204 : memref<1x128xi32, #tpu.memory_space<vmem>> -> memref<128xi32, #tpu.memory_space<vmem>>
      %dma_wait3A_206 = arith.constant 0 : i32
      %dma_wait3A_207 = arith.constant 0 : i32
      %dma_wait3A_208 = tpu.memref_slice %arg3[%dma_wait3A_206, %dma_wait3A_207] : memref<10240x72xf32, #tpu.memory_space<hbm>> -> memref<10240x72xf32, #tpu.memory_space<hbm>>
      tpu.wait_indirect_dma semaphore(%arg12 : memref<!tpu.dma_semaphore, #tpu.memory_space<semaphore_mem>>) src(%dma_wait3A_208 : memref<10240x72xf32, #tpu.memory_space<hbm>>) dst(%dma_wait3A_202 : memref<128x72xf32, #tpu.memory_space<vmem>>)
      %run_scoped3A_209 = arith.constant 1 : i32
      "tpu.region"() ({
        %run_scoped3A_261 = tpu.sem_alloc : memref<!tpu.dma_semaphore, #tpu.memory_space<semaphore_mem>>
        %dma_start3A_262 = arith.constant 0 : i32
        %dma_start3A_263 = arith.constant 0 : i32
        %dma_start3A_264 = tpu.memref_slice %arg9[%run_scoped3A_209, %dma_start3A_262, %dma_start3A_263] : memref<4x128x72xf32, #tpu.memory_space<vmem>> -> memref<1x128x72xf32, #tpu.memory_space<vmem>>
        %dma_start3A_265 = tpu.memref_squeeze %dma_start3A_264 : memref<1x128x72xf32, #tpu.memory_space<vmem>> -> memref<128x72xf32, #tpu.memory_space<vmem>>
        %dma_start3A_266 = arith.constant 0 : i32
        %dma_start3A_267 = tpu.memref_slice %arg8[%add3A_197, %dma_start3A_266] : memref<152x128xi32, #tpu.memory_space<vmem>> -> memref<1x128xi32, #tpu.memory_space<vmem>>
        %dma_start3A_268 = tpu.memref_squeeze %dma_start3A_267 : memref<1x128xi32, #tpu.memory_space<vmem>> -> memref<128xi32, #tpu.memory_space<vmem>>
        %dma_start3A_269 = arith.constant 0 : i32
        %dma_start3A_270 = arith.constant 0 : i32
        %dma_start3A_271 = tpu.memref_slice %arg10[%dma_start3A_269, %dma_start3A_270] : memref<10240x72xf32, #tpu.memory_space<vmem_shared>> -> memref<10240x72xf32, #tpu.memory_space<vmem_shared>>
        tpu.enqueue_indirect_dma source(%dma_start3A_265 : memref<128x72xf32, #tpu.memory_space<vmem>>) target(%dma_start3A_271 : memref<10240x72xf32, #tpu.memory_space<vmem_shared>>) offsets(%dma_start3A_268 : memref<128xi32, #tpu.memory_space<vmem>>) semaphore(%run_scoped3A_261 : memref<!tpu.dma_semaphore, #tpu.memory_space<semaphore_mem>>) {add = true}
        %dma_wait3A_272 = arith.constant 0 : i32
        %dma_wait3A_273 = arith.constant 0 : i32
        %dma_wait3A_274 = tpu.memref_slice %arg9[%run_scoped3A_209, %dma_wait3A_272, %dma_wait3A_273] : memref<4x128x72xf32, #tpu.memory_space<vmem>> -> memref<1x128x72xf32, #tpu.memory_space<vmem>>
        %dma_wait3A_275 = tpu.memref_squeeze %dma_wait3A_274 : memref<1x128x72xf32, #tpu.memory_space<vmem>> -> memref<128x72xf32, #tpu.memory_space<vmem>>
        %dma_wait3A_276 = arith.constant 0 : i32
        %dma_wait3A_277 = tpu.memref_slice %arg8[%add3A_197, %dma_wait3A_276] : memref<152x128xi32, #tpu.memory_space<vmem>> -> memref<1x128xi32, #tpu.memory_space<vmem>>
        %dma_wait3A_278 = tpu.memref_squeeze %dma_wait3A_277 : memref<1x128xi32, #tpu.memory_space<vmem>> -> memref<128xi32, #tpu.memory_space<vmem>>
        %dma_wait3A_279 = arith.constant 0 : i32
        %dma_wait3A_280 = arith.constant 0 : i32
        %dma_wait3A_281 = tpu.memref_slice %arg10[%dma_wait3A_279, %dma_wait3A_280] : memref<10240x72xf32, #tpu.memory_space<vmem_shared>> -> memref<10240x72xf32, #tpu.memory_space<vmem_shared>>
        tpu.wait_indirect_dma semaphore(%run_scoped3A_261 : memref<!tpu.dma_semaphore, #tpu.memory_space<semaphore_mem>>) src(%dma_wait3A_275 : memref<128x72xf32, #tpu.memory_space<vmem>>) dst(%dma_wait3A_281 : memref<10240x72xf32, #tpu.memory_space<vmem_shared>>)
        tpu.yield
      }) : () -> ()
      %add3A_210 = arith.constant 4 : i32
      %add3A_211 = arith.addi %add3A_197, %add3A_210 : i32
      %lt3A_212 = arith.cmpi slt, %add3A_211, %mul3A_12 : i32
      %convert_element_type3A_213 = arith.extui %lt3A_212 : i1 to i32
      %cond3A_214 = arith.constant 0 : i32
      %cond3A_215 = arith.cmpi ne, %convert_element_type3A_213, %cond3A_214 : i32
      scf.if %cond3A_215 {
        %dma_start3A_261 = arith.constant 1 : i32
        %dma_start3A_262 = arith.constant 0 : i32
        %dma_start3A_263 = arith.constant 0 : i32
        %dma_start3A_264 = tpu.memref_slice %arg9[%dma_start3A_261, %dma_start3A_262, %dma_start3A_263] : memref<4x128x72xf32, #tpu.memory_space<vmem>> -> memref<1x128x72xf32, #tpu.memory_space<vmem>>
        %dma_start3A_265 = tpu.memref_squeeze %dma_start3A_264 : memref<1x128x72xf32, #tpu.memory_space<vmem>> -> memref<128x72xf32, #tpu.memory_space<vmem>>
        %dma_start3A_266 = arith.constant 0 : i32
        %dma_start3A_267 = tpu.memref_slice %arg7[%add3A_211, %dma_start3A_266] : memref<152x128xi32, #tpu.memory_space<vmem>> -> memref<1x128xi32, #tpu.memory_space<vmem>>
        %dma_start3A_268 = tpu.memref_squeeze %dma_start3A_267 : memref<1x128xi32, #tpu.memory_space<vmem>> -> memref<128xi32, #tpu.memory_space<vmem>>
        %dma_start3A_269 = arith.constant 0 : i32
        %dma_start3A_270 = arith.constant 0 : i32
        %dma_start3A_271 = tpu.memref_slice %arg3[%dma_start3A_269, %dma_start3A_270] : memref<10240x72xf32, #tpu.memory_space<hbm>> -> memref<10240x72xf32, #tpu.memory_space<hbm>>
        tpu.enqueue_indirect_dma source(%dma_start3A_271 : memref<10240x72xf32, #tpu.memory_space<hbm>>) target(%dma_start3A_265 : memref<128x72xf32, #tpu.memory_space<vmem>>) offsets(%dma_start3A_268 : memref<128xi32, #tpu.memory_space<vmem>>) semaphore(%arg12 : memref<!tpu.dma_semaphore, #tpu.memory_space<semaphore_mem>>)
      } else {
      }
      %mul3A_216 = arith.constant 4 : i32
      %mul3A_217 = arith.muli %while3A_175, %mul3A_216 : i32
      %add3A_218 = arith.constant 2 : i32
      %add3A_219 = arith.addi %mul3A_217, %add3A_218 : i32
      %dma_wait3A_220 = arith.constant 2 : i32
      %dma_wait3A_221 = arith.constant 0 : i32
      %dma_wait3A_222 = arith.constant 0 : i32
      %dma_wait3A_223 = tpu.memref_slice %arg9[%dma_wait3A_220, %dma_wait3A_221, %dma_wait3A_222] : memref<4x128x72xf32, #tpu.memory_space<vmem>> -> memref<1x128x72xf32, #tpu.memory_space<vmem>>
      %dma_wait3A_224 = tpu.memref_squeeze %dma_wait3A_223 : memref<1x128x72xf32, #tpu.memory_space<vmem>> -> memref<128x72xf32, #tpu.memory_space<vmem>>
      %dma_wait3A_225 = arith.constant 0 : i32
      %dma_wait3A_226 = tpu.memref_slice %arg7[%add3A_219, %dma_wait3A_225] : memref<152x128xi32, #tpu.memory_space<vmem>> -> memref<1x128xi32, #tpu.memory_space<vmem>>
      %dma_wait3A_227 = tpu.memref_squeeze %dma_wait3A_226 : memref<1x128xi32, #tpu.memory_space<vmem>> -> memref<128xi32, #tpu.memory_space<vmem>>
      %dma_wait3A_228 = arith.constant 0 : i32
      %dma_wait3A_229 = arith.constant 0 : i32
      %dma_wait3A_230 = tpu.memref_slice %arg3[%dma_wait3A_228, %dma_wait3A_229] : memref<10240x72xf32, #tpu.memory_space<hbm>> -> memref<10240x72xf32, #tpu.memory_space<hbm>>
      tpu.wait_indirect_dma semaphore(%arg13 : memref<!tpu.dma_semaphore, #tpu.memory_space<semaphore_mem>>) src(%dma_wait3A_230 : memref<10240x72xf32, #tpu.memory_space<hbm>>) dst(%dma_wait3A_224 : memref<128x72xf32, #tpu.memory_space<vmem>>)
      %run_scoped3A_231 = arith.constant 2 : i32
      "tpu.region"() ({
        %run_scoped3A_261 = tpu.sem_alloc : memref<!tpu.dma_semaphore, #tpu.memory_space<semaphore_mem>>
        %dma_start3A_262 = arith.constant 0 : i32
        %dma_start3A_263 = arith.constant 0 : i32
        %dma_start3A_264 = tpu.memref_slice %arg9[%run_scoped3A_231, %dma_start3A_262, %dma_start3A_263] : memref<4x128x72xf32, #tpu.memory_space<vmem>> -> memref<1x128x72xf32, #tpu.memory_space<vmem>>
        %dma_start3A_265 = tpu.memref_squeeze %dma_start3A_264 : memref<1x128x72xf32, #tpu.memory_space<vmem>> -> memref<128x72xf32, #tpu.memory_space<vmem>>
        %dma_start3A_266 = arith.constant 0 : i32
        %dma_start3A_267 = tpu.memref_slice %arg8[%add3A_219, %dma_start3A_266] : memref<152x128xi32, #tpu.memory_space<vmem>> -> memref<1x128xi32, #tpu.memory_space<vmem>>
        %dma_start3A_268 = tpu.memref_squeeze %dma_start3A_267 : memref<1x128xi32, #tpu.memory_space<vmem>> -> memref<128xi32, #tpu.memory_space<vmem>>
        %dma_start3A_269 = arith.constant 0 : i32
        %dma_start3A_270 = arith.constant 0 : i32
        %dma_start3A_271 = tpu.memref_slice %arg10[%dma_start3A_269, %dma_start3A_270] : memref<10240x72xf32, #tpu.memory_space<vmem_shared>> -> memref<10240x72xf32, #tpu.memory_space<vmem_shared>>
        tpu.enqueue_indirect_dma source(%dma_start3A_265 : memref<128x72xf32, #tpu.memory_space<vmem>>) target(%dma_start3A_271 : memref<10240x72xf32, #tpu.memory_space<vmem_shared>>) offsets(%dma_start3A_268 : memref<128xi32, #tpu.memory_space<vmem>>) semaphore(%run_scoped3A_261 : memref<!tpu.dma_semaphore, #tpu.memory_space<semaphore_mem>>) {add = true}
        %dma_wait3A_272 = arith.constant 0 : i32
        %dma_wait3A_273 = arith.constant 0 : i32
        %dma_wait3A_274 = tpu.memref_slice %arg9[%run_scoped3A_231, %dma_wait3A_272, %dma_wait3A_273] : memref<4x128x72xf32, #tpu.memory_space<vmem>> -> memref<1x128x72xf32, #tpu.memory_space<vmem>>
        %dma_wait3A_275 = tpu.memref_squeeze %dma_wait3A_274 : memref<1x128x72xf32, #tpu.memory_space<vmem>> -> memref<128x72xf32, #tpu.memory_space<vmem>>
        %dma_wait3A_276 = arith.constant 0 : i32
        %dma_wait3A_277 = tpu.memref_slice %arg8[%add3A_219, %dma_wait3A_276] : memref<152x128xi32, #tpu.memory_space<vmem>> -> memref<1x128xi32, #tpu.memory_space<vmem>>
        %dma_wait3A_278 = tpu.memref_squeeze %dma_wait3A_277 : memref<1x128xi32, #tpu.memory_space<vmem>> -> memref<128xi32, #tpu.memory_space<vmem>>
        %dma_wait3A_279 = arith.constant 0 : i32
        %dma_wait3A_280 = arith.constant 0 : i32
        %dma_wait3A_281 = tpu.memref_slice %arg10[%dma_wait3A_279, %dma_wait3A_280] : memref<10240x72xf32, #tpu.memory_space<vmem_shared>> -> memref<10240x72xf32, #tpu.memory_space<vmem_shared>>
        tpu.wait_indirect_dma semaphore(%run_scoped3A_261 : memref<!tpu.dma_semaphore, #tpu.memory_space<semaphore_mem>>) src(%dma_wait3A_275 : memref<128x72xf32, #tpu.memory_space<vmem>>) dst(%dma_wait3A_281 : memref<10240x72xf32, #tpu.memory_space<vmem_shared>>)
        tpu.yield
      }) : () -> ()
      %add3A_232 = arith.constant 4 : i32
      %add3A_233 = arith.addi %add3A_219, %add3A_232 : i32
      %lt3A_234 = arith.cmpi slt, %add3A_233, %mul3A_12 : i32
      %convert_element_type3A_235 = arith.extui %lt3A_234 : i1 to i32
      %cond3A_236 = arith.constant 0 : i32
      %cond3A_237 = arith.cmpi ne, %convert_element_type3A_235, %cond3A_236 : i32
      scf.if %cond3A_237 {
        %dma_start3A_261 = arith.constant 2 : i32
        %dma_start3A_262 = arith.constant 0 : i32
        %dma_start3A_263 = arith.constant 0 : i32
        %dma_start3A_264 = tpu.memref_slice %arg9[%dma_start3A_261, %dma_start3A_262, %dma_start3A_263] : memref<4x128x72xf32, #tpu.memory_space<vmem>> -> memref<1x128x72xf32, #tpu.memory_space<vmem>>
        %dma_start3A_265 = tpu.memref_squeeze %dma_start3A_264 : memref<1x128x72xf32, #tpu.memory_space<vmem>> -> memref<128x72xf32, #tpu.memory_space<vmem>>
        %dma_start3A_266 = arith.constant 0 : i32
        %dma_start3A_267 = tpu.memref_slice %arg7[%add3A_233, %dma_start3A_266] : memref<152x128xi32, #tpu.memory_space<vmem>> -> memref<1x128xi32, #tpu.memory_space<vmem>>
        %dma_start3A_268 = tpu.memref_squeeze %dma_start3A_267 : memref<1x128xi32, #tpu.memory_space<vmem>> -> memref<128xi32, #tpu.memory_space<vmem>>
        %dma_start3A_269 = arith.constant 0 : i32
        %dma_start3A_270 = arith.constant 0 : i32
        %dma_start3A_271 = tpu.memref_slice %arg3[%dma_start3A_269, %dma_start3A_270] : memref<10240x72xf32, #tpu.memory_space<hbm>> -> memref<10240x72xf32, #tpu.memory_space<hbm>>
        tpu.enqueue_indirect_dma source(%dma_start3A_271 : memref<10240x72xf32, #tpu.memory_space<hbm>>) target(%dma_start3A_265 : memref<128x72xf32, #tpu.memory_space<vmem>>) offsets(%dma_start3A_268 : memref<128xi32, #tpu.memory_space<vmem>>) semaphore(%arg13 : memref<!tpu.dma_semaphore, #tpu.memory_space<semaphore_mem>>)
      } else {
      }
      %mul3A_238 = arith.constant 4 : i32
      %mul3A_239 = arith.muli %while3A_175, %mul3A_238 : i32
      %add3A_240 = arith.constant 3 : i32
      %add3A_241 = arith.addi %mul3A_239, %add3A_240 : i32
      %dma_wait3A_242 = arith.constant 3 : i32
      %dma_wait3A_243 = arith.constant 0 : i32
      %dma_wait3A_244 = arith.constant 0 : i32
      %dma_wait3A_245 = tpu.memref_slice %arg9[%dma_wait3A_242, %dma_wait3A_243, %dma_wait3A_244] : memref<4x128x72xf32, #tpu.memory_space<vmem>> -> memref<1x128x72xf32, #tpu.memory_space<vmem>>
      %dma_wait3A_246 = tpu.memref_squeeze %dma_wait3A_245 : memref<1x128x72xf32, #tpu.memory_space<vmem>> -> memref<128x72xf32, #tpu.memory_space<vmem>>
      %dma_wait3A_247 = arith.constant 0 : i32
      %dma_wait3A_248 = tpu.memref_slice %arg7[%add3A_241, %dma_wait3A_247] : memref<152x128xi32, #tpu.memory_space<vmem>> -> memref<1x128xi32, #tpu.memory_space<vmem>>
      %dma_wait3A_249 = tpu.memref_squeeze %dma_wait3A_248 : memref<1x128xi32, #tpu.memory_space<vmem>> -> memref<128xi32, #tpu.memory_space<vmem>>
      %dma_wait3A_250 = arith.constant 0 : i32
      %dma_wait3A_251 = arith.constant 0 : i32
      %dma_wait3A_252 = tpu.memref_slice %arg3[%dma_wait3A_250, %dma_wait3A_251] : memref<10240x72xf32, #tpu.memory_space<hbm>> -> memref<10240x72xf32, #tpu.memory_space<hbm>>
      tpu.wait_indirect_dma semaphore(%arg14 : memref<!tpu.dma_semaphore, #tpu.memory_space<semaphore_mem>>) src(%dma_wait3A_252 : memref<10240x72xf32, #tpu.memory_space<hbm>>) dst(%dma_wait3A_246 : memref<128x72xf32, #tpu.memory_space<vmem>>)
      %run_scoped3A_253 = arith.constant 3 : i32
      "tpu.region"() ({
        %run_scoped3A_261 = tpu.sem_alloc : memref<!tpu.dma_semaphore, #tpu.memory_space<semaphore_mem>>
        %dma_start3A_262 = arith.constant 0 : i32
        %dma_start3A_263 = arith.constant 0 : i32
        %dma_start3A_264 = tpu.memref_slice %arg9[%run_scoped3A_253, %dma_start3A_262, %dma_start3A_263] : memref<4x128x72xf32, #tpu.memory_space<vmem>> -> memref<1x128x72xf32, #tpu.memory_space<vmem>>
        %dma_start3A_265 = tpu.memref_squeeze %dma_start3A_264 : memref<1x128x72xf32, #tpu.memory_space<vmem>> -> memref<128x72xf32, #tpu.memory_space<vmem>>
        %dma_start3A_266 = arith.constant 0 : i32
        %dma_start3A_267 = tpu.memref_slice %arg8[%add3A_241, %dma_start3A_266] : memref<152x128xi32, #tpu.memory_space<vmem>> -> memref<1x128xi32, #tpu.memory_space<vmem>>
        %dma_start3A_268 = tpu.memref_squeeze %dma_start3A_267 : memref<1x128xi32, #tpu.memory_space<vmem>> -> memref<128xi32, #tpu.memory_space<vmem>>
        %dma_start3A_269 = arith.constant 0 : i32
        %dma_start3A_270 = arith.constant 0 : i32
        %dma_start3A_271 = tpu.memref_slice %arg10[%dma_start3A_269, %dma_start3A_270] : memref<10240x72xf32, #tpu.memory_space<vmem_shared>> -> memref<10240x72xf32, #tpu.memory_space<vmem_shared>>
        tpu.enqueue_indirect_dma source(%dma_start3A_265 : memref<128x72xf32, #tpu.memory_space<vmem>>) target(%dma_start3A_271 : memref<10240x72xf32, #tpu.memory_space<vmem_shared>>) offsets(%dma_start3A_268 : memref<128xi32, #tpu.memory_space<vmem>>) semaphore(%run_scoped3A_261 : memref<!tpu.dma_semaphore, #tpu.memory_space<semaphore_mem>>) {add = true}
        %dma_wait3A_272 = arith.constant 0 : i32
        %dma_wait3A_273 = arith.constant 0 : i32
        %dma_wait3A_274 = tpu.memref_slice %arg9[%run_scoped3A_253, %dma_wait3A_272, %dma_wait3A_273] : memref<4x128x72xf32, #tpu.memory_space<vmem>> -> memref<1x128x72xf32, #tpu.memory_space<vmem>>
        %dma_wait3A_275 = tpu.memref_squeeze %dma_wait3A_274 : memref<1x128x72xf32, #tpu.memory_space<vmem>> -> memref<128x72xf32, #tpu.memory_space<vmem>>
        %dma_wait3A_276 = arith.constant 0 : i32
        %dma_wait3A_277 = tpu.memref_slice %arg8[%add3A_241, %dma_wait3A_276] : memref<152x128xi32, #tpu.memory_space<vmem>> -> memref<1x128xi32, #tpu.memory_space<vmem>>
        %dma_wait3A_278 = tpu.memref_squeeze %dma_wait3A_277 : memref<1x128xi32, #tpu.memory_space<vmem>> -> memref<128xi32, #tpu.memory_space<vmem>>
        %dma_wait3A_279 = arith.constant 0 : i32
        %dma_wait3A_280 = arith.constant 0 : i32
        %dma_wait3A_281 = tpu.memref_slice %arg10[%dma_wait3A_279, %dma_wait3A_280] : memref<10240x72xf32, #tpu.memory_space<vmem_shared>> -> memref<10240x72xf32, #tpu.memory_space<vmem_shared>>
        tpu.wait_indirect_dma semaphore(%run_scoped3A_261 : memref<!tpu.dma_semaphore, #tpu.memory_space<semaphore_mem>>) src(%dma_wait3A_275 : memref<128x72xf32, #tpu.memory_space<vmem>>) dst(%dma_wait3A_281 : memref<10240x72xf32, #tpu.memory_space<vmem_shared>>)
        tpu.yield
      }) : () -> ()
      %add3A_254 = arith.constant 4 : i32
      %add3A_255 = arith.addi %add3A_241, %add3A_254 : i32
      %lt3A_256 = arith.cmpi slt, %add3A_255, %mul3A_12 : i32
      %convert_element_type3A_257 = arith.extui %lt3A_256 : i1 to i32
      %cond3A_258 = arith.constant 0 : i32
      %cond3A_259 = arith.cmpi ne, %convert_element_type3A_257, %cond3A_258 : i32
      scf.if %cond3A_259 {
        %dma_start3A_261 = arith.constant 3 : i32
        %dma_start3A_262 = arith.constant 0 : i32
        %dma_start3A_263 = arith.constant 0 : i32
        %dma_start3A_264 = tpu.memref_slice %arg9[%dma_start3A_261, %dma_start3A_262, %dma_start3A_263] : memref<4x128x72xf32, #tpu.memory_space<vmem>> -> memref<1x128x72xf32, #tpu.memory_space<vmem>>
        %dma_start3A_265 = tpu.memref_squeeze %dma_start3A_264 : memref<1x128x72xf32, #tpu.memory_space<vmem>> -> memref<128x72xf32, #tpu.memory_space<vmem>>
        %dma_start3A_266 = arith.constant 0 : i32
        %dma_start3A_267 = tpu.memref_slice %arg7[%add3A_255, %dma_start3A_266] : memref<152x128xi32, #tpu.memory_space<vmem>> -> memref<1x128xi32, #tpu.memory_space<vmem>>
        %dma_start3A_268 = tpu.memref_squeeze %dma_start3A_267 : memref<1x128xi32, #tpu.memory_space<vmem>> -> memref<128xi32, #tpu.memory_space<vmem>>
        %dma_start3A_269 = arith.constant 0 : i32
        %dma_start3A_270 = arith.constant 0 : i32
        %dma_start3A_271 = tpu.memref_slice %arg3[%dma_start3A_269, %dma_start3A_270] : memref<10240x72xf32, #tpu.memory_space<hbm>> -> memref<10240x72xf32, #tpu.memory_space<hbm>>
        tpu.enqueue_indirect_dma source(%dma_start3A_271 : memref<10240x72xf32, #tpu.memory_space<hbm>>) target(%dma_start3A_265 : memref<128x72xf32, #tpu.memory_space<vmem>>) offsets(%dma_start3A_268 : memref<128xi32, #tpu.memory_space<vmem>>) semaphore(%arg14 : memref<!tpu.dma_semaphore, #tpu.memory_space<semaphore_mem>>)
      } else {
      }
      %while3A_260 = arith.constant 0 : i32
      scf.yield %while3A_260 : i32
    }
    %barrier3A_167 = arith.constant 0 : index
    tpu.barrier barrier_id(%barrier3A_167)
    %scan3A_168 = arith.constant 0 : i32
    %scan3A_169 = arith.constant 0 : i32
    %scan3A_170 = arith.constant 5 : i32
    %scan3A_171 = arith.addi %scan3A_169, %scan3A_170 : i32
    %scan3A_172 = arith.constant 1 : i32
    %scan3A_173 = scf.for %scan3A_175 = %scan3A_169 to %scan3A_171 step %scan3A_172 iter_args(%scan3A_176 = %scan3A_168) -> (i32)  : i32 {
      %mul3A_177 = arith.constant 128 : i32
      %mul3A_178 = arith.muli %scan3A_175, %mul3A_177 : i32
      %add3A_179 = arith.addi %mul3A_0, %mul3A_178 : i32
      %run_scoped3A = arith.constant 0 : i32
      "tpu.region"() ({
        %run_scoped3A_183 = tpu.sem_alloc : memref<!tpu.dma_semaphore, #tpu.memory_space<semaphore_mem>>
        %dma_start3A_184 = arith.constant 0 : i32
        %dma_start3A_185 = arith.constant 0 : i32
        %dma_start3A_186 = tpu.memref_slice %arg9[%run_scoped3A, %dma_start3A_184, %dma_start3A_185] : memref<4x128x72xf32, #tpu.memory_space<vmem>> -> memref<1x128x72xf32, #tpu.memory_space<vmem>>
        %dma_start3A_187 = tpu.memref_squeeze %dma_start3A_186 : memref<1x128x72xf32, #tpu.memory_space<vmem>> -> memref<128x72xf32, #tpu.memory_space<vmem>>
        %dma_start3A_188 = arith.constant 0 : i32
        %dma_start3A_189 = tpu.memref_slice %arg10[%add3A_179, %dma_start3A_188] : memref<10240x72xf32, #tpu.memory_space<vmem_shared>> -> memref<128x72xf32, #tpu.memory_space<vmem_shared>>
        %dma_start3A_190 = arith.constant 0 : i32
        %dma_start3A_191 = arith.constant 0 : i32
        %dma_start3A_192 = tpu.memref_slice %arg9[%run_scoped3A, %dma_start3A_190, %dma_start3A_191] : memref<4x128x72xf32, #tpu.memory_space<vmem>> -> memref<1x128x72xf32, #tpu.memory_space<vmem>>
        %dma_start3A_193 = tpu.memref_squeeze %dma_start3A_192 : memref<1x128x72xf32, #tpu.memory_space<vmem>> -> memref<128x72xf32, #tpu.memory_space<vmem>>
        %dma_start3A_194 = arith.constant 0 : i32
        %dma_start3A_195 = tpu.memref_slice %arg10[%add3A_179, %dma_start3A_194] : memref<10240x72xf32, #tpu.memory_space<vmem_shared>> -> memref<128x72xf32, #tpu.memory_space<vmem_shared>>
        tpu.enqueue_dma source(%dma_start3A_195 : memref<128x72xf32, #tpu.memory_space<vmem_shared>>) target(%dma_start3A_193 : memref<128x72xf32, #tpu.memory_space<vmem>>) target_semaphore(%run_scoped3A_183 : memref<!tpu.dma_semaphore, #tpu.memory_space<semaphore_mem>>)
        %dma_wait3A = arith.constant 0 : i32
        %dma_wait3A_196 = arith.constant 0 : i32
        %dma_wait3A_197 = tpu.memref_slice %arg9[%run_scoped3A, %dma_wait3A, %dma_wait3A_196] : memref<4x128x72xf32, #tpu.memory_space<vmem>> -> memref<1x128x72xf32, #tpu.memory_space<vmem>>
        %dma_wait3A_198 = tpu.memref_squeeze %dma_wait3A_197 : memref<1x128x72xf32, #tpu.memory_space<vmem>> -> memref<128x72xf32, #tpu.memory_space<vmem>>
        %dma_wait3A_199 = arith.constant 0 : i32
        %dma_wait3A_200 = tpu.memref_slice %arg10[%add3A_179, %dma_wait3A_199] : memref<10240x72xf32, #tpu.memory_space<vmem_shared>> -> memref<128x72xf32, #tpu.memory_space<vmem_shared>>
        %dma_wait3A_201 = arith.constant 0 : i32
        %dma_wait3A_202 = arith.constant 0 : i32
        %dma_wait3A_203 = tpu.memref_slice %arg9[%run_scoped3A, %dma_wait3A_201, %dma_wait3A_202] : memref<4x128x72xf32, #tpu.memory_space<vmem>> -> memref<1x128x72xf32, #tpu.memory_space<vmem>>
        %dma_wait3A_204 = tpu.memref_squeeze %dma_wait3A_203 : memref<1x128x72xf32, #tpu.memory_space<vmem>> -> memref<128x72xf32, #tpu.memory_space<vmem>>
        %dma_wait3A_205 = arith.constant 0 : i32
        %dma_wait3A_206 = tpu.memref_slice %arg10[%add3A_179, %dma_wait3A_205] : memref<10240x72xf32, #tpu.memory_space<vmem_shared>> -> memref<128x72xf32, #tpu.memory_space<vmem_shared>>
        tpu.wait_dma2 semaphore(%run_scoped3A_183 : memref<!tpu.dma_semaphore, #tpu.memory_space<semaphore_mem>>) src(%dma_wait3A_206 : memref<128x72xf32, #tpu.memory_space<vmem_shared>>) dst(%dma_wait3A_204 : memref<128x72xf32, #tpu.memory_space<vmem>>)
        tpu.yield
      }) : () -> ()
      %run_scoped3A_180 = arith.constant 0 : i32
      %run_scoped3A_181 = arith.constant 1 : i32
      "tpu.region"() ({
        %run_scoped3A_183 = tpu.sem_alloc : memref<!tpu.dma_semaphore, #tpu.memory_space<semaphore_mem>>
        %dma_start3A_184 = arith.constant 0 : i32
        %dma_start3A_185 = arith.constant 0 : i32
        %dma_start3A_186 = tpu.memref_slice %arg9[%run_scoped3A_180, %dma_start3A_184, %dma_start3A_185] : memref<4x128x72xf32, #tpu.memory_space<vmem>> -> memref<1x128x72xf32, #tpu.memory_space<vmem>>
        %dma_start3A_187 = tpu.memref_squeeze %dma_start3A_186 : memref<1x128x72xf32, #tpu.memory_space<vmem>> -> memref<128x72xf32, #tpu.memory_space<vmem>>
        %dma_start3A_188 = arith.constant 0 : i32
        %dma_start3A_189 = arith.constant 0 : i32
        %dma_start3A_190 = arith.constant 0 : i32
        %dma_start3A_191 = tpu.memref_slice %arg6[%arg0, %dma_start3A_188, %dma_start3A_189, %dma_start3A_190] : memref<2x2x10240x72xf32, #tpu.memory_space<hbm>> -> memref<1x2x10240x72xf32, #tpu.memory_space<hbm>>
        %dma_start3A_192 = tpu.memref_squeeze %dma_start3A_191 : memref<1x2x10240x72xf32, #tpu.memory_space<hbm>> -> memref<2x10240x72xf32, #tpu.memory_space<hbm>>
        %dma_start3A_193 = arith.constant 0 : i32
        %dma_start3A_194 = arith.constant 0 : i32
        %dma_start3A_195 = tpu.memref_slice %dma_start3A_192[%run_scoped3A_181, %dma_start3A_193, %dma_start3A_194] : memref<2x10240x72xf32, #tpu.memory_space<hbm>> -> memref<1x10240x72xf32, #tpu.memory_space<hbm>>
        %dma_start3A_196 = tpu.memref_squeeze %dma_start3A_195 : memref<1x10240x72xf32, #tpu.memory_space<hbm>> -> memref<10240x72xf32, #tpu.memory_space<hbm>>
        %dma_start3A_197 = arith.constant 0 : i32
        %dma_start3A_198 = tpu.memref_slice %dma_start3A_196[%add3A_179, %dma_start3A_197] : memref<10240x72xf32, #tpu.memory_space<hbm>> -> memref<128x72xf32, #tpu.memory_space<hbm>>
        %dma_start3A_199 = arith.constant 0 : i32
        %dma_start3A_200 = arith.constant 0 : i32
        %dma_start3A_201 = arith.constant 0 : i32
        %dma_start3A_202 = tpu.memref_slice %arg6[%arg0, %dma_start3A_199, %dma_start3A_200, %dma_start3A_201] : memref<2x2x10240x72xf32, #tpu.memory_space<hbm>> -> memref<1x2x10240x72xf32, #tpu.memory_space<hbm>>
        %dma_start3A_203 = tpu.memref_squeeze %dma_start3A_202 : memref<1x2x10240x72xf32, #tpu.memory_space<hbm>> -> memref<2x10240x72xf32, #tpu.memory_space<hbm>>
        %dma_start3A_204 = arith.constant 0 : i32
        %dma_start3A_205 = arith.constant 0 : i32
        %dma_start3A_206 = tpu.memref_slice %dma_start3A_203[%run_scoped3A_181, %dma_start3A_204, %dma_start3A_205] : memref<2x10240x72xf32, #tpu.memory_space<hbm>> -> memref<1x10240x72xf32, #tpu.memory_space<hbm>>
        %dma_start3A_207 = tpu.memref_squeeze %dma_start3A_206 : memref<1x10240x72xf32, #tpu.memory_space<hbm>> -> memref<10240x72xf32, #tpu.memory_space<hbm>>
        %dma_start3A_208 = arith.constant 0 : i32
        %dma_start3A_209 = tpu.memref_slice %dma_start3A_207[%add3A_179, %dma_start3A_208] : memref<10240x72xf32, #tpu.memory_space<hbm>> -> memref<128x72xf32, #tpu.memory_space<hbm>>
        %dma_start3A_210 = arith.constant 0 : i32
        %dma_start3A_211 = arith.constant 0 : i32
        %dma_start3A_212 = tpu.memref_slice %arg9[%run_scoped3A_180, %dma_start3A_210, %dma_start3A_211] : memref<4x128x72xf32, #tpu.memory_space<vmem>> -> memref<1x128x72xf32, #tpu.memory_space<vmem>>
        %dma_start3A_213 = tpu.memref_squeeze %dma_start3A_212 : memref<1x128x72xf32, #tpu.memory_space<vmem>> -> memref<128x72xf32, #tpu.memory_space<vmem>>
        tpu.enqueue_dma source(%dma_start3A_213 : memref<128x72xf32, #tpu.memory_space<vmem>>) target(%dma_start3A_209 : memref<128x72xf32, #tpu.memory_space<hbm>>) target_semaphore(%run_scoped3A_183 : memref<!tpu.dma_semaphore, #tpu.memory_space<semaphore_mem>>)
        %dma_wait3A = arith.constant 0 : i32
        %dma_wait3A_214 = arith.constant 0 : i32
        %dma_wait3A_215 = tpu.memref_slice %arg9[%run_scoped3A_180, %dma_wait3A, %dma_wait3A_214] : memref<4x128x72xf32, #tpu.memory_space<vmem>> -> memref<1x128x72xf32, #tpu.memory_space<vmem>>
        %dma_wait3A_216 = tpu.memref_squeeze %dma_wait3A_215 : memref<1x128x72xf32, #tpu.memory_space<vmem>> -> memref<128x72xf32, #tpu.memory_space<vmem>>
        %dma_wait3A_217 = arith.constant 0 : i32
        %dma_wait3A_218 = arith.constant 0 : i32
        %dma_wait3A_219 = arith.constant 0 : i32
        %dma_wait3A_220 = tpu.memref_slice %arg6[%arg0, %dma_wait3A_217, %dma_wait3A_218, %dma_wait3A_219] : memref<2x2x10240x72xf32, #tpu.memory_space<hbm>> -> memref<1x2x10240x72xf32, #tpu.memory_space<hbm>>
        %dma_wait3A_221 = tpu.memref_squeeze %dma_wait3A_220 : memref<1x2x10240x72xf32, #tpu.memory_space<hbm>> -> memref<2x10240x72xf32, #tpu.memory_space<hbm>>
        %dma_wait3A_222 = arith.constant 0 : i32
        %dma_wait3A_223 = arith.constant 0 : i32
        %dma_wait3A_224 = tpu.memref_slice %dma_wait3A_221[%run_scoped3A_181, %dma_wait3A_222, %dma_wait3A_223] : memref<2x10240x72xf32, #tpu.memory_space<hbm>> -> memref<1x10240x72xf32, #tpu.memory_space<hbm>>
        %dma_wait3A_225 = tpu.memref_squeeze %dma_wait3A_224 : memref<1x10240x72xf32, #tpu.memory_space<hbm>> -> memref<10240x72xf32, #tpu.memory_space<hbm>>
        %dma_wait3A_226 = arith.constant 0 : i32
        %dma_wait3A_227 = tpu.memref_slice %dma_wait3A_225[%add3A_179, %dma_wait3A_226] : memref<10240x72xf32, #tpu.memory_space<hbm>> -> memref<128x72xf32, #tpu.memory_space<hbm>>
        %dma_wait3A_228 = arith.constant 0 : i32
        %dma_wait3A_229 = arith.constant 0 : i32
        %dma_wait3A_230 = arith.constant 0 : i32
        %dma_wait3A_231 = tpu.memref_slice %arg6[%arg0, %dma_wait3A_228, %dma_wait3A_229, %dma_wait3A_230] : memref<2x2x10240x72xf32, #tpu.memory_space<hbm>> -> memref<1x2x10240x72xf32, #tpu.memory_space<hbm>>
        %dma_wait3A_232 = tpu.memref_squeeze %dma_wait3A_231 : memref<1x2x10240x72xf32, #tpu.memory_space<hbm>> -> memref<2x10240x72xf32, #tpu.memory_space<hbm>>
        %dma_wait3A_233 = arith.constant 0 : i32
        %dma_wait3A_234 = arith.constant 0 : i32
        %dma_wait3A_235 = tpu.memref_slice %dma_wait3A_232[%run_scoped3A_181, %dma_wait3A_233, %dma_wait3A_234] : memref<2x10240x72xf32, #tpu.memory_space<hbm>> -> memref<1x10240x72xf32, #tpu.memory_space<hbm>>
        %dma_wait3A_236 = tpu.memref_squeeze %dma_wait3A_235 : memref<1x10240x72xf32, #tpu.memory_space<hbm>> -> memref<10240x72xf32, #tpu.memory_space<hbm>>
        %dma_wait3A_237 = arith.constant 0 : i32
        %dma_wait3A_238 = tpu.memref_slice %dma_wait3A_236[%add3A_179, %dma_wait3A_237] : memref<10240x72xf32, #tpu.memory_space<hbm>> -> memref<128x72xf32, #tpu.memory_space<hbm>>
        %dma_wait3A_239 = arith.constant 0 : i32
        %dma_wait3A_240 = arith.constant 0 : i32
        %dma_wait3A_241 = tpu.memref_slice %arg9[%run_scoped3A_180, %dma_wait3A_239, %dma_wait3A_240] : memref<4x128x72xf32, #tpu.memory_space<vmem>> -> memref<1x128x72xf32, #tpu.memory_space<vmem>>
        %dma_wait3A_242 = tpu.memref_squeeze %dma_wait3A_241 : memref<1x128x72xf32, #tpu.memory_space<vmem>> -> memref<128x72xf32, #tpu.memory_space<vmem>>
        tpu.wait_dma2 semaphore(%run_scoped3A_183 : memref<!tpu.dma_semaphore, #tpu.memory_space<semaphore_mem>>) src(%dma_wait3A_242 : memref<128x72xf32, #tpu.memory_space<vmem>>) dst(%dma_wait3A_238 : memref<128x72xf32, #tpu.memory_space<hbm>>)
        tpu.yield
      }) : () -> ()
      %scan3A_182 = arith.constant 0 : i32
      scf.yield %scan3A_182 : i32
    }
    %scan3A_174 = arith.constant 5 : i32
    return
  }
}

module attributes {stable_mosaic.version = 14 : i64} {
  func.func @_matmul_maxk_body(%arg0: i32, %arg1: memref<512x128xf32, #tpu.memory_space<vmem>>, %arg2: memref<128x128xf32, #tpu.memory_space<vmem>>, %arg3: memref<128x128xf32, #tpu.memory_space<vmem>>, %arg4: memref<512x128xf32, #tpu.memory_space<vmem>>, %arg5: memref<512x72xf32, #tpu.memory_space<vmem>>, %arg6: memref<512x72xf32, #tpu.memory_space<vmem>>) attributes {dimension_semantics = [#tpu.dimension_semantics<arbitrary>], iteration_bounds = array<i64: 20>, scalar_prefetch = 0 : i64, scratch_operands = 0 : i64, tpu.core_type = #tpu.core_type<tc>, window_params = [{transform_indices = @transform_0, window_bounds = array<i64: 512, 128>}, {pipeline_mode = #tpu.pipeline_mode<synchronous>, transform_indices = @transform_1, window_bounds = array<i64: 128, 128>}, {pipeline_mode = #tpu.pipeline_mode<synchronous>, transform_indices = @transform_2, window_bounds = array<i64: 128, 128>}, {transform_indices = @transform_3, window_bounds = array<i64: 512, 128>}, {transform_indices = @transform_4, window_bounds = array<i64: 512, 72>}, {transform_indices = @transform_5, window_bounds = array<i64: 512, 72>}]} {
    %get3A = arith.constant 0 : index
    %get3A_0 = arith.constant 0 : index
    %get3A_1 = vector.load %arg1[%get3A, %get3A_0] : memref<512x128xf32, #tpu.memory_space<vmem>>, vector<512x128xf32>
    %get3A_2 = arith.constant 0 : index
    %get3A_3 = arith.constant 0 : index
    %get3A_4 = vector.load %arg2[%get3A_2, %get3A_3] : memref<128x128xf32, #tpu.memory_space<vmem>>, vector<128x128xf32>
    %dot_general3A = arith.constant dense<0.000000e+00> : vector<512x128xf32>
    %dot_general3A_5 = tpu.matmul %get3A_1, %get3A_4, %dot_general3A {dimension_numbers = #tpu.dot_dimension_numbers<[1], [0], [0], [1], [0, 0, 1, 1], [], []>, transpose_lhs_hint = false} : vector<512x128xf32>, vector<128x128xf32>, vector<512x128xf32> -> vector<512x128xf32>
    %get3A_6 = arith.constant 0 : index
    %get3A_7 = arith.constant 0 : index
    %get3A_8 = vector.load %arg3[%get3A_6, %get3A_7] : memref<128x128xf32, #tpu.memory_space<vmem>>, vector<128x128xf32>
    %dot_general3A_9 = arith.constant dense<0.000000e+00> : vector<512x128xf32>
    %dot_general3A_10 = tpu.matmul %get3A_1, %get3A_8, %dot_general3A_9 {dimension_numbers = #tpu.dot_dimension_numbers<[1], [0], [0], [1], [0, 0, 1, 1], [], []>, transpose_lhs_hint = false} : vector<512x128xf32>, vector<128x128xf32>, vector<512x128xf32> -> vector<512x128xf32>
    %swap3A = arith.constant 0 : index
    %swap3A_11 = arith.constant 0 : index
    %swap3A_12 = vector.load %arg4[%swap3A, %swap3A_11] : memref<512x128xf32, #tpu.memory_space<vmem>>, vector<512x128xf32>
    tpu.vector_store %arg4[%swap3A, %swap3A_11], %dot_general3A_5 {strides = array<i32>} : memref<512x128xf32, #tpu.memory_space<vmem>>, vector<512x128xf32>,
    %broadcast_in_dim3A = arith.constant false
    %broadcast_in_dim3A_13 = vector.broadcast %broadcast_in_dim3A : i1 to vector<512x128xi1>
    %reduce_max3A = arith.constant dense<0xFF800000> : vector<512xf32>
    %reduce_max3A_14 = vector.multi_reduction <maximumf>, %dot_general3A_10, %reduce_max3A [1] : vector<512x128xf32> to vector<512xf32>
    %broadcast_in_dim3A_15 = vector.shape_cast %reduce_max3A_14 : vector<512xf32> to vector<512x1xf32>
    %eq3A = vector.broadcast %broadcast_in_dim3A_15 : vector<512x1xf32> to vector<512x128xf32>
    %eq3A_16 = arith.cmpf oeq, %dot_general3A_10, %eq3A : vector<512x128xf32>
    %or3A = arith.ori %broadcast_in_dim3A_13, %eq3A_16 : vector<512x128xi1>
    %jit3A = arith.constant 0xFF800000 : f32
    %broadcast_in_dim3A_17 = vector.broadcast %jit3A : f32 to vector<512x128xf32>
    %select_n3A = arith.select %eq3A_16, %broadcast_in_dim3A_17, %dot_general3A_10 : vector<512x128xi1>, vector<512x128xf32>
    %reduce_max3A_18 = arith.constant dense<0xFF800000> : vector<512xf32>
    %reduce_max3A_19 = vector.multi_reduction <maximumf>, %select_n3A, %reduce_max3A_18 [1] : vector<512x128xf32> to vector<512xf32>
    %broadcast_in_dim3A_20 = vector.shape_cast %reduce_max3A_19 : vector<512xf32> to vector<512x1xf32>
    %eq3A_21 = vector.broadcast %broadcast_in_dim3A_20 : vector<512x1xf32> to vector<512x128xf32>
    %eq3A_22 = arith.cmpf oeq, %select_n3A, %eq3A_21 : vector<512x128xf32>
    %or3A_23 = arith.ori %or3A, %eq3A_22 : vector<512x128xi1>
    %jit3A_24 = arith.constant 0xFF800000 : f32
    %broadcast_in_dim3A_25 = vector.broadcast %jit3A_24 : f32 to vector<512x128xf32>
    %select_n3A_26 = arith.select %eq3A_22, %broadcast_in_dim3A_25, %select_n3A : vector<512x128xi1>, vector<512x128xf32>
    %reduce_max3A_27 = arith.constant dense<0xFF800000> : vector<512xf32>
    %reduce_max3A_28 = vector.multi_reduction <maximumf>, %select_n3A_26, %reduce_max3A_27 [1] : vector<512x128xf32> to vector<512xf32>
    %broadcast_in_dim3A_29 = vector.shape_cast %reduce_max3A_28 : vector<512xf32> to vector<512x1xf32>
    %eq3A_30 = vector.broadcast %broadcast_in_dim3A_29 : vector<512x1xf32> to vector<512x128xf32>
    %eq3A_31 = arith.cmpf oeq, %select_n3A_26, %eq3A_30 : vector<512x128xf32>
    %or3A_32 = arith.ori %or3A_23, %eq3A_31 : vector<512x128xi1>
    %jit3A_33 = arith.constant 0xFF800000 : f32
    %broadcast_in_dim3A_34 = vector.broadcast %jit3A_33 : f32 to vector<512x128xf32>
    %select_n3A_35 = arith.select %eq3A_31, %broadcast_in_dim3A_34, %select_n3A_26 : vector<512x128xi1>, vector<512x128xf32>
    %reduce_max3A_36 = arith.constant dense<0xFF800000> : vector<512xf32>
    %reduce_max3A_37 = vector.multi_reduction <maximumf>, %select_n3A_35, %reduce_max3A_36 [1] : vector<512x128xf32> to vector<512xf32>
    %broadcast_in_dim3A_38 = vector.shape_cast %reduce_max3A_37 : vector<512xf32> to vector<512x1xf32>
    %eq3A_39 = vector.broadcast %broadcast_in_dim3A_38 : vector<512x1xf32> to vector<512x128xf32>
    %eq3A_40 = arith.cmpf oeq, %select_n3A_35, %eq3A_39 : vector<512x128xf32>
    %or3A_41 = arith.ori %or3A_32, %eq3A_40 : vector<512x128xi1>
    %jit3A_42 = arith.constant 0xFF800000 : f32
    %broadcast_in_dim3A_43 = vector.broadcast %jit3A_42 : f32 to vector<512x128xf32>
    %select_n3A_44 = arith.select %eq3A_40, %broadcast_in_dim3A_43, %select_n3A_35 : vector<512x128xi1>, vector<512x128xf32>
    %reduce_max3A_45 = arith.constant dense<0xFF800000> : vector<512xf32>
    %reduce_max3A_46 = vector.multi_reduction <maximumf>, %select_n3A_44, %reduce_max3A_45 [1] : vector<512x128xf32> to vector<512xf32>
    %broadcast_in_dim3A_47 = vector.shape_cast %reduce_max3A_46 : vector<512xf32> to vector<512x1xf32>
    %eq3A_48 = vector.broadcast %broadcast_in_dim3A_47 : vector<512x1xf32> to vector<512x128xf32>
    %eq3A_49 = arith.cmpf oeq, %select_n3A_44, %eq3A_48 : vector<512x128xf32>
    %or3A_50 = arith.ori %or3A_41, %eq3A_49 : vector<512x128xi1>
    %jit3A_51 = arith.constant 0xFF800000 : f32
    %broadcast_in_dim3A_52 = vector.broadcast %jit3A_51 : f32 to vector<512x128xf32>
    %select_n3A_53 = arith.select %eq3A_49, %broadcast_in_dim3A_52, %select_n3A_44 : vector<512x128xi1>, vector<512x128xf32>
    %reduce_max3A_54 = arith.constant dense<0xFF800000> : vector<512xf32>
    %reduce_max3A_55 = vector.multi_reduction <maximumf>, %select_n3A_53, %reduce_max3A_54 [1] : vector<512x128xf32> to vector<512xf32>
    %broadcast_in_dim3A_56 = vector.shape_cast %reduce_max3A_55 : vector<512xf32> to vector<512x1xf32>
    %eq3A_57 = vector.broadcast %broadcast_in_dim3A_56 : vector<512x1xf32> to vector<512x128xf32>
    %eq3A_58 = arith.cmpf oeq, %select_n3A_53, %eq3A_57 : vector<512x128xf32>
    %or3A_59 = arith.ori %or3A_50, %eq3A_58 : vector<512x128xi1>
    %jit3A_60 = arith.constant 0xFF800000 : f32
    %broadcast_in_dim3A_61 = vector.broadcast %jit3A_60 : f32 to vector<512x128xf32>
    %select_n3A_62 = arith.select %eq3A_58, %broadcast_in_dim3A_61, %select_n3A_53 : vector<512x128xi1>, vector<512x128xf32>
    %reduce_max3A_63 = arith.constant dense<0xFF800000> : vector<512xf32>
    %reduce_max3A_64 = vector.multi_reduction <maximumf>, %select_n3A_62, %reduce_max3A_63 [1] : vector<512x128xf32> to vector<512xf32>
    %broadcast_in_dim3A_65 = vector.shape_cast %reduce_max3A_64 : vector<512xf32> to vector<512x1xf32>
    %eq3A_66 = vector.broadcast %broadcast_in_dim3A_65 : vector<512x1xf32> to vector<512x128xf32>
    %eq3A_67 = arith.cmpf oeq, %select_n3A_62, %eq3A_66 : vector<512x128xf32>
    %or3A_68 = arith.ori %or3A_59, %eq3A_67 : vector<512x128xi1>
    %jit3A_69 = arith.constant 0xFF800000 : f32
    %broadcast_in_dim3A_70 = vector.broadcast %jit3A_69 : f32 to vector<512x128xf32>
    %select_n3A_71 = arith.select %eq3A_67, %broadcast_in_dim3A_70, %select_n3A_62 : vector<512x128xi1>, vector<512x128xf32>
    %reduce_max3A_72 = arith.constant dense<0xFF800000> : vector<512xf32>
    %reduce_max3A_73 = vector.multi_reduction <maximumf>, %select_n3A_71, %reduce_max3A_72 [1] : vector<512x128xf32> to vector<512xf32>
    %broadcast_in_dim3A_74 = vector.shape_cast %reduce_max3A_73 : vector<512xf32> to vector<512x1xf32>
    %eq3A_75 = vector.broadcast %broadcast_in_dim3A_74 : vector<512x1xf32> to vector<512x128xf32>
    %eq3A_76 = arith.cmpf oeq, %select_n3A_71, %eq3A_75 : vector<512x128xf32>
    %or3A_77 = arith.ori %or3A_68, %eq3A_76 : vector<512x128xi1>
    %jit3A_78 = arith.constant 0xFF800000 : f32
    %broadcast_in_dim3A_79 = vector.broadcast %jit3A_78 : f32 to vector<512x128xf32>
    %select_n3A_80 = arith.select %eq3A_76, %broadcast_in_dim3A_79, %select_n3A_71 : vector<512x128xi1>, vector<512x128xf32>
    %reduce_max3A_81 = arith.constant dense<0xFF800000> : vector<512xf32>
    %reduce_max3A_82 = vector.multi_reduction <maximumf>, %select_n3A_80, %reduce_max3A_81 [1] : vector<512x128xf32> to vector<512xf32>
    %broadcast_in_dim3A_83 = vector.shape_cast %reduce_max3A_82 : vector<512xf32> to vector<512x1xf32>
    %eq3A_84 = vector.broadcast %broadcast_in_dim3A_83 : vector<512x1xf32> to vector<512x128xf32>
    %eq3A_85 = arith.cmpf oeq, %select_n3A_80, %eq3A_84 : vector<512x128xf32>
    %or3A_86 = arith.ori %or3A_77, %eq3A_85 : vector<512x128xi1>
    %jit3A_87 = arith.constant 0xFF800000 : f32
    %broadcast_in_dim3A_88 = vector.broadcast %jit3A_87 : f32 to vector<512x128xf32>
    %select_n3A_89 = arith.select %eq3A_85, %broadcast_in_dim3A_88, %select_n3A_80 : vector<512x128xi1>, vector<512x128xf32>
    %reduce_max3A_90 = arith.constant dense<0xFF800000> : vector<512xf32>
    %reduce_max3A_91 = vector.multi_reduction <maximumf>, %select_n3A_89, %reduce_max3A_90 [1] : vector<512x128xf32> to vector<512xf32>
    %broadcast_in_dim3A_92 = vector.shape_cast %reduce_max3A_91 : vector<512xf32> to vector<512x1xf32>
    %eq3A_93 = vector.broadcast %broadcast_in_dim3A_92 : vector<512x1xf32> to vector<512x128xf32>
    %eq3A_94 = arith.cmpf oeq, %select_n3A_89, %eq3A_93 : vector<512x128xf32>
    %or3A_95 = arith.ori %or3A_86, %eq3A_94 : vector<512x128xi1>
    %jit3A_96 = arith.constant 0xFF800000 : f32
    %broadcast_in_dim3A_97 = vector.broadcast %jit3A_96 : f32 to vector<512x128xf32>
    %select_n3A_98 = arith.select %eq3A_94, %broadcast_in_dim3A_97, %select_n3A_89 : vector<512x128xi1>, vector<512x128xf32>
    %reduce_max3A_99 = arith.constant dense<0xFF800000> : vector<512xf32>
    %reduce_max3A_100 = vector.multi_reduction <maximumf>, %select_n3A_98, %reduce_max3A_99 [1] : vector<512x128xf32> to vector<512xf32>
    %broadcast_in_dim3A_101 = vector.shape_cast %reduce_max3A_100 : vector<512xf32> to vector<512x1xf32>
    %eq3A_102 = vector.broadcast %broadcast_in_dim3A_101 : vector<512x1xf32> to vector<512x128xf32>
    %eq3A_103 = arith.cmpf oeq, %select_n3A_98, %eq3A_102 : vector<512x128xf32>
    %or3A_104 = arith.ori %or3A_95, %eq3A_103 : vector<512x128xi1>
    %jit3A_105 = arith.constant 0xFF800000 : f32
    %broadcast_in_dim3A_106 = vector.broadcast %jit3A_105 : f32 to vector<512x128xf32>
    %select_n3A_107 = arith.select %eq3A_103, %broadcast_in_dim3A_106, %select_n3A_98 : vector<512x128xi1>, vector<512x128xf32>
    %reduce_max3A_108 = arith.constant dense<0xFF800000> : vector<512xf32>
    %reduce_max3A_109 = vector.multi_reduction <maximumf>, %select_n3A_107, %reduce_max3A_108 [1] : vector<512x128xf32> to vector<512xf32>
    %broadcast_in_dim3A_110 = vector.shape_cast %reduce_max3A_109 : vector<512xf32> to vector<512x1xf32>
    %eq3A_111 = vector.broadcast %broadcast_in_dim3A_110 : vector<512x1xf32> to vector<512x128xf32>
    %eq3A_112 = arith.cmpf oeq, %select_n3A_107, %eq3A_111 : vector<512x128xf32>
    %or3A_113 = arith.ori %or3A_104, %eq3A_112 : vector<512x128xi1>
    %jit3A_114 = arith.constant 0xFF800000 : f32
    %broadcast_in_dim3A_115 = vector.broadcast %jit3A_114 : f32 to vector<512x128xf32>
    %select_n3A_116 = arith.select %eq3A_112, %broadcast_in_dim3A_115, %select_n3A_107 : vector<512x128xi1>, vector<512x128xf32>
    %reduce_max3A_117 = arith.constant dense<0xFF800000> : vector<512xf32>
    %reduce_max3A_118 = vector.multi_reduction <maximumf>, %select_n3A_116, %reduce_max3A_117 [1] : vector<512x128xf32> to vector<512xf32>
    %broadcast_in_dim3A_119 = vector.shape_cast %reduce_max3A_118 : vector<512xf32> to vector<512x1xf32>
    %eq3A_120 = vector.broadcast %broadcast_in_dim3A_119 : vector<512x1xf32> to vector<512x128xf32>
    %eq3A_121 = arith.cmpf oeq, %select_n3A_116, %eq3A_120 : vector<512x128xf32>
    %or3A_122 = arith.ori %or3A_113, %eq3A_121 : vector<512x128xi1>
    %jit3A_123 = arith.constant 0xFF800000 : f32
    %broadcast_in_dim3A_124 = vector.broadcast %jit3A_123 : f32 to vector<512x128xf32>
    %select_n3A_125 = arith.select %eq3A_121, %broadcast_in_dim3A_124, %select_n3A_116 : vector<512x128xi1>, vector<512x128xf32>
    %reduce_max3A_126 = arith.constant dense<0xFF800000> : vector<512xf32>
    %reduce_max3A_127 = vector.multi_reduction <maximumf>, %select_n3A_125, %reduce_max3A_126 [1] : vector<512x128xf32> to vector<512xf32>
    %broadcast_in_dim3A_128 = vector.shape_cast %reduce_max3A_127 : vector<512xf32> to vector<512x1xf32>
    %eq3A_129 = vector.broadcast %broadcast_in_dim3A_128 : vector<512x1xf32> to vector<512x128xf32>
    %eq3A_130 = arith.cmpf oeq, %select_n3A_125, %eq3A_129 : vector<512x128xf32>
    %or3A_131 = arith.ori %or3A_122, %eq3A_130 : vector<512x128xi1>
    %jit3A_132 = arith.constant 0xFF800000 : f32
    %broadcast_in_dim3A_133 = vector.broadcast %jit3A_132 : f32 to vector<512x128xf32>
    %select_n3A_134 = arith.select %eq3A_130, %broadcast_in_dim3A_133, %select_n3A_125 : vector<512x128xi1>, vector<512x128xf32>
    %reduce_max3A_135 = arith.constant dense<0xFF800000> : vector<512xf32>
    %reduce_max3A_136 = vector.multi_reduction <maximumf>, %select_n3A_134, %reduce_max3A_135 [1] : vector<512x128xf32> to vector<512xf32>
    %broadcast_in_dim3A_137 = vector.shape_cast %reduce_max3A_136 : vector<512xf32> to vector<512x1xf32>
    %eq3A_138 = vector.broadcast %broadcast_in_dim3A_137 : vector<512x1xf32> to vector<512x128xf32>
    %eq3A_139 = arith.cmpf oeq, %select_n3A_134, %eq3A_138 : vector<512x128xf32>
    %or3A_140 = arith.ori %or3A_131, %eq3A_139 : vector<512x128xi1>
    %jit3A_141 = arith.constant 0xFF800000 : f32
    %broadcast_in_dim3A_142 = vector.broadcast %jit3A_141 : f32 to vector<512x128xf32>
    %select_n3A_143 = arith.select %eq3A_139, %broadcast_in_dim3A_142, %select_n3A_134 : vector<512x128xi1>, vector<512x128xf32>
    %reduce_max3A_144 = arith.constant dense<0xFF800000> : vector<512xf32>
    %reduce_max3A_145 = vector.multi_reduction <maximumf>, %select_n3A_143, %reduce_max3A_144 [1] : vector<512x128xf32> to vector<512xf32>
    %broadcast_in_dim3A_146 = vector.shape_cast %reduce_max3A_145 : vector<512xf32> to vector<512x1xf32>
    %eq3A_147 = vector.broadcast %broadcast_in_dim3A_146 : vector<512x1xf32> to vector<512x128xf32>
    %eq3A_148 = arith.cmpf oeq, %select_n3A_143, %eq3A_147 : vector<512x128xf32>
    %or3A_149 = arith.ori %or3A_140, %eq3A_148 : vector<512x128xi1>
    %jit3A_150 = arith.constant 0xFF800000 : f32
    %broadcast_in_dim3A_151 = vector.broadcast %jit3A_150 : f32 to vector<512x128xf32>
    %select_n3A_152 = arith.select %eq3A_148, %broadcast_in_dim3A_151, %select_n3A_143 : vector<512x128xi1>, vector<512x128xf32>
    %reduce_max3A_153 = arith.constant dense<0xFF800000> : vector<512xf32>
    %reduce_max3A_154 = vector.multi_reduction <maximumf>, %select_n3A_152, %reduce_max3A_153 [1] : vector<512x128xf32> to vector<512xf32>
    %broadcast_in_dim3A_155 = vector.shape_cast %reduce_max3A_154 : vector<512xf32> to vector<512x1xf32>
    %eq3A_156 = vector.broadcast %broadcast_in_dim3A_155 : vector<512x1xf32> to vector<512x128xf32>
    %eq3A_157 = arith.cmpf oeq, %select_n3A_152, %eq3A_156 : vector<512x128xf32>
    %or3A_158 = arith.ori %or3A_149, %eq3A_157 : vector<512x128xi1>
    %jit3A_159 = arith.constant 0xFF800000 : f32
    %broadcast_in_dim3A_160 = vector.broadcast %jit3A_159 : f32 to vector<512x128xf32>
    %select_n3A_161 = arith.select %eq3A_157, %broadcast_in_dim3A_160, %select_n3A_152 : vector<512x128xi1>, vector<512x128xf32>
    %reduce_max3A_162 = arith.constant dense<0xFF800000> : vector<512xf32>
    %reduce_max3A_163 = vector.multi_reduction <maximumf>, %select_n3A_161, %reduce_max3A_162 [1] : vector<512x128xf32> to vector<512xf32>
    %broadcast_in_dim3A_164 = vector.shape_cast %reduce_max3A_163 : vector<512xf32> to vector<512x1xf32>
    %eq3A_165 = vector.broadcast %broadcast_in_dim3A_164 : vector<512x1xf32> to vector<512x128xf32>
    %eq3A_166 = arith.cmpf oeq, %select_n3A_161, %eq3A_165 : vector<512x128xf32>
    %or3A_167 = arith.ori %or3A_158, %eq3A_166 : vector<512x128xi1>
    %jit3A_168 = arith.constant 0xFF800000 : f32
    %broadcast_in_dim3A_169 = vector.broadcast %jit3A_168 : f32 to vector<512x128xf32>
    %select_n3A_170 = arith.select %eq3A_166, %broadcast_in_dim3A_169, %select_n3A_161 : vector<512x128xi1>, vector<512x128xf32>
    %reduce_max3A_171 = arith.constant dense<0xFF800000> : vector<512xf32>
    %reduce_max3A_172 = vector.multi_reduction <maximumf>, %select_n3A_170, %reduce_max3A_171 [1] : vector<512x128xf32> to vector<512xf32>
    %broadcast_in_dim3A_173 = vector.shape_cast %reduce_max3A_172 : vector<512xf32> to vector<512x1xf32>
    %eq3A_174 = vector.broadcast %broadcast_in_dim3A_173 : vector<512x1xf32> to vector<512x128xf32>
    %eq3A_175 = arith.cmpf oeq, %select_n3A_170, %eq3A_174 : vector<512x128xf32>
    %or3A_176 = arith.ori %or3A_167, %eq3A_175 : vector<512x128xi1>
    %jit3A_177 = arith.constant 0xFF800000 : f32
    %broadcast_in_dim3A_178 = vector.broadcast %jit3A_177 : f32 to vector<512x128xf32>
    %select_n3A_179 = arith.select %eq3A_175, %broadcast_in_dim3A_178, %select_n3A_170 : vector<512x128xi1>, vector<512x128xf32>
    %reduce_max3A_180 = arith.constant dense<0xFF800000> : vector<512xf32>
    %reduce_max3A_181 = vector.multi_reduction <maximumf>, %select_n3A_179, %reduce_max3A_180 [1] : vector<512x128xf32> to vector<512xf32>
    %broadcast_in_dim3A_182 = vector.shape_cast %reduce_max3A_181 : vector<512xf32> to vector<512x1xf32>
    %eq3A_183 = vector.broadcast %broadcast_in_dim3A_182 : vector<512x1xf32> to vector<512x128xf32>
    %eq3A_184 = arith.cmpf oeq, %select_n3A_179, %eq3A_183 : vector<512x128xf32>
    %or3A_185 = arith.ori %or3A_176, %eq3A_184 : vector<512x128xi1>
    %jit3A_186 = arith.constant 0xFF800000 : f32
    %broadcast_in_dim3A_187 = vector.broadcast %jit3A_186 : f32 to vector<512x128xf32>
    %select_n3A_188 = arith.select %eq3A_184, %broadcast_in_dim3A_187, %select_n3A_179 : vector<512x128xi1>, vector<512x128xf32>
    %reduce_max3A_189 = arith.constant dense<0xFF800000> : vector<512xf32>
    %reduce_max3A_190 = vector.multi_reduction <maximumf>, %select_n3A_188, %reduce_max3A_189 [1] : vector<512x128xf32> to vector<512xf32>
    %broadcast_in_dim3A_191 = vector.shape_cast %reduce_max3A_190 : vector<512xf32> to vector<512x1xf32>
    %eq3A_192 = vector.broadcast %broadcast_in_dim3A_191 : vector<512x1xf32> to vector<512x128xf32>
    %eq3A_193 = arith.cmpf oeq, %select_n3A_188, %eq3A_192 : vector<512x128xf32>
    %or3A_194 = arith.ori %or3A_185, %eq3A_193 : vector<512x128xi1>
    %jit3A_195 = arith.constant 0xFF800000 : f32
    %broadcast_in_dim3A_196 = vector.broadcast %jit3A_195 : f32 to vector<512x128xf32>
    %select_n3A_197 = arith.select %eq3A_193, %broadcast_in_dim3A_196, %select_n3A_188 : vector<512x128xi1>, vector<512x128xf32>
    %reduce_max3A_198 = arith.constant dense<0xFF800000> : vector<512xf32>
    %reduce_max3A_199 = vector.multi_reduction <maximumf>, %select_n3A_197, %reduce_max3A_198 [1] : vector<512x128xf32> to vector<512xf32>
    %broadcast_in_dim3A_200 = vector.shape_cast %reduce_max3A_199 : vector<512xf32> to vector<512x1xf32>
    %eq3A_201 = vector.broadcast %broadcast_in_dim3A_200 : vector<512x1xf32> to vector<512x128xf32>
    %eq3A_202 = arith.cmpf oeq, %select_n3A_197, %eq3A_201 : vector<512x128xf32>
    %or3A_203 = arith.ori %or3A_194, %eq3A_202 : vector<512x128xi1>
    %jit3A_204 = arith.constant 0xFF800000 : f32
    %broadcast_in_dim3A_205 = vector.broadcast %jit3A_204 : f32 to vector<512x128xf32>
    %select_n3A_206 = arith.select %eq3A_202, %broadcast_in_dim3A_205, %select_n3A_197 : vector<512x128xi1>, vector<512x128xf32>
    %reduce_max3A_207 = arith.constant dense<0xFF800000> : vector<512xf32>
    %reduce_max3A_208 = vector.multi_reduction <maximumf>, %select_n3A_206, %reduce_max3A_207 [1] : vector<512x128xf32> to vector<512xf32>
    %broadcast_in_dim3A_209 = vector.shape_cast %reduce_max3A_208 : vector<512xf32> to vector<512x1xf32>
    %eq3A_210 = vector.broadcast %broadcast_in_dim3A_209 : vector<512x1xf32> to vector<512x128xf32>
    %eq3A_211 = arith.cmpf oeq, %select_n3A_206, %eq3A_210 : vector<512x128xf32>
    %or3A_212 = arith.ori %or3A_203, %eq3A_211 : vector<512x128xi1>
    %jit3A_213 = arith.constant 0xFF800000 : f32
    %broadcast_in_dim3A_214 = vector.broadcast %jit3A_213 : f32 to vector<512x128xf32>
    %select_n3A_215 = arith.select %eq3A_211, %broadcast_in_dim3A_214, %select_n3A_206 : vector<512x128xi1>, vector<512x128xf32>
    %reduce_max3A_216 = arith.constant dense<0xFF800000> : vector<512xf32>
    %reduce_max3A_217 = vector.multi_reduction <maximumf>, %select_n3A_215, %reduce_max3A_216 [1] : vector<512x128xf32> to vector<512xf32>
    %broadcast_in_dim3A_218 = vector.shape_cast %reduce_max3A_217 : vector<512xf32> to vector<512x1xf32>
    %eq3A_219 = vector.broadcast %broadcast_in_dim3A_218 : vector<512x1xf32> to vector<512x128xf32>
    %eq3A_220 = arith.cmpf oeq, %select_n3A_215, %eq3A_219 : vector<512x128xf32>
    %or3A_221 = arith.ori %or3A_212, %eq3A_220 : vector<512x128xi1>
    %jit3A_222 = arith.constant 0xFF800000 : f32
    %broadcast_in_dim3A_223 = vector.broadcast %jit3A_222 : f32 to vector<512x128xf32>
    %select_n3A_224 = arith.select %eq3A_220, %broadcast_in_dim3A_223, %select_n3A_215 : vector<512x128xi1>, vector<512x128xf32>
    %reduce_max3A_225 = arith.constant dense<0xFF800000> : vector<512xf32>
    %reduce_max3A_226 = vector.multi_reduction <maximumf>, %select_n3A_224, %reduce_max3A_225 [1] : vector<512x128xf32> to vector<512xf32>
    %broadcast_in_dim3A_227 = vector.shape_cast %reduce_max3A_226 : vector<512xf32> to vector<512x1xf32>
    %eq3A_228 = vector.broadcast %broadcast_in_dim3A_227 : vector<512x1xf32> to vector<512x128xf32>
    %eq3A_229 = arith.cmpf oeq, %select_n3A_224, %eq3A_228 : vector<512x128xf32>
    %or3A_230 = arith.ori %or3A_221, %eq3A_229 : vector<512x128xi1>
    %jit3A_231 = arith.constant 0xFF800000 : f32
    %broadcast_in_dim3A_232 = vector.broadcast %jit3A_231 : f32 to vector<512x128xf32>
    %select_n3A_233 = arith.select %eq3A_229, %broadcast_in_dim3A_232, %select_n3A_224 : vector<512x128xi1>, vector<512x128xf32>
    %reduce_max3A_234 = arith.constant dense<0xFF800000> : vector<512xf32>
    %reduce_max3A_235 = vector.multi_reduction <maximumf>, %select_n3A_233, %reduce_max3A_234 [1] : vector<512x128xf32> to vector<512xf32>
    %broadcast_in_dim3A_236 = vector.shape_cast %reduce_max3A_235 : vector<512xf32> to vector<512x1xf32>
    %eq3A_237 = vector.broadcast %broadcast_in_dim3A_236 : vector<512x1xf32> to vector<512x128xf32>
    %eq3A_238 = arith.cmpf oeq, %select_n3A_233, %eq3A_237 : vector<512x128xf32>
    %or3A_239 = arith.ori %or3A_230, %eq3A_238 : vector<512x128xi1>
    %jit3A_240 = arith.constant 0xFF800000 : f32
    %broadcast_in_dim3A_241 = vector.broadcast %jit3A_240 : f32 to vector<512x128xf32>
    %select_n3A_242 = arith.select %eq3A_238, %broadcast_in_dim3A_241, %select_n3A_233 : vector<512x128xi1>, vector<512x128xf32>
    %reduce_max3A_243 = arith.constant dense<0xFF800000> : vector<512xf32>
    %reduce_max3A_244 = vector.multi_reduction <maximumf>, %select_n3A_242, %reduce_max3A_243 [1] : vector<512x128xf32> to vector<512xf32>
    %broadcast_in_dim3A_245 = vector.shape_cast %reduce_max3A_244 : vector<512xf32> to vector<512x1xf32>
    %eq3A_246 = vector.broadcast %broadcast_in_dim3A_245 : vector<512x1xf32> to vector<512x128xf32>
    %eq3A_247 = arith.cmpf oeq, %select_n3A_242, %eq3A_246 : vector<512x128xf32>
    %or3A_248 = arith.ori %or3A_239, %eq3A_247 : vector<512x128xi1>
    %jit3A_249 = arith.constant 0xFF800000 : f32
    %broadcast_in_dim3A_250 = vector.broadcast %jit3A_249 : f32 to vector<512x128xf32>
    %select_n3A_251 = arith.select %eq3A_247, %broadcast_in_dim3A_250, %select_n3A_242 : vector<512x128xi1>, vector<512x128xf32>
    %reduce_max3A_252 = arith.constant dense<0xFF800000> : vector<512xf32>
    %reduce_max3A_253 = vector.multi_reduction <maximumf>, %select_n3A_251, %reduce_max3A_252 [1] : vector<512x128xf32> to vector<512xf32>
    %broadcast_in_dim3A_254 = vector.shape_cast %reduce_max3A_253 : vector<512xf32> to vector<512x1xf32>
    %eq3A_255 = vector.broadcast %broadcast_in_dim3A_254 : vector<512x1xf32> to vector<512x128xf32>
    %eq3A_256 = arith.cmpf oeq, %select_n3A_251, %eq3A_255 : vector<512x128xf32>
    %or3A_257 = arith.ori %or3A_248, %eq3A_256 : vector<512x128xi1>
    %jit3A_258 = arith.constant 0xFF800000 : f32
    %broadcast_in_dim3A_259 = vector.broadcast %jit3A_258 : f32 to vector<512x128xf32>
    %select_n3A_260 = arith.select %eq3A_256, %broadcast_in_dim3A_259, %select_n3A_251 : vector<512x128xi1>, vector<512x128xf32>
    %reduce_max3A_261 = arith.constant dense<0xFF800000> : vector<512xf32>
    %reduce_max3A_262 = vector.multi_reduction <maximumf>, %select_n3A_260, %reduce_max3A_261 [1] : vector<512x128xf32> to vector<512xf32>
    %broadcast_in_dim3A_263 = vector.shape_cast %reduce_max3A_262 : vector<512xf32> to vector<512x1xf32>
    %eq3A_264 = vector.broadcast %broadcast_in_dim3A_263 : vector<512x1xf32> to vector<512x128xf32>
    %eq3A_265 = arith.cmpf oeq, %select_n3A_260, %eq3A_264 : vector<512x128xf32>
    %or3A_266 = arith.ori %or3A_257, %eq3A_265 : vector<512x128xi1>
    %jit3A_267 = arith.constant 0xFF800000 : f32
    %broadcast_in_dim3A_268 = vector.broadcast %jit3A_267 : f32 to vector<512x128xf32>
    %select_n3A_269 = arith.select %eq3A_265, %broadcast_in_dim3A_268, %select_n3A_260 : vector<512x128xi1>, vector<512x128xf32>
    %reduce_max3A_270 = arith.constant dense<0xFF800000> : vector<512xf32>
    %reduce_max3A_271 = vector.multi_reduction <maximumf>, %select_n3A_269, %reduce_max3A_270 [1] : vector<512x128xf32> to vector<512xf32>
    %broadcast_in_dim3A_272 = vector.shape_cast %reduce_max3A_271 : vector<512xf32> to vector<512x1xf32>
    %eq3A_273 = vector.broadcast %broadcast_in_dim3A_272 : vector<512x1xf32> to vector<512x128xf32>
    %eq3A_274 = arith.cmpf oeq, %select_n3A_269, %eq3A_273 : vector<512x128xf32>
    %or3A_275 = arith.ori %or3A_266, %eq3A_274 : vector<512x128xi1>
    %jit3A_276 = arith.constant 0xFF800000 : f32
    %broadcast_in_dim3A_277 = vector.broadcast %jit3A_276 : f32 to vector<512x128xf32>
    %select_n3A_278 = arith.select %eq3A_274, %broadcast_in_dim3A_277, %select_n3A_269 : vector<512x128xi1>, vector<512x128xf32>
    %reduce_max3A_279 = arith.constant dense<0xFF800000> : vector<512xf32>
    %reduce_max3A_280 = vector.multi_reduction <maximumf>, %select_n3A_278, %reduce_max3A_279 [1] : vector<512x128xf32> to vector<512xf32>
    %broadcast_in_dim3A_281 = vector.shape_cast %reduce_max3A_280 : vector<512xf32> to vector<512x1xf32>
    %eq3A_282 = vector.broadcast %broadcast_in_dim3A_281 : vector<512x1xf32> to vector<512x128xf32>
    %eq3A_283 = arith.cmpf oeq, %select_n3A_278, %eq3A_282 : vector<512x128xf32>
    %or3A_284 = arith.ori %or3A_275, %eq3A_283 : vector<512x128xi1>
    %jit3A_285 = arith.constant 0xFF800000 : f32
    %broadcast_in_dim3A_286 = vector.broadcast %jit3A_285 : f32 to vector<512x128xf32>
    %select_n3A_287 = arith.select %eq3A_283, %broadcast_in_dim3A_286, %select_n3A_278 : vector<512x128xi1>, vector<512x128xf32>
    %reduce_max3A_288 = arith.constant dense<0xFF800000> : vector<512xf32>
    %reduce_max3A_289 = vector.multi_reduction <maximumf>, %select_n3A_287, %reduce_max3A_288 [1] : vector<512x128xf32> to vector<512xf32>
    %broadcast_in_dim3A_290 = vector.shape_cast %reduce_max3A_289 : vector<512xf32> to vector<512x1xf32>
    %eq3A_291 = vector.broadcast %broadcast_in_dim3A_290 : vector<512x1xf32> to vector<512x128xf32>
    %eq3A_292 = arith.cmpf oeq, %select_n3A_287, %eq3A_291 : vector<512x128xf32>
    %or3A_293 = arith.ori %or3A_284, %eq3A_292 : vector<512x128xi1>
    %jit3A_294 = arith.constant 0.000000e+00 : f32
    %broadcast_in_dim3A_295 = vector.broadcast %jit3A_294 : f32 to vector<512x128xf32>
    %select_n3A_296 = arith.select %or3A_293, %dot_general3A_10, %broadcast_in_dim3A_295 : vector<512x128xi1>, vector<512x128xf32>
    %iota3A = tpu.iota {dimensions = array<i32: 1>} : vector<512x8xi32>
    %eq3A_297 = arith.constant 0 : i32
    %eq3A_298 = vector.broadcast %eq3A_297 : i32 to vector<512x8xi32>
    %eq3A_299 = arith.cmpi eq, %iota3A, %eq3A_298 : vector<512x8xi32>
    %jit3A_300 = arith.constant 1.000000e+00 : f32
    %jit3A_301 = arith.constant 0.000000e+00 : f32
    %broadcast_in_dim3A_302 = vector.broadcast %jit3A_300 : f32 to vector<512x8xf32>
    %broadcast_in_dim3A_303 = vector.broadcast %jit3A_301 : f32 to vector<512x8xf32>
    %select_n3A_304 = arith.select %eq3A_299, %broadcast_in_dim3A_302, %broadcast_in_dim3A_303 : vector<512x8xi1>, vector<512x8xf32>
    %slice3A = vector.extract_strided_slice %select_n3A_296 {offsets = [0, 0], sizes = [512, 64], strides = [1, 1]} : vector<512x128xf32> to vector<512x64xf32>
    %concatenate3A = tpu.concatenate %slice3A, %select_n3A_304 in 1 : vector<512x64xf32>, vector<512x8xf32> -> vector<512x72xf32>
    %swap3A_305 = arith.constant 0 : index
    %swap3A_306 = arith.constant 0 : index
    %swap3A_307 = vector.load %arg5[%swap3A_305, %swap3A_306] : memref<512x72xf32, #tpu.memory_space<vmem>>, vector<512x72xf32>
    tpu.vector_store %arg5[%swap3A_305, %swap3A_306], %concatenate3A {strides = array<i32>} : memref<512x72xf32, #tpu.memory_space<vmem>>, vector<512x72xf32>,
    %slice3A_308 = vector.extract_strided_slice %select_n3A_296 {offsets = [0, 64], sizes = [512, 64], strides = [1, 1]} : vector<512x128xf32> to vector<512x64xf32>
    %concatenate3A_309 = tpu.concatenate %slice3A_308, %select_n3A_304 in 1 : vector<512x64xf32>, vector<512x8xf32> -> vector<512x72xf32>
    %swap3A_310 = arith.constant 0 : index
    %swap3A_311 = arith.constant 0 : index
    %swap3A_312 = vector.load %arg6[%swap3A_310, %swap3A_311] : memref<512x72xf32, #tpu.memory_space<vmem>>, vector<512x72xf32>
    tpu.vector_store %arg6[%swap3A_310, %swap3A_311], %concatenate3A_309 {strides = array<i32>} : memref<512x72xf32, #tpu.memory_space<vmem>>, vector<512x72xf32>,
    return
  }
  func.func @transform_0(%arg0: i32) -> (i32, i32) {
    %c0_i32 = arith.constant 0 : i32
    %c0_i32_0 = arith.constant 0 : i32
    return %arg0, %c0_i32 : i32, i32
  }
  func.func @transform_1(%arg0: i32) -> (i32, i32) {
    %c0_i32 = arith.constant 0 : i32
    %c0_i32_0 = arith.constant 0 : i32
    %c0_i32_1 = arith.constant 0 : i32
    return %c0_i32, %c0_i32_0 : i32, i32
  }
  func.func @transform_2(%arg0: i32) -> (i32, i32) {
    %c0_i32 = arith.constant 0 : i32
    %c0_i32_0 = arith.constant 0 : i32
    %c0_i32_1 = arith.constant 0 : i32
    return %c0_i32, %c0_i32_0 : i32, i32
  }
  func.func @transform_3(%arg0: i32) -> (i32, i32) {
    %c0_i32 = arith.constant 0 : i32
    %c0_i32_0 = arith.constant 0 : i32
    return %arg0, %c0_i32 : i32, i32
  }
  func.func @transform_4(%arg0: i32) -> (i32, i32) {
    %c0_i32 = arith.constant 0 : i32
    %c0_i32_0 = arith.constant 0 : i32
    return %arg0, %c0_i32 : i32, i32
  }
  func.func @transform_5(%arg0: i32) -> (i32, i32) {
    %c0_i32 = arith.constant 0 : i32
    %c0_i32_0 = arith.constant 0 : i32
    return %arg0, %c0_i32 : i32, i32
  }
}

module attributes {stable_mosaic.version = 14 : i64} {
  func.func @_combine_body(%arg0: i32, %arg1: memref<512x128xf32, #tpu.memory_space<vmem>>, %arg2: memref<2x2x512x72xf32, #tpu.memory_space<vmem>>, %arg3: memref<512x128xf32, #tpu.memory_space<vmem>>) attributes {dimension_semantics = [#tpu.dimension_semantics<arbitrary>], iteration_bounds = array<i64: 20>, scalar_prefetch = 0 : i64, scratch_operands = 0 : i64, tpu.core_type = #tpu.core_type<tc>, window_params = [{transform_indices = @transform_0, window_bounds = array<i64: 512, 128>}, {transform_indices = @transform_1, window_bounds = array<i64: 2, 2, 512, 72>}, {transform_indices = @transform_2, window_bounds = array<i64: 512, 128>}]} {
    %get3A = arith.constant 0 : index
    %get3A_0 = arith.constant 0 : index
    %get3A_1 = arith.constant 0 : index
    %get3A_2 = arith.constant 0 : index
    %get3A_3 = vector.load %arg2[%get3A, %get3A_0, %get3A_1, %get3A_2] : memref<2x2x512x72xf32, #tpu.memory_space<vmem>>, vector<1x1x512x64xf32>
    %get3A_4 = vector.shape_cast %get3A_3 : vector<1x1x512x64xf32> to vector<512x64xf32>
    %get3A_5 = arith.constant 1 : index
    %get3A_6 = arith.constant 0 : index
    %get3A_7 = arith.constant 0 : index
    %get3A_8 = arith.constant 0 : index
    %get3A_9 = vector.load %arg2[%get3A_5, %get3A_6, %get3A_7, %get3A_8] : memref<2x2x512x72xf32, #tpu.memory_space<vmem>>, vector<1x1x512x64xf32>
    %get3A_10 = vector.shape_cast %get3A_9 : vector<1x1x512x64xf32> to vector<512x64xf32>
    %add3A = arith.addf %get3A_4, %get3A_10 : vector<512x64xf32>
    %get3A_11 = arith.constant 0 : index
    %get3A_12 = arith.constant 1 : index
    %get3A_13 = arith.constant 0 : index
    %get3A_14 = arith.constant 0 : index
    %get3A_15 = vector.load %arg2[%get3A_11, %get3A_12, %get3A_13, %get3A_14] : memref<2x2x512x72xf32, #tpu.memory_space<vmem>>, vector<1x1x512x64xf32>
    %get3A_16 = vector.shape_cast %get3A_15 : vector<1x1x512x64xf32> to vector<512x64xf32>
    %get3A_17 = arith.constant 1 : index
    %get3A_18 = arith.constant 1 : index
    %get3A_19 = arith.constant 0 : index
    %get3A_20 = arith.constant 0 : index
    %get3A_21 = vector.load %arg2[%get3A_17, %get3A_18, %get3A_19, %get3A_20] : memref<2x2x512x72xf32, #tpu.memory_space<vmem>>, vector<1x1x512x64xf32>
    %get3A_22 = vector.shape_cast %get3A_21 : vector<1x1x512x64xf32> to vector<512x64xf32>
    %add3A_23 = arith.addf %get3A_16, %get3A_22 : vector<512x64xf32>
    %concatenate3A = tpu.concatenate %add3A, %add3A_23 in 1 : vector<512x64xf32>, vector<512x64xf32> -> vector<512x128xf32>
    %get3A_24 = arith.constant 0 : index
    %get3A_25 = arith.constant 0 : index
    %get3A_26 = arith.constant 0 : index
    %get3A_27 = arith.constant 64 : index
    %get3A_28 = vector.load %arg2[%get3A_24, %get3A_25, %get3A_26, %get3A_27] : memref<2x2x512x72xf32, #tpu.memory_space<vmem>>, vector<1x1x512x1xf32>
    %get3A_29 = vector.shape_cast %get3A_28 : vector<1x1x512x1xf32> to vector<512x1xf32>
    %get3A_30 = arith.constant 1 : index
    %get3A_31 = arith.constant 0 : index
    %get3A_32 = arith.constant 0 : index
    %get3A_33 = arith.constant 64 : index
    %get3A_34 = vector.load %arg2[%get3A_30, %get3A_31, %get3A_32, %get3A_33] : memref<2x2x512x72xf32, #tpu.memory_space<vmem>>, vector<1x1x512x1xf32>
    %get3A_35 = vector.shape_cast %get3A_34 : vector<1x1x512x1xf32> to vector<512x1xf32>
    %add3A_36 = arith.addf %get3A_29, %get3A_35 : vector<512x1xf32>
    %get3A_37 = arith.constant 0 : index
    %get3A_38 = arith.constant 0 : index
    %get3A_39 = vector.load %arg1[%get3A_37, %get3A_38] : memref<512x128xf32, #tpu.memory_space<vmem>>, vector<512x128xf32>
    %max3A = arith.constant 1.000000e+00 : f32
    %max3A_40 = vector.broadcast %max3A : f32 to vector<512x1xf32>
    %max3A_41 = arith.maximumf %add3A_36, %max3A_40 : vector<512x1xf32>
    %div3A = vector.broadcast %max3A_41 : vector<512x1xf32> to vector<512x128xf32>
    %div3A_42 = arith.divf %concatenate3A, %div3A : vector<512x128xf32>
    %add3A_43 = arith.addf %get3A_39, %div3A_42 : vector<512x128xf32>
    %swap3A = arith.constant 0 : index
    %swap3A_44 = arith.constant 0 : index
    %swap3A_45 = vector.load %arg3[%swap3A, %swap3A_44] : memref<512x128xf32, #tpu.memory_space<vmem>>, vector<512x128xf32>
    tpu.vector_store %arg3[%swap3A, %swap3A_44], %add3A_43 {strides = array<i32>} : memref<512x128xf32, #tpu.memory_space<vmem>>, vector<512x128xf32>,
    return
  }
  func.func @transform_0(%arg0: i32) -> (i32, i32) {
    %c0_i32 = arith.constant 0 : i32
    %c0_i32_0 = arith.constant 0 : i32
    return %arg0, %c0_i32 : i32, i32
  }
  func.func @transform_1(%arg0: i32) -> (i32, i32, i32, i32) {
    %c0_i32 = arith.constant 0 : i32
    %c0_i32_0 = arith.constant 0 : i32
    %c0_i32_1 = arith.constant 0 : i32
    %c0_i32_2 = arith.constant 0 : i32
    return %c0_i32, %c0_i32_0, %arg0, %c0_i32_1 : i32, i32, i32, i32
  }
  func.func @transform_2(%arg0: i32) -> (i32, i32) {
    %c0_i32 = arith.constant 0 : i32
    %c0_i32_0 = arith.constant 0 : i32
    return %arg0, %c0_i32 : i32, i32
  }
}

</mosaic_0001>

<sc_bundles>
// kernel: kernel.5.cloned.1.call-start
scs
__scs_entry_jumppad:
0x0: {  	(pc) =	sbr.rel $0x88, $3  }
0x1: {  	(tag) =	ssettag $0x0;
	lr =	simm.s32 $0x1  }
0x2: {  	[smem:$0x3F9D] =	sst lr;
	_ =	strace $0xD0000000  }
0x3: {  	_ = 	snop  }
0x4: {  	_ = 	snop  }
0x5: {  	_ = 	snop  }
0x6: {  	_ = 	snop  }
0x7: {  	_ = 	snop  }
__scs_overlays_trampoline_lowered:
0x8: {  	[smem:$0x3FAC] =	sst s0  }
0x9: {  	[smem:$0x3FAD] =	sst s1  }
0xa: {  	[smem:$0x3FAE] =	sst s2  }
0xb: {  	[smem:$0x3FAF] =	sst s3  }
0xc: {  	[smem:$0x3FB0] =	sst s4  }
0xd: {  	[smem:$0x3FB1] =	sst s5  }
0xe: {  	[smem:$0x3FB2] =	sst s6  }
0xf: {  	[smem:$0x3FB3] =	sst s7  }
0x10: {  	[smem:$0x3FB4] =	sst s8  }
0x11: {  	[smem:$0x3FB5] =	sst s9;
	s0 =	simm.s32 @!p0 $0x0  }
0x12: {  	s1 =	sld [smem:$0x3F9B];
	s0 =	simm.s32 @p0 $0x1  }
0x13: {  	[smem:$0x3FB6] =	sst s0;
	s0 =	simm.s32 @!p1 $0x0  }
0x14: {  	s2 =	sld [smem:$0x3F9A];
	s0 =	simm.s32 @p1 $0x1  }
0x15: {  	[smem:$0x3FB7] =	sst s0;
	s0 =	simm.s32 @!p2 $0x0  }
0x16: {  	s3 =	sld [smem:$0x3FDB];
	s0 =	simm.s32 @p2 $0x1  }
0x17: {  	s4 =	simm.s32 $0x1BF5;
	[smem:$0x3FB9] =	sst s0  }
0x18: {  	s0 =	sld [smem:$0x3F9C];
	_ =	swait.ge [sflag:s4], $0x0  }
0x19: {  	s7 =	sld [smem:$0x3F9D]  }
0x1a: {  	s8 =	sadd.s32 $0xFFFFE003, lr  }
0x1b: {  	s9 =	sadd.s32 $0xFFFFFEF7, lr;
	s5 =	simm.s32 $0xFFFFFFFF;
	p2 =	slt.u32 s8, $0xFFFFF086  }
0x1c: {  	p1 =	slt.u32 s9, $0xF7A;
	s5 =	simm.s32 @!p2 $0x0  }
0x1d: {  	s5 =	simm.s32 @p1 $0x1;
	p0 =	seq.s32 s7, s2  }
0x1e: {  	s7 =	smul.u32 @!p0 $0xF7A, s2;
	p2 =	seq.s32 @!p0 s5, $0x0  }
0x1f: {  	s9 =	smul.u32 $0xF7A, s1;
	s8 =	simm.s32 @!p0 $0x1BF5;
	p2 =	por !p2, p0  }
0x20: {  	[sflag:s8] =	ssyncset.s32 @!p0 $0xFFFFF086;
	s6 =	sadd.s32 @!p0 s3, s7;
	s7 =	simm.s32 @!p0 $0x108  }
0x21: {  	s3 =	sadd.s32 s3, s9;
	s6 =	sadd.s32 @!p0 $0x88, s6;
	s7 =	simm.s32 @p2 $0x1082  }
0x22: {  	[simem:s7], [sflag:s8] =	dma.local @!p0 [hbm:s6], $0xF7A  }
0x23: {  	s9 =	sor.u32 $0xD0000000, s2;
	s6 =	simm.s32 $0x108;
	_ =	swait.ge @!p0 [sflag:s8], $0x0  }
0x24: {  	s3 =	sadd.s32 $0x88, s3;
	s6 =	simm.s32 @!p1 $0x1082;
	[sflag:s4] =	ssyncset.s32 $0xFFFFF086  }
0x25: {  	[simem:s6], [sflag:s4] =	dma.local [hbm:s3], $0xF7A  }
0x26: {  	[smem:$0x3F9D] =	sst s1;
	(tag) =	ssettag s2;
	_ =	strace s9  }
0x27: {  	s1 =	sld [smem:$0x3FAD]  }
0x28: {  	s2 =	sld [smem:$0x3FAE]  }
0x29: {  	s4 =	sld [smem:$0x3FB0]  }
0x2a: {  	p0 =	seq.s32 s5, $0x0;
	s5 =	sld [smem:$0x3FB1]  }
0x2b: {  	s6 =	sld [smem:$0x3FB2]  }
0x2c: {  	s7 =	sld [smem:$0x3FB3]  }
0x2d: {  	s3 =	simm.s32 $0x108;
	s8 =	sld [smem:$0x3FB4]  }
0x2e: {  	s3 =	simm.s32 @!p0 $0x1082;
	s9 =	sld [smem:$0x3FB5]  }
0x2f: {  	lr =	sadd.s32 s0, s3;
	s0 =	sld [smem:$0x3FAC]  }
0x30: {  	s3 =	sld [smem:$0x3FAF]  }
0x31: {  	[smem:$0x3FB8] =	sst s10  }
0x32: {  	s10 =	sld [smem:$0x3FB6];
	_ =	sdelay $0x3  }
0x33: {  	p0 =	seq.s32 s10, $0x1;
	s10 =	sld [smem:$0x3FB8];
	_ =	sdelay $0x3  }
0x34: {  	[smem:$0x3FB8] =	sst s10  }
0x35: {  	s10 =	sld [smem:$0x3FB7];
	_ =	sdelay $0x3  }
0x36: {  	p1 =	seq.s32 s10, $0x1;
	s10 =	sld [smem:$0x3FB8];
	_ =	sdelay $0x3  }
0x37: {  	[smem:$0x3FB8] =	sst s10  }
0x38: {  	s10 =	sld [smem:$0x3FB9]  }
0x39: {  	_ = 	snop;
	(pc) =	sbr.ind lr, $3  }
0x3a: {  	_ = 	snop  }
0x3b: {  	_ = 	snop  }
0x3c: {  	p2 =	seq.s32 s10, $0x1;
	s10 =	sld [smem:$0x3FB8]  }
0x3d: {  	_ =	shalt  }
0x3e: {  	_ =	shalt  }
0x3f: {  	_ =	shalt  }
0x40: {  	_ =	shalt  }
0x41: {  	_ =	shalt  }
0x42: {  	_ =	shalt  }
0x43: {  	_ =	shalt  }
0x44: {  	_ =	shalt  }
0x45: {  	_ =	shalt  }
0x46: {  	_ =	shalt  }
0x47: {  	_ =	shalt  }
0x48: {  	_ =	shalt  }
0x49: {  	_ =	shalt  }
0x4a: {  	_ =	shalt  }
0x4b: {  	_ =	shalt  }
0x4c: {  	_ =	shalt  }
0x4d: {  	_ =	shalt  }
0x4e: {  	_ =	shalt  }
0x4f: {  	_ =	shalt  }
0x50: {  	_ =	shalt  }
0x51: {  	_ =	shalt  }
0x52: {  	_ =	shalt  }
0x53: {  	_ =	shalt  }
0x54: {  	_ =	shalt  }
0x55: {  	_ =	shalt  }
0x56: {  	_ =	shalt  }
0x57: {  	_ =	shalt  }
0x58: {  	_ =	shalt  }
0x59: {  	_ =	shalt  }
0x5a: {  	_ =	shalt  }
0x5b: {  	_ =	shalt  }
0x5c: {  	_ =	shalt  }
0x5d: {  	_ =	shalt  }
0x5e: {  	_ =	shalt  }
0x5f: {  	_ =	shalt  }
0x60: {  	_ =	shalt  }
0x61: {  	_ =	shalt  }
0x62: {  	_ =	shalt  }
0x63: {  	_ =	shalt  }
0x64: {  	_ =	shalt  }
0x65: {  	_ =	shalt  }
0x66: {  	_ =	shalt  }
0x67: {  	_ =	shalt  }
0x68: {  	_ =	shalt  }
0x69: {  	_ =	shalt  }
0x6a: {  	_ =	shalt  }
0x6b: {  	_ =	shalt  }
0x6c: {  	_ =	shalt  }
0x6d: {  	_ =	shalt  }
0x6e: {  	_ =	shalt  }
0x6f: {  	_ =	shalt  }
0x70: {  	_ =	shalt  }
0x71: {  	_ =	shalt  }
0x72: {  	_ =	shalt  }
0x73: {  	_ =	shalt  }
0x74: {  	_ =	shalt  }
0x75: {  	_ =	shalt  }
0x76: {  	_ =	shalt  }
0x77: {  	_ =	shalt  }
0x78: {  	_ =	shalt  }
0x79: {  	_ =	shalt  }
0x7a: {  	_ =	shalt  }
0x7b: {  	_ =	shalt  }
0x7c: {  	_ =	shalt  }
0x7d: {  	_ =	shalt  }
0x7e: {  	_ =	shalt  }
0x7f: {  	_ =	shalt  }
0x80: {  	_ =	shalt  }
0x81: {  	_ =	shalt  }
0x82: {  	_ =	shalt  }
0x83: {  	_ =	shalt  }
0x84: {  	_ =	shalt  }
0x85: {  	_ =	shalt  }
0x86: {  	_ =	shalt  }
0x87: {  	_ =	shalt  }
.Lfunc_end0:
.L_simem_size_0:
called_computation_lowered:
.L_overlay_start_0:
0x88: {  	s2 =	sld [smem:$0x3FD9]  }
0x89: {  	s3 =	sld [smem:$0x3FFE];
	_ =	sdelay $0x1  }
0x8a: {  	s1 =	srdreg.scid  }
0x8b: {  	s0 =	sand.u32 $0x1, s1  }
0x8c: {  	s17 =	sshll.u32 s0, $0xA;
	s2 =	sadd.s32 s3, s2  }
0x8d: {  	s2 =	sadd.s32 s2, s17  }
0x8e: {  	[smem:$0x3FC4] =	sst s2  }
0x8f: {  	_ = 	snop  }
0x90: {  	s2 =	sld [smem:$0x3FD0];
	(tm) =	ssettm $0x1  }
0x91: {  	s18 =	sld [smem:$0x3FFB];
	_ =	sdelay $0x3  }
0x92: {  	_ =	strace s18  }
0x93: {  	s3 =	sld [smem:$0x3FFC];
	_ =	sdelay $0x3  }
0x94: {  	_ =	strace s3  }
0x95: {  	s3 =	sld [smem:$0x3FFD];
	_ =	sdelay $0x3  }
0x96: {  	_ =	strace s3  }
0x97: {  	_ =	strace $0x8FFFFFFF  }
0x98: {  	s19 =	sld [smem:$0x3FDB];
	_ =	sdelay $0x1  }
0x99: {  	s4 =	simm.s32 $_scs_section_size  }
0x9a: {  	s5 =	simm.s32 $_size__tile_overlayer_lowered;
	s6 =	simm.s32 $_tile_overlayer_lowered  }
0x9b: {  	s22 =	simm.s32 $0x1BFF;
	s21 =	sshll.u32 s6, $0x1;
	s3 =	sadd.s32 s4, s19  }
0x9c: {  	s7 =	simm.s32 $0x0;
	s20 =	sshll.u32 s5, $0x1;
	s5 =	sadd.s32 s21, s3  }
0x9d: {  	[timem:s7], [sflag:s22] =	dma.local [hbm:s5], s20  }
0x9e: {  	_ =	swait.ge [sflag:s22], s20  }
0x9f: {  	s4 =	ssub.s32 $0x0, s20;
	[sflag:s22] =	ssyncset.done $0x0  }
0xa0: {  	[sflag:s22] =	ssyncadd.s32 s4;
	_ =	sdelay $0x1  }
0xa1: {  	s23 =	simm.s32 $0x1B8B  }
0xa2: {  	_ =	swait.ge [sflag:s23], $0x1  }
0xa3: {  	[sflag:s23] =	ssyncset.done $0x0  }
0xa4: {  	s25 =	simm.s32 $0x1B8E;
	s24 =	sld [smem:$0x3FFE];
	[sflag:s23] =	ssyncadd.s32 $0xFFFFFFFF  }
0xa5: {  	s26 =	simm.s32 $execute0_lowered;
	[smem:$0x3FD2] =	sst s25  }
0xa6: {  	s5 =	sshll.u32 s26, $0x1;
	_ =	strace $0x80000046;
	[dreg:$0x1] =	wrdreg $0xFFFFFFFF  }
0xa7: {  	s28 =	simm.s32 $_size_execute0_lowered;
	s3 =	sadd.s32 s3, s5;
	[dreg:$0x0] =	wrdreg $0x0  }
0xa8: {  	s5 =	sshll.u32 s28, $0x1;
	[dreg:$0x2] =	wrdreg s3  }
0xa9: {  	[dreg:$0x3] =	wrdreg s5  }
0xaa: {  	[dreg:$0x4] =	wrdreg $0xC0  }
0xab: {  	_ =	task [dreg:s7], $0x5FFFF  }
0xac: {  	[dreg:$0x1] =	wrdreg $0xFFFFFFFF  }
0xad: {  	[dreg:$0x0] =	wrdreg $0x60  }
0xae: {  	[dreg:$0x2] =	wrdreg s2  }
0xaf: {  	[dreg:$0x3] =	wrdreg s24  }
0xb0: {  	[dreg:$0x4] =	wrdreg $0x128000  }
0xb1: {  	[dreg:$0x5] =	wrdreg $0x9  }
0xb2: {  	_ =	task.clear_ibuf [dreg:s7], $0x6FFFF;
	_ =	strace $0x90000046  }
0xb3: {  	s29 =	simm.s32 $0x9;
	_ =	strace $0x80000048  }
0xb4: {  	_ =	swait.ge [sflag:s29], $0x1  }
0xb5: {  	[sflag:s29] =	ssyncadd.s32 $0xFFFFFFFF  }
0xb6: {  	_ =	strace $0x90000048  }
0xb7: {  	_ =	sfence  }
0xb8: {  	s30 =	sld [smem:$0x0];
	_ =	sdelay $0x2  }
0xb9: {  	s31 =	sshll.u32 s1, $0xD;
	s1 =	sshrl.u32 s1, $0x2  }
0xba: {  	s3 =	sand.u32 $0x4000, s31;
	s1 =	sadd.s32 s1, s30  }
0xbb: {  	s0 =	sor.u32 s3, s0;
	s1 =	sshll.u32 s1, $0x11  }
0xbc: {  	s0 =	sor.u32 s1, s0  }
0xbd: {  	s0 =	sadd.s32 $0x8F2B, s0  }
0xbe: {  	[sflag:s0] =	ssyncadd.remote.s32 $0x1  }
0xbf: {  	_ =	sfence.sel $0xFFFF  }
0xc0: {  	[dreg:$0x0] =	wrdreg $0xFFFFFFFF;
	(pc) =	sbr.abs _section_cstart, $3  }
0xc1: {  	[dreg:$0x1] =	wrdreg $0xFFFFFFFF  }
0xc2: {  	_ =	task.clear_ibuf [dreg:s7], $0x2FFFF;
	_ =	strace $0x9FFFFFFF  }
0xc3: {  	(tm) =	ssettm $0x7FFFFFFF  }
tec
execute0_lowered:
.L_overlay_start_1:
0x0: {  	(tag) =	ssettag $0x1  }
0x1: {  	s1 =	rddreg [dreg:$0x0]  }
0x2: {  	s0 =	rddreg [dreg:$0x1];
	s2 =	srdreg.scid  }
0x3: {  	s11 =	stileid.u32;
	s3 =	rddreg [dreg:$0x2];
	s13 =	simm.s32 $0x0  }
0x4: {  	s29 =	simm.s32 $0x9800;
	s30 =	simm.s32 $0x80;
	s5 =	smul.u32 $0x98, s11  }
0x5: {  	s31 =	simm.s32 $0xBC00;
	s28 =	simm.s32 $0x4;
	s9 =	smul.u32 $0x280, s11  }
0x6: {  	s2 =	sand.u32 $0x1, s2;
	s4 =	sshll.u32 s11, $0x3;
	s10 =	smul.u32 $0xB400, s11  }
0x7: {  	[smem:$0x7FF] =	sst s13;
	s11 =	smul.u32 $0x2D000, s11;
	p0 =	seq.s32 s2, $0x0  }
0x8: {  	s6 =	sor.u32 $0x980, s4;
	s7 =	smul.u32 $0x2D000, s2;
	_ =	strace $0x80000047  }
0x9: {  	s2 =	ssub.s32 $0x2, s2;
	s6 =	smov.u32 @p0 s5;
	s5 =	sadd.s32 $0x400, s0  }
0xa: {  	s17 =	sshrl.u32 s2, $0x1;
	s12 =	sadd.s32 $0x80, s9;
	s24 =	sadd.s32 s10, s3  }
0xb: {  	s21 =	sshrl.u32 s11, $0x2;
	s22 =	sadd.s32 $0x12000, s11;
	s26 =	sadd.s32 $0x1B000, s11  }
0xc: {  	s15 =	sshrl.u32 s10, $0x3;
	s16 =	sadd.s32 $0x4800, s10;
	s6 =	sshll.u32 s6, $0x4  }
0xd: {  	s2 =	ssub.s32 s2, s17;
	s20 =	smul.u32 $0x120, s12;
	s25 =	sadd.s32 s21, s3  }
0xe: {  	s23 =	sshrl.u32 s22, $0x2;
	s4 =	sshrl.u32 s26, $0x2;
	[dreg:$0xe] =	wrdreg s15  }
0xf: {  	s14 =	smul.u32 $0x48, s12;
	s22 =	sadd.s32 $0x9000, s10;
	[dreg:$0x7] =	wrdreg s24  }
0x10: {  	s8 =	sadd.s32 s6, s0;
	s2 =	smax.u32 s2, $0x1;
	[dreg:$0x9] =	wrdreg s25  }
0x11: {  	s0 =	sadd.s32 s7, s0;
	s26 =	sshrl.u32 s22, $0x3;
	[dreg:$0x8] =	wrdreg s2  }
0x12: {  	s7 =	simm.s32 $0x26;
	s18 =	sadd.s32 $0x21400, s8;
	[dreg:$0x16] =	wrdreg s26  }
0x13: {  	s7 =	simm.s32 @!p0 $0x2;
	s19 =	sadd.s32 $0x16C00, s8;
	[dreg:$0x5] =	wrdreg s18  }
0x14: {  	s9 =	sadd.s32 $0x2BC00, s0;
	s17 =	sadd.s32 s14, s3;
	[dreg:$0x6] =	wrdreg s19  }
0x15: {  	s0 =	sshrl.u32 s20, $0x2;
	s2 =	sshrl.u32 s14, $0x3;
	[dreg:$0xf] =	wrdreg s17  }
0x16: {  	s8 =	sadd.s32 $0x24000, s11;
	s0 =	sadd.s32 s0, s3;
	[dreg:$0x10] =	wrdreg s2  }
0x17: {  	s26 =	simm.s32 $0x5;
	s18 =	sadd.s32 s16, s3;
	[dreg:$0xa] =	wrdreg s0  }
0x18: {  	s19 =	sadd.s32 $0x6C00, s10;
	s0 =	sadd.s32 s23, s3;
	[dreg:$0x11] =	wrdreg s18  }
0x19: {  	s20 =	sshll.u32 s7, $0xB;
	s21 =	sadd.s32 s19, s3;
	[dreg:$0xb] =	wrdreg s0  }
0x1a: {  	s6 =	sshll.u32 s7, $0x2;
	s2 =	sadd.s32 $0xFFFFF800, s20;
	[dreg:$0x13] =	wrdreg s21  }
0x1b: {  	s11 =	sshrl.u32 s8, $0x2;
	s23 =	sadd.s32 s22, s3;
	[dreg:$0x4] =	wrdreg s2  }
0x1c: {  	s7 =	simm.s32 $0x10400;
	s0 =	sadd.s32 s4, s3;
	[dreg:$0x15] =	wrdreg s23  }
0x1d: {  	s8 =	simm.s32 $0x1;
	[dreg:$0xc] =	wrdreg s0;
	s0 =	sadd.s32 s11, s3  }
0x1e: {  	s10 =	simm.s32 $0x0;
	[dreg:$0xd] =	wrdreg s0;
	s0 =	sshrl.u32 s16, $0x3  }
0x1f: {  	s2 =	simm.s32 $0x3;
	[dreg:$0x12] =	wrdreg s0;
	s0 =	sshrl.u32 s19, $0x3  }
0x20: {  	v0 =	vimm.f32 $0.0e+00;
	s11 =	simm.s32 $0x2;
	[dreg:$0x14] =	wrdreg s0;
	s0 =	simm.s32 $0xE000  }
.LBB2_1:
0x21: {  	s4 =	rddreg [dreg:$0x5]  }
0x22: {  	[tilespmem:s13], [sflag:$0x5] =	stream.linear.gather [hbm4b:s4+s13], $0x4C00, $0x38;
	[tilespmem:$0x1DC00] =	vst v63  }
0x23: {  	_ =	swait.ge [sflag:s26], $0x4C00  }
0x24: {  	[sflag:s26] =	ssyncset.done $0x0  }
0x25: {  	s12 =	simm.s32 $0x4C00;
	s23 =	rddreg [dreg:$0x6];
	[sflag:s26] =	ssyncadd.s32 $0xFFFFB400  }
0x26: {  	[tilespmem:s12], [sflag:$0x5] =	stream.linear.gather [hbm4b:s23+s13], $0x4C00, $0x38;
	[tilespmem:$0x1DC00] =	vst v63  }
0x27: {  	_ =	swait.ge [sflag:s26], $0x4C00  }
0x28: {  	[sflag:s26] =	ssyncset.done $0x0  }
0x29: {  	s12 =	simm.s32 $0x0;
	[sflag:s26] =	ssyncadd.s32 $0xFFFFB400  }
0x2a: {  	s13 =	simm.s32 $0x120;
	[tilespmem:s12+$0x9820] =	vst v0  }
.LBB2_2:
0x2b: {  	p0 =	sne.s32 s13, $0x8EE0;
	[tilespmem:s12+$0x9810] =	vst v0;
	s14 =	smov.u32 s13;
	s13 =	sadd.s32 $0x120, s13  }
.Ltmp0:
0x2c: {  	[tilespmem:s12+$0x9830] =	vst v0;
	(pc) =	sbr.rel @p0 .LBB2_2-.Ltmp0, $4  }
0x2d: {  	[tilespmem:s12+$0x9838] =	vst v0  }
0x2e: {  	[tilespmem:s12+$0x9800] =	vst v0  }
0x2f: {  	s12 =	sshra.s32 s14, $0x2  }
0x30: {  	[tilespmem:s12+$0x9820] =	vst v0  }
0x31: {  	[tilespmem:s12+$0x9810] =	vst v0  }
0x32: {  	[tilespmem:s12+$0x9830] =	vst v0  }
0x33: {  	[tilespmem:s12+$0x9800] =	vst v0  }
0x34: {  	[tilespmem:s12+$0x9838] =	vst v0  }
0x35: {  	[spmem:s25] =	stream.linear.scatter [tilespmem:s29], [sflag:$0x5], $0x2400, $0x38;
	[tilespmem:$0x1DC00] =	vst v63  }
0x36: {  	_ =	swait.ge [sflag:s26], $0x2400  }
0x37: {  	[sflag:s26] =	ssyncset.done $0x0  }
0x38: {  	s4 =	rddreg [dreg:$0xa];
	[sflag:s26] =	ssyncadd.s32 $0xFFFFDC00  }
0x39: {  	[spmem:s4] =	stream.linear.scatter [tilespmem:s29], [sflag:$0x5], $0x2400, $0x38;
	[tilespmem:$0x1DC00] =	vst v63  }
0x3a: {  	_ =	swait.ge [sflag:s26], $0x2400  }
0x3b: {  	[sflag:s26] =	ssyncset.done $0x0  }
0x3c: {  	s19 =	rddreg [dreg:$0xb];
	[sflag:s26] =	ssyncadd.s32 $0xFFFFDC00  }
0x3d: {  	[spmem:s19] =	stream.linear.scatter [tilespmem:s29], [sflag:$0x5], $0x2400, $0x38;
	[tilespmem:$0x1DC00] =	vst v63  }
0x3e: {  	_ =	swait.ge [sflag:s26], $0x2400  }
0x3f: {  	[sflag:s26] =	ssyncset.done $0x0  }
0x40: {  	s20 =	rddreg [dreg:$0xc];
	[sflag:s26] =	ssyncadd.s32 $0xFFFFDC00  }
0x41: {  	[spmem:s20] =	stream.linear.scatter [tilespmem:s29], [sflag:$0x5], $0x2400, $0x38;
	[tilespmem:$0x1DC00] =	vst v63  }
0x42: {  	_ =	swait.ge [sflag:s26], $0x2400  }
0x43: {  	[sflag:s26] =	ssyncset.done $0x0  }
0x44: {  	s21 =	rddreg [dreg:$0xd];
	[sflag:s26] =	ssyncadd.s32 $0xFFFFDC00  }
0x45: {  	[spmem:s21] =	stream.linear.scatter [tilespmem:s29], [sflag:$0x5], $0x2400, $0x38;
	[tilespmem:$0x1DC00] =	vst v63  }
0x46: {  	_ =	swait.ge [sflag:s26], $0x2400  }
0x47: {  	[sflag:s26] =	ssyncset.done $0x0  }
0x48: {  	s19 =	simm.s32 $0x0;
	[sflag:s26] =	ssyncadd.s32 $0xFFFFDC00  }
0x49: {  	[tilespmem:s29], [sflag:$0x1] =	stream.indirect.gather [hbm4b:s1+s30], $0x48, s19, s30, $0xb8;
	[tilespmem:$0x1DC00] =	vst v63  }
0x4a: {  	_ = 	snop  }
0x4b: {  	[tilespmem:s31], [sflag:$0x2] =	stream.indirect.gather [hbm4b:s1+s30], $0x48, s30, s30, $0xb8;
	[tilespmem:$0x1DC00] =	vst v63  }
0x4c: {  	s22 =	simm.s32 $0x100  }
0x4d: {  	[tilespmem:s0], [sflag:$0x3] =	stream.indirect.gather [hbm4b:s1+s30], $0x48, s22, s30, $0xb8;
	[tilespmem:$0x1DC00] =	vst v63  }
0x4e: {  	s23 =	simm.s32 $0x180  }
0x4f: {  	[tilespmem:s7], [sflag:$0x4] =	stream.indirect.gather [hbm4b:s1+s30], $0x48, s23, s30, $0xb8;
	[tilespmem:$0x1DC00] =	vst v63  }
0x50: {  	s12 =	simm.s32 $0x1;
	s21 =	simm.s32 $0x7;
	[bflag:$0x0] =	sbarrier.arrive $0xFFFF  }
.LBB2_4:
0x51: {  	_ =	swait.ge [sflag:s8], $0x2400  }
0x52: {  	s13 =	sshra.s32 s19, $0x2;
	[sflag:s8] =	ssyncset.done $0x0  }
0x53: {  	s16 =	sadd.s32 $0xFFFFFFFD, s21;
	s14 =	sadd.s32 $0x4C00, s13;
	[sflag:s8] =	ssyncadd.s32 $0xFFFFDC00  }
0x54: {  	[spmem:s3] =	stream.indirect.scatter.add.f32 [tilespmem:s29], [sflag:$0x5], $0x48, s14, s30, $0xb8;
	[tilespmem:$0x1DC00] =	vst v63  }
0x55: {  	p0 =	sge.u32 s16, s6;
	_ =	swait.ge [sflag:s26], $0x2400  }
0x56: {  	s15 =	simm.s32 @!p0 $0x80;
	s14 =	sshra.s32 @!p0 s19, $0x2;
	[sflag:s26] =	ssyncset.done $0x0  }
0x57: {  	s16 =	simm.s32 @!p0 $0x9800;
	s14 =	sadd.s32 @!p0 $0x200, s14;
	[sflag:s26] =	ssyncadd.s32 $0xFFFFDC00  }
0x58: {  	[tilespmem:s16], [sflag:$0x1] =	stream.indirect.gather @!p0 [hbm4b:s1+s15], $0x48, s14, s15, $0xb8;
	[tilespmem:$0x1DC00] =	vst v63  }
0x59: {  	_ =	swait.ge [sflag:s11], $0x2400  }
0x5a: {  	[sflag:s11] =	ssyncset.done $0x0  }
0x5b: {  	s18 =	sadd.s32 $0xFFFFFFFE, s21;
	s17 =	sadd.s32 $0x4C80, s13;
	[sflag:s11] =	ssyncadd.s32 $0xFFFFDC00  }
0x5c: {  	[spmem:s3] =	stream.indirect.scatter.add.f32 [tilespmem:s31], [sflag:$0x5], $0x48, s17, s30, $0xb8;
	[tilespmem:$0x1DC00] =	vst v63  }
0x5d: {  	p0 =	sge.u32 s18, s6;
	_ =	swait.ge [sflag:s26], $0x2400  }
0x5e: {  	s14 =	sshra.s32 @!p0 s19, $0x2;
	s15 =	simm.s32 @!p0 $0x80;
	[sflag:s26] =	ssyncset.done $0x0  }
0x5f: {  	s16 =	simm.s32 @!p0 $0xBC00;
	s14 =	sadd.s32 @!p0 $0x280, s14;
	[sflag:s26] =	ssyncadd.s32 $0xFFFFDC00  }
0x60: {  	[tilespmem:s16], [sflag:$0x2] =	stream.indirect.gather @!p0 [hbm4b:s1+s15], $0x48, s14, s15, $0xb8;
	[tilespmem:$0x1DC00] =	vst v63  }
0x61: {  	_ =	swait.ge [sflag:s2], $0x2400  }
0x62: {  	[sflag:s2] =	ssyncset.done $0x0  }
0x63: {  	s22 =	sadd.s32 $0xFFFFFFFF, s21;
	s20 =	sadd.s32 $0x4D00, s13;
	[sflag:s2] =	ssyncadd.s32 $0xFFFFDC00  }
0x64: {  	[spmem:s3] =	stream.indirect.scatter.add.f32 [tilespmem:s0], [sflag:$0x5], $0x48, s20, s30, $0xb8;
	[tilespmem:$0x1DC00] =	vst v63  }
0x65: {  	p0 =	sge.u32 s22, s6;
	_ =	swait.ge [sflag:s26], $0x2400  }
0x66: {  	s14 =	sshra.s32 @!p0 s19, $0x2;
	s15 =	simm.s32 @!p0 $0x80;
	[sflag:s26] =	ssyncset.done $0x0  }
0x67: {  	s16 =	simm.s32 @!p0 $0xE000;
	s14 =	sadd.s32 @!p0 $0x300, s14;
	[sflag:s26] =	ssyncadd.s32 $0xFFFFDC00  }
0x68: {  	[tilespmem:s16], [sflag:$0x3] =	stream.indirect.gather @!p0 [hbm4b:s1+s15], $0x48, s14, s15, $0xb8;
	[tilespmem:$0x1DC00] =	vst v63  }
0x69: {  	_ =	swait.ge [sflag:s28], $0x2400  }
0x6a: {  	[sflag:s28] =	ssyncset.done $0x0  }
0x6b: {  	s13 =	sadd.s32 $0x4D80, s13;
	p0 =	sge.u32 s21, s6;
	[sflag:s28] =	ssyncadd.s32 $0xFFFFDC00  }
0x6c: {  	[spmem:s3] =	stream.indirect.scatter.add.f32 [tilespmem:s7], [sflag:$0x5], $0x48, s13, s30, $0xb8;
	[tilespmem:$0x1DC00] =	vst v63  }
0x6d: {  	s14 =	simm.s32 @!p0 $0x80;
	s15 =	simm.s32 @!p0 $0x10400;
	_ =	swait.ge [sflag:s26], $0x2400  }
0x6e: {  	s13 =	sshra.s32 @!p0 s19, $0x2;
	s19 =	sadd.s32 $0x800, s19;
	[sflag:s26] =	ssyncset.done $0x0  }
0x6f: {  	s13 =	sadd.s32 @!p0 $0x380, s13;
	s23 =	rddreg [dreg:$0x4];
	[sflag:s26] =	ssyncadd.s32 $0xFFFFDC00  }
0x70: {  	[tilespmem:s15], [sflag:$0x4] =	stream.indirect.gather @!p0 [hbm4b:s1+s14], $0x48, s13, s14, $0xb8;
	[tilespmem:$0x1DC00] =	vst v63  }
0x71: {  	p0 =	sne.s32 s23, s19  }
.Ltmp1:
0x72: {  	_ = 	snop;
	(pc) =	sbr.rel @p0 .LBB2_4-.Ltmp1, $2  }
0x73: {  	_ =	sdelay $0x2  }
0x74: {  	s20 =	smov.u32 s12;
	s12 =	sadd.s32 $0x1, s12;
	s21 =	sadd.s32 $0x4, s21  }
0x75: {  	_ =	swait.ge [sflag:s8], $0x2400;
	s18 =	sshra.s32 s19, $0x2  }
0x76: {  	[sflag:s8] =	ssyncset.done $0x0;
	s4 =	sadd.s32 $0x4C00, s18  }
0x77: {  	s13 =	sadd.s32 $0xFFFFFFFD, s21;
	[sflag:s8] =	ssyncadd.s32 $0xFFFFDC00;
	[dreg:$0x17] =	wrdreg s4  }
0x78: {  	[spmem:s3] =	stream.indirect.scatter.add.f32 [tilespmem:s29], [sflag:$0x5], $0x48, s4, s30, $0xb8;
	[tilespmem:$0x1DC00] =	vst v63  }
0x79: {  	p0 =	sge.u32 s13, s6;
	_ =	swait.ge [sflag:s26], $0x2400  }
0x7a: {  	s13 =	sshra.s32 @!p0 s19, $0x2;
	s14 =	simm.s32 @!p0 $0x80;
	[sflag:s26] =	ssyncset.done $0x0  }
0x7b: {  	s15 =	simm.s32 @!p0 $0x9800;
	s13 =	sadd.s32 @!p0 $0x200, s13;
	[sflag:s26] =	ssyncadd.s32 $0xFFFFDC00  }
0x7c: {  	[tilespmem:s15], [sflag:$0x1] =	stream.indirect.gather @!p0 [hbm4b:s1+s14], $0x48, s13, s14, $0xb8;
	[tilespmem:$0x1DC00] =	vst v63  }
0x7d: {  	_ =	swait.ge [sflag:s11], $0x2400  }
0x7e: {  	[sflag:s11] =	ssyncset.done $0x0  }
0x7f: {  	s22 =	sadd.s32 $0xFFFFFFFE, s21;
	s14 =	sadd.s32 $0x4C80, s18;
	[sflag:s11] =	ssyncadd.s32 $0xFFFFDC00  }
0x80: {  	[spmem:s3] =	stream.indirect.scatter.add.f32 [tilespmem:s31], [sflag:$0x5], $0x48, s14, s30, $0xb8;
	[tilespmem:$0x1DC00] =	vst v63  }
0x81: {  	p1 =	sge.u32 s22, s6;
	_ =	swait.ge [sflag:s26], $0x2400  }
0x82: {  	s16 =	simm.s32 @!p1 $0x80;
	s15 =	sshra.s32 @!p1 s19, $0x2;
	[sflag:s26] =	ssyncset.done $0x0  }
0x83: {  	s17 =	simm.s32 @!p1 $0xBC00;
	s15 =	sadd.s32 @!p1 $0x280, s15;
	[sflag:s26] =	ssyncadd.s32 $0xFFFFDC00  }
0x84: {  	[tilespmem:s17], [sflag:$0x2] =	stream.indirect.gather @!p1 [hbm4b:s1+s16], $0x48, s15, s16, $0xb8;
	[tilespmem:$0x1DC00] =	vst v63  }
0x85: {  	_ =	swait.ge [sflag:s2], $0x2400  }
0x86: {  	[sflag:s2] =	ssyncset.done $0x0  }
0x87: {  	s23 =	sadd.s32 $0xFFFFFFFF, s21;
	s16 =	sadd.s32 $0x4D00, s18;
	[sflag:s2] =	ssyncadd.s32 $0xFFFFDC00  }
0x88: {  	[spmem:s3] =	stream.indirect.scatter.add.f32 [tilespmem:s0], [sflag:$0x5], $0x48, s16, s30, $0xb8;
	[tilespmem:$0x1DC00] =	vst v63  }
0x89: {  	p2 =	sge.u32 s23, s6;
	_ =	swait.ge [sflag:s26], $0x2400  }
0x8a: {  	s22 =	simm.s32 @!p2 $0x80;
	s17 =	sshra.s32 @!p2 s19, $0x2;
	[sflag:s26] =	ssyncset.done $0x0  }
0x8b: {  	s23 =	simm.s32 @!p2 $0xE000;
	s17 =	sadd.s32 @!p2 $0x300, s17;
	[sflag:s26] =	ssyncadd.s32 $0xFFFFDC00  }
0x8c: {  	[tilespmem:s23], [sflag:$0x3] =	stream.indirect.gather @!p2 [hbm4b:s1+s22], $0x48, s17, s22, $0xb8;
	[tilespmem:$0x1DC00] =	vst v63  }
0x8d: {  	_ =	swait.ge [sflag:s28], $0x2400  }
0x8e: {  	[sflag:s28] =	ssyncset.done $0x0  }
0x8f: {  	s18 =	sadd.s32 $0x4D80, s18;
	[sflag:s28] =	ssyncadd.s32 $0xFFFFDC00  }
0x90: {  	[spmem:s3] =	stream.indirect.scatter.add.f32 [tilespmem:s7], [sflag:$0x5], $0x48, s18, s30, $0xb8;
	[tilespmem:$0x1DC00] =	vst v63  }
0x91: {  	p3 =	sge.u32 s21, s6;
	_ =	swait.ge [sflag:s26], $0x2400  }
0x92: {  	s21 =	simm.s32 @!p3 $0x80;
	s19 =	sshra.s32 @!p3 s19, $0x2;
	[sflag:s26] =	ssyncset.done $0x0  }
0x93: {  	s19 =	sadd.s32 @!p3 $0x380, s19;
	s22 =	simm.s32 @!p3 $0x10400;
	[sflag:s26] =	ssyncadd.s32 $0xFFFFDC00  }
0x94: {  	[tilespmem:s22], [sflag:$0x4] =	stream.indirect.gather @!p3 [hbm4b:s1+s21], $0x48, s19, s21, $0xb8;
	[tilespmem:$0x1DC00] =	vst v63  }
0x95: {  	[bflag:$0x0] =	sbarrier.arrive $0xFFFF  }
0x96: {  	[tilespmem:s29], [sflag:$0x5] =	stream.linear.gather [spmem:s24], $0x2400, $0x38;
	[tilespmem:$0x1DC00] =	vst v63  }
0x97: {  	_ =	swait.ge [sflag:s26], $0x2400  }
0x98: {  	[sflag:s26] =	ssyncset.done $0x0;
	s24 =	rddreg [dreg:$0xe]  }
0x99: {  	s22 =	simm.s32 $0x0;
	[sflag:s26] =	ssyncadd.s32 $0xFFFFDC00;
	s12 =	sadd.s32 s24, s9  }
0x9a: {  	[hbm4b:s12+s22] =	stream.linear.scatter [tilespmem:s29], [sflag:$0x5], $0x2400, $0x38;
	[tilespmem:$0x1DC00] =	vst v63  }
0x9b: {  	_ =	swait.ge [sflag:s26], $0x2400  }
0x9c: {  	[sflag:s26] =	ssyncset.done $0x0  }
0x9d: {  	s23 =	rddreg [dreg:$0xf];
	[sflag:s26] =	ssyncadd.s32 $0xFFFFDC00  }
0x9e: {  	[tilespmem:s29], [sflag:$0x5] =	stream.linear.gather [spmem:s23], $0x2400, $0x38;
	[tilespmem:$0x1DC00] =	vst v63  }
0x9f: {  	_ =	swait.ge [sflag:s26], $0x2400  }
0xa0: {  	[sflag:s26] =	ssyncset.done $0x0;
	s24 =	rddreg [dreg:$0x10]  }
0xa1: {  	[sflag:s26] =	ssyncadd.s32 $0xFFFFDC00;
	s12 =	sadd.s32 s24, s9  }
0xa2: {  	[hbm4b:s12+s22] =	stream.linear.scatter [tilespmem:s29], [sflag:$0x5], $0x2400, $0x38;
	[tilespmem:$0x1DC00] =	vst v63  }
0xa3: {  	_ =	swait.ge [sflag:s26], $0x2400  }
0xa4: {  	[sflag:s26] =	ssyncset.done $0x0  }
0xa5: {  	s23 =	rddreg [dreg:$0x11];
	[sflag:s26] =	ssyncadd.s32 $0xFFFFDC00  }
0xa6: {  	[tilespmem:s29], [sflag:$0x5] =	stream.linear.gather [spmem:s23], $0x2400, $0x38;
	[tilespmem:$0x1DC00] =	vst v63  }
0xa7: {  	_ =	swait.ge [sflag:s26], $0x2400  }
0xa8: {  	[sflag:s26] =	ssyncset.done $0x0;
	s24 =	rddreg [dreg:$0x12]  }
0xa9: {  	[sflag:s26] =	ssyncadd.s32 $0xFFFFDC00;
	s12 =	sadd.s32 s24, s9  }
0xaa: {  	[hbm4b:s12+s22] =	stream.linear.scatter [tilespmem:s29], [sflag:$0x5], $0x2400, $0x38;
	[tilespmem:$0x1DC00] =	vst v63  }
0xab: {  	_ =	swait.ge [sflag:s26], $0x2400  }
0xac: {  	[sflag:s26] =	ssyncset.done $0x0  }
0xad: {  	s23 =	rddreg [dreg:$0x13];
	[sflag:s26] =	ssyncadd.s32 $0xFFFFDC00  }
0xae: {  	[tilespmem:s29], [sflag:$0x5] =	stream.linear.gather [spmem:s23], $0x2400, $0x38;
	[tilespmem:$0x1DC00] =	vst v63  }
0xaf: {  	_ =	swait.ge [sflag:s26], $0x2400  }
0xb0: {  	[sflag:s26] =	ssyncset.done $0x0;
	s24 =	rddreg [dreg:$0x14]  }
0xb1: {  	[sflag:s26] =	ssyncadd.s32 $0xFFFFDC00;
	s12 =	sadd.s32 s24, s9  }
0xb2: {  	[hbm4b:s12+s22] =	stream.linear.scatter [tilespmem:s29], [sflag:$0x5], $0x2400, $0x38;
	[tilespmem:$0x1DC00] =	vst v63  }
0xb3: {  	_ =	swait.ge [sflag:s26], $0x2400  }
0xb4: {  	[sflag:s26] =	ssyncset.done $0x0  }
0xb5: {  	s21 =	rddreg [dreg:$0x15];
	[sflag:s26] =	ssyncadd.s32 $0xFFFFDC00  }
0xb6: {  	[tilespmem:s29], [sflag:$0x5] =	stream.linear.gather [spmem:s21], $0x2400, $0x38;
	[tilespmem:$0x1DC00] =	vst v63  }
0xb7: {  	_ =	swait.ge [sflag:s26], $0x2400  }
0xb8: {  	[sflag:s26] =	ssyncset.done $0x0;
	s23 =	rddreg [dreg:$0x16]  }
0xb9: {  	[sflag:s26] =	ssyncadd.s32 $0xFFFFDC00;
	s24 =	sadd.s32 s23, s9  }
0xba: {  	[hbm4b:s24+s22] =	stream.linear.scatter [tilespmem:s29], [sflag:$0x5], $0x2400, $0x38;
	[tilespmem:$0x1DC00] =	vst v63  }
0xbb: {  	_ =	swait.ge [sflag:s26], $0x2400  }
0xbc: {  	[sflag:s26] =	ssyncset.done $0x0  }
0xbd: {  	s21 =	simm.s32 $0x0;
	[sflag:s26] =	ssyncadd.s32 $0xFFFFDC00  }
0xbe: {  	s22 =	simm.s32 $0x120;
	[tilespmem:s21+$0x9820] =	vst v0  }
.LBB2_6:
0xbf: {  	p4 =	sne.s32 s22, $0x8EE0;
	[tilespmem:s21+$0x9810] =	vst v0;
	s23 =	smov.u32 s22;
	s22 =	sadd.s32 $0x120, s22  }
.Ltmp2:
0xc0: {  	[tilespmem:s21+$0x9830] =	vst v0;
	(pc) =	sbr.rel @p4 .LBB2_6-.Ltmp2, $4  }
0xc1: {  	[tilespmem:s21+$0x9838] =	vst v0  }
0xc2: {  	[tilespmem:s21+$0x9800] =	vst v0  }
0xc3: {  	s21 =	sshra.s32 s23, $0x2  }
0xc4: {  	[tilespmem:s21+$0x9820] =	vst v0  }
0xc5: {  	[tilespmem:s21+$0x9810] =	vst v0  }
0xc6: {  	[tilespmem:s21+$0x9830] =	vst v0  }
0xc7: {  	[tilespmem:s21+$0x9800] =	vst v0  }
0xc8: {  	[tilespmem:s21+$0x9838] =	vst v0  }
0xc9: {  	[spmem:s25] =	stream.linear.scatter [tilespmem:s29], [sflag:$0x5], $0x2400, $0x38;
	[tilespmem:$0x1DC00] =	vst v63  }
0xca: {  	_ =	swait.ge [sflag:s26], $0x2400  }
0xcb: {  	[sflag:s26] =	ssyncset.done $0x0  }
0xcc: {  	s4 =	rddreg [dreg:$0xa];
	[sflag:s26] =	ssyncadd.s32 $0xFFFFDC00  }
0xcd: {  	[spmem:s4] =	stream.linear.scatter [tilespmem:s29], [sflag:$0x5], $0x2400, $0x38;
	[tilespmem:$0x1DC00] =	vst v63  }
0xce: {  	_ =	swait.ge [sflag:s26], $0x2400  }
0xcf: {  	[sflag:s26] =	ssyncset.done $0x0  }
0xd0: {  	s23 =	rddreg [dreg:$0xb];
	[sflag:s26] =	ssyncadd.s32 $0xFFFFDC00  }
0xd1: {  	[spmem:s23] =	stream.linear.scatter [tilespmem:s29], [sflag:$0x5], $0x2400, $0x38;
	[tilespmem:$0x1DC00] =	vst v63  }
0xd2: {  	_ =	swait.ge [sflag:s26], $0x2400  }
0xd3: {  	[sflag:s26] =	ssyncset.done $0x0  }
0xd4: {  	s24 =	rddreg [dreg:$0xc];
	[sflag:s26] =	ssyncadd.s32 $0xFFFFDC00  }
0xd5: {  	[spmem:s24] =	stream.linear.scatter [tilespmem:s29], [sflag:$0x5], $0x2400, $0x38;
	[tilespmem:$0x1DC00] =	vst v63  }
0xd6: {  	_ =	swait.ge [sflag:s26], $0x2400  }
0xd7: {  	[sflag:s26] =	ssyncset.done $0x0  }
0xd8: {  	s25 =	rddreg [dreg:$0xd];
	[sflag:s26] =	ssyncadd.s32 $0xFFFFDC00  }
0xd9: {  	[spmem:s25] =	stream.linear.scatter [tilespmem:s29], [sflag:$0x5], $0x2400, $0x38;
	[tilespmem:$0x1DC00] =	vst v63  }
0xda: {  	_ =	swait.ge [sflag:s26], $0x2400  }
0xdb: {  	[sflag:s26] =	ssyncset.done $0x0  }
0xdc: {  	s4 =	simm.s32 $0x0;
	[sflag:s26] =	ssyncadd.s32 $0xFFFFDC00  }
0xdd: {  	[tilespmem:s29], [sflag:$0x1] =	stream.indirect.gather [hbm4b:s5+s30], $0x48, s4, s30, $0xb8;
	[tilespmem:$0x1DC00] =	vst v63  }
0xde: {  	_ = 	snop  }
0xdf: {  	[tilespmem:s31], [sflag:$0x2] =	stream.indirect.gather [hbm4b:s5+s30], $0x48, s30, s30, $0xb8;
	[tilespmem:$0x1DC00] =	vst v63  }
0xe0: {  	s12 =	simm.s32 $0x100  }
0xe1: {  	[tilespmem:s0], [sflag:$0x3] =	stream.indirect.gather [hbm4b:s5+s30], $0x48, s12, s30, $0xb8;
	[tilespmem:$0x1DC00] =	vst v63  }
0xe2: {  	s21 =	simm.s32 $0x180  }
0xe3: {  	[tilespmem:s7], [sflag:$0x4] =	stream.indirect.gather [hbm4b:s5+s30], $0x48, s21, s30, $0xb8;
	[tilespmem:$0x1DC00] =	vst v63  }
0xe4: {  	[bflag:$0x0] =	sbarrier.arrive $0xFFFF  }
0xe5: {  	_ =	swait.ge [sflag:s8], $0x2400  }
0xe6: {  	[sflag:s8] =	ssyncset.done $0x0  }
0xe7: {  	s22 =	simm.s32 $0x4C00;
	[sflag:s8] =	ssyncadd.s32 $0xFFFFDC00  }
0xe8: {  	[spmem:s3] =	stream.indirect.scatter.add.f32 [tilespmem:s29], [sflag:$0x5], $0x48, s22, s30, $0xb8;
	[tilespmem:$0x1DC00] =	vst v63  }
0xe9: {  	p4 =	sle.u32 s6, $0x4;
	_ =	swait.ge [sflag:s26], $0x2400  }
0xea: {  	s23 =	simm.s32 @!p4 $0x80;
	[sflag:s26] =	ssyncset.done $0x0  }
0xeb: {  	s21 =	simm.s32 @!p4 $0x9800;
	s22 =	simm.s32 @!p4 $0x200;
	[sflag:s26] =	ssyncadd.s32 $0xFFFFDC00  }
0xec: {  	[tilespmem:s21], [sflag:$0x1] =	stream.indirect.gather @!p4 [hbm4b:s5+s23], $0x48, s22, s23, $0xb8;
	[tilespmem:$0x1DC00] =	vst v63  }
0xed: {  	_ =	swait.ge [sflag:s11], $0x2400  }
0xee: {  	[sflag:s11] =	ssyncset.done $0x0  }
0xef: {  	s23 =	simm.s32 $0x4C80;
	[sflag:s11] =	ssyncadd.s32 $0xFFFFDC00  }
0xf0: {  	[spmem:s3] =	stream.indirect.scatter.add.f32 [tilespmem:s31], [sflag:$0x5], $0x48, s23, s30, $0xb8;
	[tilespmem:$0x1DC00] =	vst v63  }
0xf1: {  	p4 =	sle.u32 s6, $0x5;
	_ =	swait.ge [sflag:s26], $0x2400  }
0xf2: {  	s21 =	simm.s32 @!p4 $0xBC00;
	[sflag:s26] =	ssyncset.done $0x0  }
0xf3: {  	s22 =	simm.s32 @!p4 $0x280;
	s23 =	simm.s32 @!p4 $0x80;
	[sflag:s26] =	ssyncadd.s32 $0xFFFFDC00  }
0xf4: {  	[tilespmem:s21], [sflag:$0x2] =	stream.indirect.gather @!p4 [hbm4b:s5+s23], $0x48, s22, s23, $0xb8;
	[tilespmem:$0x1DC00] =	vst v63  }
0xf5: {  	_ =	swait.ge [sflag:s2], $0x2400  }
0xf6: {  	[sflag:s2] =	ssyncset.done $0x0  }
0xf7: {  	s24 =	simm.s32 $0x4D00;
	[sflag:s2] =	ssyncadd.s32 $0xFFFFDC00  }
0xf8: {  	[spmem:s3] =	stream.indirect.scatter.add.f32 [tilespmem:s0], [sflag:$0x5], $0x48, s24, s30, $0xb8;
	[tilespmem:$0x1DC00] =	vst v63  }
0xf9: {  	p4 =	sle.u32 s6, $0x6;
	_ =	swait.ge [sflag:s26], $0x2400  }
0xfa: {  	s21 =	simm.s32 @!p4 $0xE000;
	[sflag:s26] =	ssyncset.done $0x0  }
0xfb: {  	s22 =	simm.s32 @!p4 $0x300;
	s23 =	simm.s32 @!p4 $0x80;
	[sflag:s26] =	ssyncadd.s32 $0xFFFFDC00  }
0xfc: {  	[tilespmem:s21], [sflag:$0x3] =	stream.indirect.gather @!p4 [hbm4b:s5+s23], $0x48, s22, s23, $0xb8;
	[tilespmem:$0x1DC00] =	vst v63  }
0xfd: {  	s20 =	sadd.s32 $0xFFFFFFFF, s20;
	_ =	swait.ge [sflag:s28], $0x2400  }
0xfe: {  	p5 =	sle.u32 s6, $0x7;
	p4 =	sne.s32 s20, $0x0;
	[sflag:s28] =	ssyncset.done $0x0  }
.Ltmp3:
0xff: {  	s25 =	simm.s32 $0x4D80;
	[sflag:s28] =	ssyncadd.s32 $0xFFFFDC00;
	(pc) =	sbr.rel @!p4 .LBB2_9-.Ltmp3, $4  }
0x100: {  	[spmem:s3] =	stream.indirect.scatter.add.f32 [tilespmem:s7], [sflag:$0x5], $0x48, s25, s30, $0xb8;
	[tilespmem:$0x1DC00] =	vst v63  }
0x101: {  	s24 =	simm.s32 @!p5 $0x380;
	_ =	swait.ge [sflag:s26], $0x2400  }
0x102: {  	s21 =	simm.s32 $0x8;
	s22 =	simm.s32 $0x800;
	[sflag:s26] =	ssyncset.done $0x0  }
0x103: {  	s23 =	simm.s32 @!p5 $0x10400;
	s25 =	simm.s32 @!p5 $0x80;
	[sflag:s26] =	ssyncadd.s32 $0xFFFFDC00  }
.LBB2_8:
0x104: {  	[tilespmem:s23], [sflag:$0x4] =	stream.indirect.gather @!p5 [hbm4b:s5+s25], $0x48, s24, s25, $0xb8;
	[tilespmem:$0x1DC00] =	vst v63  }
0x105: {  	s20 =	sadd.s32 $0xFFFFFFFF, s20;
	s23 =	smov.u32 s22;
	_ =	swait.ge [sflag:s8], $0x2400  }
0x106: {  	s24 =	sshra.s32 s22, $0x2;
	p4 =	sne.s32 s20, $0x0;
	[sflag:s8] =	ssyncset.done $0x0  }
0x107: {  	s25 =	sadd.s32 $0x4C00, s24;
	[sflag:s8] =	ssyncadd.s32 $0xFFFFDC00  }
0x108: {  	[spmem:s3] =	stream.indirect.scatter.add.f32 [tilespmem:s29], [sflag:$0x5], $0x48, s25, s30, $0xb8;
	[tilespmem:$0x1DC00] =	vst v63  }
0x109: {  	p5 =	sge.u32 s21, s6;
	_ =	swait.ge [sflag:s26], $0x2400  }
0x10a: {  	s4 =	simm.s32 @!p5 $0x9800;
	s25 =	sshra.s32 @!p5 s22, $0x2;
	[sflag:s26] =	ssyncset.done $0x0  }
0x10b: {  	s12 =	simm.s32 @!p5 $0x80;
	s25 =	sadd.s32 @!p5 $0x200, s25;
	[sflag:s26] =	ssyncadd.s32 $0xFFFFDC00  }
0x10c: {  	[tilespmem:s4], [sflag:$0x1] =	stream.indirect.gather @!p5 [hbm4b:s5+s12], $0x48, s25, s12, $0xb8;
	[tilespmem:$0x1DC00] =	vst v63  }
0x10d: {  	_ =	swait.ge [sflag:s11], $0x2400  }
0x10e: {  	[sflag:s11] =	ssyncset.done $0x0  }
0x10f: {  	s4 =	sadd.s32 $0x4C80, s24;
	s12 =	sadd.s32 $0x1, s21;
	[sflag:s11] =	ssyncadd.s32 $0xFFFFDC00  }
0x110: {  	[spmem:s3] =	stream.indirect.scatter.add.f32 [tilespmem:s31], [sflag:$0x5], $0x48, s4, s30, $0xb8;
	[tilespmem:$0x1DC00] =	vst v63  }
0x111: {  	p5 =	sge.u32 s12, s6;
	_ =	swait.ge [sflag:s26], $0x2400  }
0x112: {  	s12 =	simm.s32 @!p5 $0xBC00;
	s4 =	sshra.s32 @!p5 s22, $0x2;
	[sflag:s26] =	ssyncset.done $0x0  }
0x113: {  	s25 =	simm.s32 @!p5 $0x80;
	s4 =	sadd.s32 @!p5 $0x280, s4;
	[sflag:s26] =	ssyncadd.s32 $0xFFFFDC00  }
0x114: {  	[tilespmem:s12], [sflag:$0x2] =	stream.indirect.gather @!p5 [hbm4b:s5+s25], $0x48, s4, s25, $0xb8;
	[tilespmem:$0x1DC00] =	vst v63  }
0x115: {  	_ =	swait.ge [sflag:s2], $0x2400  }
0x116: {  	[sflag:s2] =	ssyncset.done $0x0  }
0x117: {  	s4 =	sadd.s32 $0x4D00, s24;
	s12 =	sadd.s32 $0x2, s21;
	[sflag:s2] =	ssyncadd.s32 $0xFFFFDC00  }
0x118: {  	[spmem:s3] =	stream.indirect.scatter.add.f32 [tilespmem:s0], [sflag:$0x5], $0x48, s4, s30, $0xb8;
	[tilespmem:$0x1DC00] =	vst v63  }
0x119: {  	p5 =	sge.u32 s12, s6;
	_ =	swait.ge [sflag:s26], $0x2400  }
0x11a: {  	s12 =	simm.s32 @!p5 $0xE000;
	s4 =	sshra.s32 @!p5 s22, $0x2;
	[sflag:s26] =	ssyncset.done $0x0  }
0x11b: {  	s25 =	simm.s32 @!p5 $0x80;
	s4 =	sadd.s32 @!p5 $0x300, s4;
	[sflag:s26] =	ssyncadd.s32 $0xFFFFDC00  }
0x11c: {  	[tilespmem:s12], [sflag:$0x3] =	stream.indirect.gather @!p5 [hbm4b:s5+s25], $0x48, s4, s25, $0xb8;
	[tilespmem:$0x1DC00] =	vst v63  }
0x11d: {  	_ =	swait.ge [sflag:s28], $0x2400  }
0x11e: {  	s4 =	sadd.s32 $0x3, s21;
	s21 =	sadd.s32 $0x4, s21;
	[sflag:s28] =	ssyncset.done $0x0  }
.Ltmp4:
0x11f: {  	s12 =	sadd.s32 $0x4D80, s24;
	[sflag:s28] =	ssyncadd.s32 $0xFFFFDC00;
	(pc) =	sbr.rel @p4 .LBB2_8-.Ltmp4, $4  }
0x120: {  	[spmem:s3] =	stream.indirect.scatter.add.f32 [tilespmem:s7], [sflag:$0x5], $0x48, s12, s30, $0xb8;
	[tilespmem:$0x1DC00] =	vst v63  }
0x121: {  	s22 =	sadd.s32 $0x800, s22;
	p5 =	sge.u32 s4, s6;
	_ =	swait.ge [sflag:s26], $0x2400  }
0x122: {  	s4 =	sshra.s32 @!p5 s23, $0x2;
	s23 =	simm.s32 @!p5 $0x10400;
	[sflag:s26] =	ssyncset.done $0x0  }
0x123: {  	s25 =	simm.s32 @!p5 $0x80;
	s24 =	sadd.s32 @!p5 $0x380, s4;
	[sflag:s26] =	ssyncadd.s32 $0xFFFFDC00  }
.LBB2_9:
0x124: {  	[tilespmem:s23], [sflag:$0x4] =	stream.indirect.gather @!p5 [hbm4b:s5+s25], $0x48, s24, s25, $0xb8;
	[tilespmem:$0x1DC00] =	vst v63  }
0x125: {  	_ =	swait.ge [sflag:s8], $0x2400  }
0x126: {  	[sflag:s8] =	ssyncset.done $0x0  }
0x127: {  	s4 =	rddreg [dreg:$0x17];
	[sflag:s8] =	ssyncadd.s32 $0xFFFFDC00  }
0x128: {  	[spmem:s3] =	stream.indirect.scatter.add.f32 [tilespmem:s29], [sflag:$0x5], $0x48, s4, s30, $0xb8;
	[tilespmem:$0x1DC00] =	vst v63  }
0x129: {  	_ =	swait.ge [sflag:s26], $0x2400  }
0x12a: {  	[sflag:s26] =	ssyncset.done $0x0  }
0x12b: {  	s12 =	simm.s32 @!p0 $0x9800;
	s4 =	simm.s32 @!p0 $0x80;
	[sflag:s26] =	ssyncadd.s32 $0xFFFFDC00  }
0x12c: {  	[tilespmem:s12], [sflag:$0x1] =	stream.indirect.gather @!p0 [hbm4b:s5+s4], $0x48, s13, s4, $0xb8;
	[tilespmem:$0x1DC00] =	vst v63  }
0x12d: {  	_ =	swait.ge [sflag:s11], $0x2400  }
0x12e: {  	[sflag:s11] =	ssyncset.done $0x0  }
0x12f: {  	[sflag:s11] =	ssyncadd.s32 $0xFFFFDC00  }
0x130: {  	[spmem:s3] =	stream.indirect.scatter.add.f32 [tilespmem:s31], [sflag:$0x5], $0x48, s14, s30, $0xb8;
	[tilespmem:$0x1DC00] =	vst v63  }
0x131: {  	_ =	swait.ge [sflag:s26], $0x2400  }
0x132: {  	[sflag:s26] =	ssyncset.done $0x0  }
0x133: {  	s4 =	simm.s32 @!p1 $0x80;
	s12 =	simm.s32 @!p1 $0xBC00;
	[sflag:s26] =	ssyncadd.s32 $0xFFFFDC00  }
0x134: {  	[tilespmem:s12], [sflag:$0x2] =	stream.indirect.gather @!p1 [hbm4b:s5+s4], $0x48, s15, s4, $0xb8;
	[tilespmem:$0x1DC00] =	vst v63  }
0x135: {  	_ =	swait.ge [sflag:s2], $0x2400  }
0x136: {  	[sflag:s2] =	ssyncset.done $0x0  }
0x137: {  	[sflag:s2] =	ssyncadd.s32 $0xFFFFDC00  }
0x138: {  	[spmem:s3] =	stream.indirect.scatter.add.f32 [tilespmem:s0], [sflag:$0x5], $0x48, s16, s30, $0xb8;
	[tilespmem:$0x1DC00] =	vst v63  }
0x139: {  	_ =	swait.ge [sflag:s26], $0x2400  }
0x13a: {  	[sflag:s26] =	ssyncset.done $0x0  }
0x13b: {  	s4 =	simm.s32 @!p2 $0x80;
	s12 =	simm.s32 @!p2 $0xE000;
	[sflag:s26] =	ssyncadd.s32 $0xFFFFDC00  }
0x13c: {  	[tilespmem:s12], [sflag:$0x3] =	stream.indirect.gather @!p2 [hbm4b:s5+s4], $0x48, s17, s4, $0xb8;
	[tilespmem:$0x1DC00] =	vst v63  }
0x13d: {  	_ =	swait.ge [sflag:s28], $0x2400  }
0x13e: {  	[sflag:s28] =	ssyncset.done $0x0  }
0x13f: {  	[sflag:s28] =	ssyncadd.s32 $0xFFFFDC00  }
0x140: {  	[spmem:s3] =	stream.indirect.scatter.add.f32 [tilespmem:s7], [sflag:$0x5], $0x48, s18, s30, $0xb8;
	[tilespmem:$0x1DC00] =	vst v63  }
0x141: {  	_ =	swait.ge [sflag:s26], $0x2400  }
0x142: {  	[sflag:s26] =	ssyncset.done $0x0  }
0x143: {  	s4 =	simm.s32 @!p3 $0x80;
	s12 =	simm.s32 @!p3 $0x10400;
	[sflag:s26] =	ssyncadd.s32 $0xFFFFDC00  }
0x144: {  	[tilespmem:s12], [sflag:$0x4] =	stream.indirect.gather @!p3 [hbm4b:s5+s4], $0x48, s19, s4, $0xb8;
	[tilespmem:$0x1DC00] =	vst v63  }
0x145: {  	[bflag:$0x0] =	sbarrier.arrive $0xFFFF  }
0x146: {  	s24 =	rddreg [dreg:$0x7]  }
0x147: {  	[tilespmem:s29], [sflag:$0x5] =	stream.linear.gather [spmem:s24], $0x2400, $0x38;
	[tilespmem:$0x1DC00] =	vst v63  }
0x148: {  	_ =	swait.ge [sflag:s26], $0x2400  }
0x149: {  	s14 =	sadd.s32 $0x16800, s9;
	[sflag:s26] =	ssyncset.done $0x0;
	s15 =	rddreg [dreg:$0xe]  }
0x14a: {  	s13 =	simm.s32 $0x0;
	[sflag:s26] =	ssyncadd.s32 $0xFFFFDC00;
	s12 =	sadd.s32 s15, s14  }
0x14b: {  	[hbm4b:s12+s13] =	stream.linear.scatter [tilespmem:s29], [sflag:$0x5], $0x2400, $0x38;
	[tilespmem:$0x1DC00] =	vst v63  }
0x14c: {  	_ =	swait.ge [sflag:s26], $0x2400  }
0x14d: {  	[sflag:s26] =	ssyncset.done $0x0  }
0x14e: {  	s16 =	rddreg [dreg:$0xf];
	[sflag:s26] =	ssyncadd.s32 $0xFFFFDC00  }
0x14f: {  	[tilespmem:s29], [sflag:$0x5] =	stream.linear.gather [spmem:s16], $0x2400, $0x38;
	[tilespmem:$0x1DC00] =	vst v63  }
0x150: {  	_ =	swait.ge [sflag:s26], $0x2400  }
0x151: {  	[sflag:s26] =	ssyncset.done $0x0;
	s17 =	rddreg [dreg:$0x10]  }
0x152: {  	[sflag:s26] =	ssyncadd.s32 $0xFFFFDC00;
	s12 =	sadd.s32 s17, s14  }
0x153: {  	[hbm4b:s12+s13] =	stream.linear.scatter [tilespmem:s29], [sflag:$0x5], $0x2400, $0x38;
	[tilespmem:$0x1DC00] =	vst v63  }
0x154: {  	_ =	swait.ge [sflag:s26], $0x2400  }
0x155: {  	[sflag:s26] =	ssyncset.done $0x0  }
0x156: {  	s18 =	rddreg [dreg:$0x11];
	[sflag:s26] =	ssyncadd.s32 $0xFFFFDC00  }
0x157: {  	[tilespmem:s29], [sflag:$0x5] =	stream.linear.gather [spmem:s18], $0x2400, $0x38;
	[tilespmem:$0x1DC00] =	vst v63  }
0x158: {  	_ =	swait.ge [sflag:s26], $0x2400  }
0x159: {  	[sflag:s26] =	ssyncset.done $0x0;
	s19 =	rddreg [dreg:$0x12]  }
0x15a: {  	[sflag:s26] =	ssyncadd.s32 $0xFFFFDC00;
	s12 =	sadd.s32 s19, s14  }
0x15b: {  	[hbm4b:s12+s13] =	stream.linear.scatter [tilespmem:s29], [sflag:$0x5], $0x2400, $0x38;
	[tilespmem:$0x1DC00] =	vst v63  }
0x15c: {  	_ =	swait.ge [sflag:s26], $0x2400  }
0x15d: {  	[sflag:s26] =	ssyncset.done $0x0  }
0x15e: {  	s20 =	rddreg [dreg:$0x13];
	[sflag:s26] =	ssyncadd.s32 $0xFFFFDC00  }
0x15f: {  	[tilespmem:s29], [sflag:$0x5] =	stream.linear.gather [spmem:s20], $0x2400, $0x38;
	[tilespmem:$0x1DC00] =	vst v63  }
0x160: {  	_ =	swait.ge [sflag:s26], $0x2400  }
0x161: {  	[sflag:s26] =	ssyncset.done $0x0;
	s21 =	rddreg [dreg:$0x14]  }
0x162: {  	[sflag:s26] =	ssyncadd.s32 $0xFFFFDC00;
	s12 =	sadd.s32 s21, s14  }
0x163: {  	[hbm4b:s12+s13] =	stream.linear.scatter [tilespmem:s29], [sflag:$0x5], $0x2400, $0x38;
	[tilespmem:$0x1DC00] =	vst v63  }
0x164: {  	_ =	swait.ge [sflag:s26], $0x2400  }
0x165: {  	[sflag:s26] =	ssyncset.done $0x0  }
0x166: {  	s22 =	rddreg [dreg:$0x15];
	[sflag:s26] =	ssyncadd.s32 $0xFFFFDC00  }
0x167: {  	[tilespmem:s29], [sflag:$0x5] =	stream.linear.gather [spmem:s22], $0x2400, $0x38;
	[tilespmem:$0x1DC00] =	vst v63  }
0x168: {  	_ =	swait.ge [sflag:s26], $0x2400  }
0x169: {  	[sflag:s26] =	ssyncset.done $0x0;
	s23 =	rddreg [dreg:$0x16]  }
0x16a: {  	[sflag:s26] =	ssyncadd.s32 $0xFFFFDC00;
	s4 =	sadd.s32 s23, s14  }
0x16b: {  	[hbm4b:s4+s13] =	stream.linear.scatter [tilespmem:s29], [sflag:$0x5], $0x2400, $0x38;
	[tilespmem:$0x1DC00] =	vst v63  }
0x16c: {  	_ =	swait.ge [sflag:s26], $0x2400  }
0x16d: {  	s10 =	sadd.s32 $0x1, s10;
	s25 =	rddreg [dreg:$0x8]  }
0x16e: {  	p0 =	sne.s32 s10, s25  }
.Ltmp5:
0x16f: {  	_ = 	snop;
	(pc) =	sbr.rel @p0 .LBB2_1-.Ltmp5, $3  }
0x170: {  	_ =	sdelay $0x1  }
0x171: {  	[sflag:s26] =	ssyncset.done $0x0  }
0x172: {  	[sflag:s26] =	ssyncadd.s32 $0xFFFFDC00;
	s25 =	rddreg [dreg:$0x9]  }
0x173: {  	_ =	sfence.sel $0x180000  }
0x174: {  	[bflag:$0x0] =	sbarrier.arrive $0xFFFF  }
0x175: {  	_ =	strace $0x90000047  }
0x176: {  	s0 =	stileid.u32;
	[bflag:$0x2] =	sbarrier.arrive $0xFFFF  }
0x177: {  	p0 =	sne.s32 s0, $0x0;
	s0 =	rddreg [dreg:$0x3]  }
0x178: {  	s0 =	sadd.s32 @!p0 $0x100000, s0  }
0x179: {  	[sflag:s0] =	ssyncadd.tile.s32 @!p0 $0x1;
	_ =	shalt  }
.Lfunc_end2:
_tile_overlayer_lowered:
.L_overlay_start_2:
0x17a: {  	(tag) =	ssettag $0x2  }
0x17b: {  	s0 =	rddreg [dreg:$0x0];
	s2 =	stileid.u32  }
0x17c: {  	s1 =	rddreg [dreg:$0x1];
	p0 =	sne.s32 s2, $0x0  }
0x17d: {  	s3 =	rddreg [dreg:$0x2];
	[bflag:$0x3] =	sbarrier.arrive $0xFFFF;
	s2 =	simm.s32 @!p0 $0x1C05  }
0x17e: {  	[timem:s3], [sflag:s2] =	dma.local @!p0 [hbm:s0], s1  }
0x17f: {  	s0 =	simm.s32 @!p0 $0x5  }
0x180: {  	_ =	swait.ge @!p0 [sflag:s0], s1  }
0x181: {  	s1 =	ssub.s32 @!p0 $0x0, s1;
	[sflag:s0] =	ssyncset.done @!p0 $0x0  }
0x182: {  	[sflag:s0] =	ssyncadd.s32 @!p0 s1  }
0x183: {  	[bflag:$0x3] =	sbarrier.arrive $0xFFFF  }
0x184: {  	_ =	shalt  }

</sc_bundles>
